<compile_context>
chip_gen: v7x
topology: tpu7x:2x2x1
jax: 0.10.2.dev20260603
libtpu: 0.0.44.dev20260713+nightly
codegen_flags: <defaults>
</compile_context>

<pallas_src>
import functools

import jax
import jax.numpy as jnp
from jax import lax
from jax.experimental import pallas as pl
from jax.experimental.pallas import tpu as pltpu
from jax.experimental.pallas import tpu_sc as plsc

_CHUNK = 128
_NC = 2
_NS = 16
_NW = _NC * _NS
_WBC = 25600
_SPB = 8


@functools.lru_cache(maxsize=None)
def _make_gather(n_total, hidden, batch, k):
    per_w = n_total // _NW
    n_chunks = per_w // _CHUNK
    n_groups = n_chunks // k
    n_pairs = n_groups // 2
    cpp = batch // _CHUNK
    hpp = cpp // 2
    rpp = batch // 2
    assert n_total == per_w * _NW
    assert n_chunks * _CHUNK == per_w
    assert n_groups * k == n_chunks and n_pairs * 2 == n_groups
    mesh = plsc.VectorSubcoreMesh(core_axis_name="c", subcore_axis_name="s")

    @functools.partial(
        pl.kernel,
        out_type=jax.ShapeDtypeStruct((n_total // 2, 2 * hidden), jnp.float32),
        mesh=mesh,
        scratch_types=[
            pltpu.VMEM((n_chunks, _CHUNK), jnp.int32),
            pltpu.VMEM((2 * k, _CHUNK, hidden), jnp.float32),
            pltpu.SemaphoreType.DMA,
            pltpu.SemaphoreType.DMA,
            pltpu.SemaphoreType.DMA,
            pltpu.SemaphoreType.DMA,
        ],
        compiler_params=pltpu.CompilerParams(use_tc_tiling_on_sc=False),
    )
    def gather_kernel(idx_hbm, table_hbm, out_hbm, idx_v, rows_v,
                      gsem_a, gsem_b, osem_a, osem_b):
        wid = lax.axis_index("s") * _NC + lax.axis_index("c")
        pltpu.sync_copy(idx_hbm.at[pl.ds(wid * n_chunks, n_chunks)], idx_v)
        gsems = (gsem_a, gsem_b)
        osems = (osem_a, osem_b)

        def out_slice(g, b):
            cg = wid * n_chunks + g * k + b
            s = cg // cpp
            t = cg - s * cpp
            row = s * rpp + (t % hpp) * _CHUNK
            col = (t // hpp) * hidden
            return out_hbm.at[pl.ds(row, _CHUNK), pl.ds(col, hidden)]

        def fire_gathers(g, half):
            for b in range(k):
                pltpu.async_copy(
                    table_hbm.at[idx_v.at[g * k + b]],
                    rows_v.at[half * k + b],
                    gsems[half],
                )

        def drain_gathers(g, half):
            for b in range(k):
                pltpu.make_async_copy(
                    table_hbm.at[idx_v.at[g * k + b]],
                    rows_v.at[half * k + b],
                    gsems[half],
                ).wait()

        def fire_outs(g, half):
            for b in range(k):
                pltpu.async_copy(
                    rows_v.at[half * k + b],
                    out_slice(g, b),
                    osems[half],
                )

        def drain_outs(g, half):
            for b in range(k):
                pltpu.make_async_copy(
                    rows_v.at[half * k + b],
                    out_slice(g, b),
                    osems[half],
                ).wait()

        fire_gathers(0, 0)

        def pair_body(p, carry):
            ga = 2 * p
            gb = ga + 1

            @pl.when(p > 0)
            def _():
                drain_outs(ga - 1, 1)

            fire_gathers(gb, 1)
            drain_gathers(ga, 0)
            fire_outs(ga, 0)
            drain_outs(ga, 0)

            @pl.when(p + 1 < n_pairs)
            def _():
                fire_gathers(ga + 2, 0)

            drain_gathers(gb, 1)
            fire_outs(gb, 1)
            return carry

        lax.fori_loop(0, n_pairs, pair_body, 0)
        drain_outs(n_groups - 1, 1)

    return gather_kernel


def _w_repack_body(x_ref, o_ref):
    x = x_ref[...]
    half = _WBC // 2
    stacked = jnp.concatenate([x[:, :half], x[:, half:]], axis=0)
    o_ref[...] = jnp.transpose(stacked)


def _out_repack_body(x_ref, o_ref):
    z = jnp.transpose(x_ref[...])
    for p in range(_SPB):
        zp = z[:, p * 2048:(p + 1) * 2048]
        o_ref[p] = jnp.concatenate([zp[:64], zp[64:]], axis=1)


def kernel(indices, W):
    B, S = indices.shape
    n_total = B * S
    hidden = W.shape[1]
    n_rows = W.shape[0]
    n_blocks = (n_rows + _WBC - 1) // _WBC

    wt = jnp.transpose(W)
    w_flat = pl.pallas_call(
        _w_repack_body,
        grid=(n_blocks,),
        in_specs=[pl.BlockSpec((hidden, _WBC), lambda i: (0, i))],
        out_specs=pl.BlockSpec((_WBC // 2, 2 * hidden), lambda i: (i, 0)),
        out_shape=jax.ShapeDtypeStruct((n_blocks * _WBC // 2, 2 * hidden),
                                       jnp.float32),
    )(wt)
    w_lin = w_flat.reshape(n_blocks * _WBC, hidden)

    flat = jnp.transpose(indices.astype(jnp.int32)).reshape(-1)
    blk = flat // _WBC
    m = flat - blk * _WBC
    g = blk * _WBC + 2 * (m % (_WBC // 2)) + m // (_WBC // 2)
    idx2d = g.reshape(n_total // _CHUNK, _CHUNK)
    staged = _make_gather(n_total, hidden, B, 5)(idx2d, w_lin)

    out3 = pl.pallas_call(
        _out_repack_body,
        grid=(S // _SPB,),
        in_specs=[pl.BlockSpec((_SPB * B // 2, 2 * hidden), lambda i: (i, 0))],
        out_specs=pl.BlockSpec((_SPB, hidden, B), lambda i: (i, 0, 0)),
        out_shape=jax.ShapeDtypeStruct((S, hidden, B), jnp.float32),
    )(staged)
    return jnp.transpose(out3, (2, 0, 1))

# --- scband reference (transcript-rebuilt; emitter-appended) ---
"""Pipeline reference for scband-prompt-encoder-26216480375342 (READ-ONLY COPY).

The authoritative reference and input builder live on the scoring server;
editing this copy changes nothing except your own understanding.
"""

import jax, jax.numpy as jnp
import numpy as np

TEMPLATE_LEN = 1000000
HIDDEN_SIZE = 64


def setup_inputs(seed: int = 0) -> dict:
    key = jax.random.key(seed)
    k_idx, k_w = jax.random.split(key)
    indices = jax.random.randint(k_idx, (4096, 200), 0, TEMPLATE_LEN, dtype=jnp.int64 if jax.config.jax_enable_x64 else jnp.int32)
    # learned embedding table, init normal(0, 0.02) as in the torch module
    W = jax.random.normal(k_w, (TEMPLATE_LEN, HIDDEN_SIZE), dtype=jnp.float32) * 0.02
    return {"indices": indices, "W": W}


def reference(indices, W):
    # nn.Embedding(indices) == gather rows of the table
    return jnp.take(W, indices, axis=0)

if __name__ == "__main__":
    import jax
    _d = setup_inputs()
    print(jax.jit(kernel)(*tuple(_d.values())))

</pallas_src>

<mosaic_0001>
#map = affine_map<(d0, d1) -> (0, 0)>
module attributes {stable_mosaic.version = 14 : i64} {
  func.func @gather_kernel(%arg0: i32, %arg1: i32, %arg2: memref<6400x128xi32, #tpu.memory_space<hbm>>, %arg3: memref<1024000x64xf32, #tpu.memory_space<hbm>>, %arg4: memref<409600x128xf32, #tpu.memory_space<hbm>>, %arg5: memref<200x128xi32, #tpu.memory_space<vmem>>, %arg6: memref<10x128x64xf32, #tpu.memory_space<vmem>>, %arg7: memref<!tpu.dma_semaphore, #tpu.memory_space<semaphore_mem>>, %arg8: memref<!tpu.dma_semaphore, #tpu.memory_space<semaphore_mem>>, %arg9: memref<!tpu.dma_semaphore, #tpu.memory_space<semaphore_mem>>, %arg10: memref<!tpu.dma_semaphore, #tpu.memory_space<semaphore_mem>>) attributes {dimension_semantics = [#tpu.dimension_semantics<core_parallel>, #tpu.dimension_semantics<subcore_parallel>], iteration_bounds = array<i64: 2, 16>, scalar_prefetch = 0 : i64, scratch_operands = 6 : i64, tpu.core_type = #tpu.core_type<sc_vector_subcore>, window_params = [{transform_indices = #map}, {transform_indices = #map}, {transform_indices = #map}]} {
    %mul3A = arith.constant 2 : i32
    %mul3A_0 = arith.muli %arg1, %mul3A : i32
    %add3A = arith.addi %mul3A_0, %arg0 : i32
    %mul3A_1 = arith.constant 200 : i32
    %mul3A_2 = arith.muli %add3A, %mul3A_1 : i32
    "tpu.region"() ({
      %run_scoped3A = tpu.sem_alloc : memref<!tpu.dma_semaphore, #tpu.memory_space<semaphore_mem>>
      %dma_start3A_511 = arith.constant 0 : i32
      %dma_start3A_512 = tpu.memref_slice %arg2[%mul3A_2, %dma_start3A_511] : memref<6400x128xi32, #tpu.memory_space<hbm>> -> memref<200x128xi32, #tpu.memory_space<hbm>>
      %dma_start3A_513 = arith.constant 0 : i32
      %dma_start3A_514 = tpu.memref_slice %arg2[%mul3A_2, %dma_start3A_513] : memref<6400x128xi32, #tpu.memory_space<hbm>> -> memref<200x128xi32, #tpu.memory_space<hbm>>
      tpu.enqueue_dma source(%dma_start3A_514 : memref<200x128xi32, #tpu.memory_space<hbm>>) target(%arg5 : memref<200x128xi32, #tpu.memory_space<vmem>>) target_semaphore(%run_scoped3A : memref<!tpu.dma_semaphore, #tpu.memory_space<semaphore_mem>>)
      %dma_wait3A_515 = arith.constant 0 : i32
      %dma_wait3A_516 = tpu.memref_slice %arg2[%mul3A_2, %dma_wait3A_515] : memref<6400x128xi32, #tpu.memory_space<hbm>> -> memref<200x128xi32, #tpu.memory_space<hbm>>
      %dma_wait3A_517 = arith.constant 0 : i32
      %dma_wait3A_518 = tpu.memref_slice %arg2[%mul3A_2, %dma_wait3A_517] : memref<6400x128xi32, #tpu.memory_space<hbm>> -> memref<200x128xi32, #tpu.memory_space<hbm>>
      tpu.wait_dma2 semaphore(%run_scoped3A : memref<!tpu.dma_semaphore, #tpu.memory_space<semaphore_mem>>) src(%dma_wait3A_518 : memref<200x128xi32, #tpu.memory_space<hbm>>) dst(%arg5 : memref<200x128xi32, #tpu.memory_space<vmem>>)
      tpu.yield
    }) : () -> ()
    %dma_start3A = arith.constant 0 : i32
    %dma_start3A_3 = arith.constant 0 : i32
    %dma_start3A_4 = arith.constant 0 : i32
    %dma_start3A_5 = arith.constant 0 : i32
    %dma_start3A_6 = tpu.memref_slice %arg6[%dma_start3A_3, %dma_start3A_4, %dma_start3A_5] : memref<10x128x64xf32, #tpu.memory_space<vmem>> -> memref<1x128x64xf32, #tpu.memory_space<vmem>>
    %dma_start3A_7 = tpu.memref_squeeze %dma_start3A_6 : memref<1x128x64xf32, #tpu.memory_space<vmem>> -> memref<128x64xf32, #tpu.memory_space<vmem>>
    %dma_start3A_8 = arith.constant 0 : i32
    %dma_start3A_9 = tpu.memref_slice %arg5[%dma_start3A, %dma_start3A_8] : memref<200x128xi32, #tpu.memory_space<vmem>> -> memref<1x128xi32, #tpu.memory_space<vmem>>
    %dma_start3A_10 = tpu.memref_squeeze %dma_start3A_9 : memref<1x128xi32, #tpu.memory_space<vmem>> -> memref<128xi32, #tpu.memory_space<vmem>>
    %dma_start3A_11 = arith.constant 0 : i32
    %dma_start3A_12 = arith.constant 0 : i32
    %dma_start3A_13 = tpu.memref_slice %arg3[%dma_start3A_11, %dma_start3A_12] : memref<1024000x64xf32, #tpu.memory_space<hbm>> -> memref<1024000x64xf32, #tpu.memory_space<hbm>>
    tpu.enqueue_indirect_dma source(%dma_start3A_13 : memref<1024000x64xf32, #tpu.memory_space<hbm>>) target(%dma_start3A_7 : memref<128x64xf32, #tpu.memory_space<vmem>>) offsets(%dma_start3A_10 : memref<128xi32, #tpu.memory_space<vmem>>) semaphore(%arg7 : memref<!tpu.dma_semaphore, #tpu.memory_space<semaphore_mem>>)
    %dma_start3A_14 = arith.constant 1 : i32
    %dma_start3A_15 = arith.constant 1 : i32
    %dma_start3A_16 = arith.constant 0 : i32
    %dma_start3A_17 = arith.constant 0 : i32
    %dma_start3A_18 = tpu.memref_slice %arg6[%dma_start3A_15, %dma_start3A_16, %dma_start3A_17] : memref<10x128x64xf32, #tpu.memory_space<vmem>> -> memref<1x128x64xf32, #tpu.memory_space<vmem>>
    %dma_start3A_19 = tpu.memref_squeeze %dma_start3A_18 : memref<1x128x64xf32, #tpu.memory_space<vmem>> -> memref<128x64xf32, #tpu.memory_space<vmem>>
    %dma_start3A_20 = arith.constant 0 : i32
    %dma_start3A_21 = tpu.memref_slice %arg5[%dma_start3A_14, %dma_start3A_20] : memref<200x128xi32, #tpu.memory_space<vmem>> -> memref<1x128xi32, #tpu.memory_space<vmem>>
    %dma_start3A_22 = tpu.memref_squeeze %dma_start3A_21 : memref<1x128xi32, #tpu.memory_space<vmem>> -> memref<128xi32, #tpu.memory_space<vmem>>
    %dma_start3A_23 = arith.constant 0 : i32
    %dma_start3A_24 = arith.constant 0 : i32
    %dma_start3A_25 = tpu.memref_slice %arg3[%dma_start3A_23, %dma_start3A_24] : memref<1024000x64xf32, #tpu.memory_space<hbm>> -> memref<1024000x64xf32, #tpu.memory_space<hbm>>
    tpu.enqueue_indirect_dma source(%dma_start3A_25 : memref<1024000x64xf32, #tpu.memory_space<hbm>>) target(%dma_start3A_19 : memref<128x64xf32, #tpu.memory_space<vmem>>) offsets(%dma_start3A_22 : memref<128xi32, #tpu.memory_space<vmem>>) semaphore(%arg7 : memref<!tpu.dma_semaphore, #tpu.memory_space<semaphore_mem>>)
    %dma_start3A_26 = arith.constant 2 : i32
    %dma_start3A_27 = arith.constant 2 : i32
    %dma_start3A_28 = arith.constant 0 : i32
    %dma_start3A_29 = arith.constant 0 : i32
    %dma_start3A_30 = tpu.memref_slice %arg6[%dma_start3A_27, %dma_start3A_28, %dma_start3A_29] : memref<10x128x64xf32, #tpu.memory_space<vmem>> -> memref<1x128x64xf32, #tpu.memory_space<vmem>>
    %dma_start3A_31 = tpu.memref_squeeze %dma_start3A_30 : memref<1x128x64xf32, #tpu.memory_space<vmem>> -> memref<128x64xf32, #tpu.memory_space<vmem>>
    %dma_start3A_32 = arith.constant 0 : i32
    %dma_start3A_33 = tpu.memref_slice %arg5[%dma_start3A_26, %dma_start3A_32] : memref<200x128xi32, #tpu.memory_space<vmem>> -> memref<1x128xi32, #tpu.memory_space<vmem>>
    %dma_start3A_34 = tpu.memref_squeeze %dma_start3A_33 : memref<1x128xi32, #tpu.memory_space<vmem>> -> memref<128xi32, #tpu.memory_space<vmem>>
    %dma_start3A_35 = arith.constant 0 : i32
    %dma_start3A_36 = arith.constant 0 : i32
    %dma_start3A_37 = tpu.memref_slice %arg3[%dma_start3A_35, %dma_start3A_36] : memref<1024000x64xf32, #tpu.memory_space<hbm>> -> memref<1024000x64xf32, #tpu.memory_space<hbm>>
    tpu.enqueue_indirect_dma source(%dma_start3A_37 : memref<1024000x64xf32, #tpu.memory_space<hbm>>) target(%dma_start3A_31 : memref<128x64xf32, #tpu.memory_space<vmem>>) offsets(%dma_start3A_34 : memref<128xi32, #tpu.memory_space<vmem>>) semaphore(%arg7 : memref<!tpu.dma_semaphore, #tpu.memory_space<semaphore_mem>>)
    %dma_start3A_38 = arith.constant 3 : i32
    %dma_start3A_39 = arith.constant 3 : i32
    %dma_start3A_40 = arith.constant 0 : i32
    %dma_start3A_41 = arith.constant 0 : i32
    %dma_start3A_42 = tpu.memref_slice %arg6[%dma_start3A_39, %dma_start3A_40, %dma_start3A_41] : memref<10x128x64xf32, #tpu.memory_space<vmem>> -> memref<1x128x64xf32, #tpu.memory_space<vmem>>
    %dma_start3A_43 = tpu.memref_squeeze %dma_start3A_42 : memref<1x128x64xf32, #tpu.memory_space<vmem>> -> memref<128x64xf32, #tpu.memory_space<vmem>>
    %dma_start3A_44 = arith.constant 0 : i32
    %dma_start3A_45 = tpu.memref_slice %arg5[%dma_start3A_38, %dma_start3A_44] : memref<200x128xi32, #tpu.memory_space<vmem>> -> memref<1x128xi32, #tpu.memory_space<vmem>>
    %dma_start3A_46 = tpu.memref_squeeze %dma_start3A_45 : memref<1x128xi32, #tpu.memory_space<vmem>> -> memref<128xi32, #tpu.memory_space<vmem>>
    %dma_start3A_47 = arith.constant 0 : i32
    %dma_start3A_48 = arith.constant 0 : i32
    %dma_start3A_49 = tpu.memref_slice %arg3[%dma_start3A_47, %dma_start3A_48] : memref<1024000x64xf32, #tpu.memory_space<hbm>> -> memref<1024000x64xf32, #tpu.memory_space<hbm>>
    tpu.enqueue_indirect_dma source(%dma_start3A_49 : memref<1024000x64xf32, #tpu.memory_space<hbm>>) target(%dma_start3A_43 : memref<128x64xf32, #tpu.memory_space<vmem>>) offsets(%dma_start3A_46 : memref<128xi32, #tpu.memory_space<vmem>>) semaphore(%arg7 : memref<!tpu.dma_semaphore, #tpu.memory_space<semaphore_mem>>)
    %dma_start3A_50 = arith.constant 4 : i32
    %dma_start3A_51 = arith.constant 4 : i32
    %dma_start3A_52 = arith.constant 0 : i32
    %dma_start3A_53 = arith.constant 0 : i32
    %dma_start3A_54 = tpu.memref_slice %arg6[%dma_start3A_51, %dma_start3A_52, %dma_start3A_53] : memref<10x128x64xf32, #tpu.memory_space<vmem>> -> memref<1x128x64xf32, #tpu.memory_space<vmem>>
    %dma_start3A_55 = tpu.memref_squeeze %dma_start3A_54 : memref<1x128x64xf32, #tpu.memory_space<vmem>> -> memref<128x64xf32, #tpu.memory_space<vmem>>
    %dma_start3A_56 = arith.constant 0 : i32
    %dma_start3A_57 = tpu.memref_slice %arg5[%dma_start3A_50, %dma_start3A_56] : memref<200x128xi32, #tpu.memory_space<vmem>> -> memref<1x128xi32, #tpu.memory_space<vmem>>
    %dma_start3A_58 = tpu.memref_squeeze %dma_start3A_57 : memref<1x128xi32, #tpu.memory_space<vmem>> -> memref<128xi32, #tpu.memory_space<vmem>>
    %dma_start3A_59 = arith.constant 0 : i32
    %dma_start3A_60 = arith.constant 0 : i32
    %dma_start3A_61 = tpu.memref_slice %arg3[%dma_start3A_59, %dma_start3A_60] : memref<1024000x64xf32, #tpu.memory_space<hbm>> -> memref<1024000x64xf32, #tpu.memory_space<hbm>>
    tpu.enqueue_indirect_dma source(%dma_start3A_61 : memref<1024000x64xf32, #tpu.memory_space<hbm>>) target(%dma_start3A_55 : memref<128x64xf32, #tpu.memory_space<vmem>>) offsets(%dma_start3A_58 : memref<128xi32, #tpu.memory_space<vmem>>) semaphore(%arg7 : memref<!tpu.dma_semaphore, #tpu.memory_space<semaphore_mem>>)
    %scan3A = arith.constant 0 : i32
    %scan3A_62 = arith.constant 0 : i32
    %scan3A_63 = arith.constant 20 : i32
    %scan3A_64 = arith.addi %scan3A_62, %scan3A_63 : i32
    %scan3A_65 = arith.constant 1 : i32
    scf.for %scan3A_511 = %scan3A_62 to %scan3A_64 step %scan3A_65  : i32 {
      %mul3A_512 = arith.constant 2 : i32
      %mul3A_513 = arith.muli %mul3A_512, %scan3A_511 : i32
      %add3A_514 = arith.constant 1 : i32
      %add3A_515 = arith.addi %mul3A_513, %add3A_514 : i32
      %gt3A = arith.constant 0 : i32
      %gt3A_516 = arith.cmpi sgt, %scan3A_511, %gt3A : i32
      %convert_element_type3A = arith.extui %gt3A_516 : i1 to i32
      %cond3A = arith.constant 0 : i32
      %cond3A_517 = arith.cmpi ne, %convert_element_type3A, %cond3A : i32
      scf.if %cond3A_517 {
        %sub3A_2130 = arith.constant 1 : i32
        %sub3A_2131 = arith.subi %mul3A_513, %sub3A_2130 : i32
        %mul3A_2132 = arith.constant 200 : i32
        %mul3A_2133 = arith.muli %add3A, %mul3A_2132 : i32
        %mul3A_2134 = arith.constant 5 : i32
        %mul3A_2135 = arith.muli %sub3A_2131, %mul3A_2134 : i32
        %add3A_2136 = arith.addi %mul3A_2133, %mul3A_2135 : i32
        %add3A_2137 = arith.constant 0 : i32
        %add3A_2138 = arith.addi %add3A_2136, %add3A_2137 : i32
        %jit3A_2139 = arith.constant 32 : i32
        %div3A_2140 = arith.divsi %add3A_2138, %jit3A_2139 : i32
        %sign3A_2141 = arith.constant 0 : i32
        %sign3A_2142 = arith.cmpi sgt, %add3A_2138, %sign3A_2141 : i32
        %sign3A_2143 = arith.extui %sign3A_2142 : i1 to i32
        %sign3A_2144 = arith.constant 0 : i32
        %sign3A_2145 = arith.cmpi slt, %add3A_2138, %sign3A_2144 : i32
        %sign3A_2146 = arith.extui %sign3A_2145 : i1 to i32
        %sign3A_2147 = arith.subi %sign3A_2143, %sign3A_2146 : i32
        %sign3A_2148 = arith.constant 0 : i32
        %sign3A_2149 = arith.cmpi sgt, %jit3A_2139, %sign3A_2148 : i32
        %sign3A_2150 = arith.extui %sign3A_2149 : i1 to i32
        %sign3A_2151 = arith.constant 0 : i32
        %sign3A_2152 = arith.cmpi slt, %jit3A_2139, %sign3A_2151 : i32
        %sign3A_2153 = arith.extui %sign3A_2152 : i1 to i32
        %sign3A_2154 = arith.subi %sign3A_2150, %sign3A_2153 : i32
        %ne3A_2155 = arith.cmpi ne, %sign3A_2147, %sign3A_2154 : i32
        %rem3A_2156 = arith.remsi %add3A_2138, %jit3A_2139 : i32
        %ne3A_2157 = arith.constant 0 : i32
        %ne3A_2158 = arith.cmpi ne, %rem3A_2156, %ne3A_2157 : i32
        %and3A_2159 = arith.andi %ne3A_2155, %ne3A_2158 : i1
        %sub3A_2160 = arith.constant 1 : i32
        %sub3A_2161 = arith.subi %div3A_2140, %sub3A_2160 : i32
        %select_n3A_2162 = arith.select %and3A_2159, %sub3A_2161, %div3A_2140 : i32
        %mul3A_2163 = arith.constant 32 : i32
        %mul3A_2164 = arith.muli %select_n3A_2162, %mul3A_2163 : i32
        %sub3A_2165 = arith.subi %add3A_2138, %mul3A_2164 : i32
        %mul3A_2166 = arith.constant 2048 : i32
        %mul3A_2167 = arith.muli %select_n3A_2162, %mul3A_2166 : i32
        %jit3A_2168 = arith.constant 16 : i32
        %eq3A_2169 = arith.constant 0 : i32
        %eq3A_2170 = arith.cmpi eq, %jit3A_2168, %eq3A_2169 : i32
        %jit3A_2171 = arith.constant 1 : i32
        %select_n3A_2172 = arith.select %eq3A_2170, %jit3A_2171, %jit3A_2168 : i32
        %rem3A_2173 = arith.remsi %sub3A_2165, %select_n3A_2172 : i32
        %ne3A_2174 = arith.constant 0 : i32
        %ne3A_2175 = arith.cmpi ne, %rem3A_2173, %ne3A_2174 : i32
        %lt3A_2176 = arith.constant 0 : i32
        %lt3A_2177 = arith.cmpi slt, %rem3A_2173, %lt3A_2176 : i32
        %lt3A_2178 = arith.constant 0 : i32
        %lt3A_2179 = arith.cmpi slt, %select_n3A_2172, %lt3A_2178 : i32
        %ne3A_2180 = arith.xori %lt3A_2177, %lt3A_2179 : i1
        %and3A_2181 = arith.andi %ne3A_2180, %ne3A_2175 : i1
        %add3A_2182 = arith.addi %rem3A_2173, %select_n3A_2172 : i32
        %select_n3A_2183 = arith.select %and3A_2181, %add3A_2182, %rem3A_2173 : i32
        %mul3A_2184 = arith.constant 128 : i32
        %mul3A_2185 = arith.muli %select_n3A_2183, %mul3A_2184 : i32
        %add3A_2186 = arith.addi %mul3A_2167, %mul3A_2185 : i32
        %jit3A_2187 = arith.constant 16 : i32
        %div3A_2188 = arith.divsi %sub3A_2165, %jit3A_2187 : i32
        %sign3A_2189 = arith.constant 0 : i32
        %sign3A_2190 = arith.cmpi sgt, %sub3A_2165, %sign3A_2189 : i32
        %sign3A_2191 = arith.extui %sign3A_2190 : i1 to i32
        %sign3A_2192 = arith.constant 0 : i32
        %sign3A_2193 = arith.cmpi slt, %sub3A_2165, %sign3A_2192 : i32
        %sign3A_2194 = arith.extui %sign3A_2193 : i1 to i32
        %sign3A_2195 = arith.subi %sign3A_2191, %sign3A_2194 : i32
        %sign3A_2196 = arith.constant 0 : i32
        %sign3A_2197 = arith.cmpi sgt, %jit3A_2187, %sign3A_2196 : i32
        %sign3A_2198 = arith.extui %sign3A_2197 : i1 to i32
        %sign3A_2199 = arith.constant 0 : i32
        %sign3A_2200 = arith.cmpi slt, %jit3A_2187, %sign3A_2199 : i32
        %sign3A_2201 = arith.extui %sign3A_2200 : i1 to i32
        %sign3A_2202 = arith.subi %sign3A_2198, %sign3A_2201 : i32
        %ne3A_2203 = arith.cmpi ne, %sign3A_2195, %sign3A_2202 : i32
        %rem3A_2204 = arith.remsi %sub3A_2165, %jit3A_2187 : i32
        %ne3A_2205 = arith.constant 0 : i32
        %ne3A_2206 = arith.cmpi ne, %rem3A_2204, %ne3A_2205 : i32
        %and3A_2207 = arith.andi %ne3A_2203, %ne3A_2206 : i1
        %sub3A_2208 = arith.constant 1 : i32
        %sub3A_2209 = arith.subi %div3A_2188, %sub3A_2208 : i32
        %select_n3A_2210 = arith.select %and3A_2207, %sub3A_2209, %div3A_2188 : i32
        %mul3A_2211 = arith.constant 64 : i32
        %mul3A_2212 = arith.muli %select_n3A_2210, %mul3A_2211 : i32
        %dma_wait3A_2213 = arith.constant 5 : i32
        %dma_wait3A_2214 = arith.constant 0 : i32
        %dma_wait3A_2215 = arith.constant 0 : i32
        %dma_wait3A_2216 = tpu.memref_slice %arg6[%dma_wait3A_2213, %dma_wait3A_2214, %dma_wait3A_2215] : memref<10x128x64xf32, #tpu.memory_space<vmem>> -> memref<1x128x64xf32, #tpu.memory_space<vmem>>
        %dma_wait3A_2217 = tpu.memref_squeeze %dma_wait3A_2216 : memref<1x128x64xf32, #tpu.memory_space<vmem>> -> memref<128x64xf32, #tpu.memory_space<vmem>>
        %dma_wait3A_2218 = tpu.memref_slice %arg4[%add3A_2186, %mul3A_2212] : memref<409600x128xf32, #tpu.memory_space<hbm>> -> memref<128x64xf32, #tpu.memory_space<hbm>>
        %dma_wait3A_2219 = tpu.memref_slice %arg4[%add3A_2186, %mul3A_2212] : memref<409600x128xf32, #tpu.memory_space<hbm>> -> memref<128x64xf32, #tpu.memory_space<hbm>>
        %dma_wait3A_2220 = arith.constant 0 : i32
        %dma_wait3A_2221 = arith.constant 0 : i32
        %dma_wait3A_2222 = tpu.memref_slice %arg6[%dma_wait3A_2213, %dma_wait3A_2220, %dma_wait3A_2221] : memref<10x128x64xf32, #tpu.memory_space<vmem>> -> memref<1x128x64xf32, #tpu.memory_space<vmem>>
        %dma_wait3A_2223 = tpu.memref_squeeze %dma_wait3A_2222 : memref<1x128x64xf32, #tpu.memory_space<vmem>> -> memref<128x64xf32, #tpu.memory_space<vmem>>
        tpu.wait_dma2 semaphore(%arg10 : memref<!tpu.dma_semaphore, #tpu.memory_space<semaphore_mem>>) src(%dma_wait3A_2223 : memref<128x64xf32, #tpu.memory_space<vmem>>) dst(%dma_wait3A_2219 : memref<128x64xf32, #tpu.memory_space<hbm>>)
        %mul3A_2224 = arith.constant 200 : i32
        %mul3A_2225 = arith.muli %add3A, %mul3A_2224 : i32
        %mul3A_2226 = arith.constant 5 : i32
        %mul3A_2227 = arith.muli %sub3A_2131, %mul3A_2226 : i32
        %add3A_2228 = arith.addi %mul3A_2225, %mul3A_2227 : i32
        %add3A_2229 = arith.constant 1 : i32
        %add3A_2230 = arith.addi %add3A_2228, %add3A_2229 : i32
        %jit3A_2231 = arith.constant 32 : i32
        %div3A_2232 = arith.divsi %add3A_2230, %jit3A_2231 : i32
        %sign3A_2233 = arith.constant 0 : i32
        %sign3A_2234 = arith.cmpi sgt, %add3A_2230, %sign3A_2233 : i32
        %sign3A_2235 = arith.extui %sign3A_2234 : i1 to i32
        %sign3A_2236 = arith.constant 0 : i32
        %sign3A_2237 = arith.cmpi slt, %add3A_2230, %sign3A_2236 : i32
        %sign3A_2238 = arith.extui %sign3A_2237 : i1 to i32
        %sign3A_2239 = arith.subi %sign3A_2235, %sign3A_2238 : i32
        %sign3A_2240 = arith.constant 0 : i32
        %sign3A_2241 = arith.cmpi sgt, %jit3A_2231, %sign3A_2240 : i32
        %sign3A_2242 = arith.extui %sign3A_2241 : i1 to i32
        %sign3A_2243 = arith.constant 0 : i32
        %sign3A_2244 = arith.cmpi slt, %jit3A_2231, %sign3A_2243 : i32
        %sign3A_2245 = arith.extui %sign3A_2244 : i1 to i32
        %sign3A_2246 = arith.subi %sign3A_2242, %sign3A_2245 : i32
        %ne3A_2247 = arith.cmpi ne, %sign3A_2239, %sign3A_2246 : i32
        %rem3A_2248 = arith.remsi %add3A_2230, %jit3A_2231 : i32
        %ne3A_2249 = arith.constant 0 : i32
        %ne3A_2250 = arith.cmpi ne, %rem3A_2248, %ne3A_2249 : i32
        %and3A_2251 = arith.andi %ne3A_2247, %ne3A_2250 : i1
        %sub3A_2252 = arith.constant 1 : i32
        %sub3A_2253 = arith.subi %div3A_2232, %sub3A_2252 : i32
        %select_n3A_2254 = arith.select %and3A_2251, %sub3A_2253, %div3A_2232 : i32
        %mul3A_2255 = arith.constant 32 : i32
        %mul3A_2256 = arith.muli %select_n3A_2254, %mul3A_2255 : i32
        %sub3A_2257 = arith.subi %add3A_2230, %mul3A_2256 : i32
        %mul3A_2258 = arith.constant 2048 : i32
        %mul3A_2259 = arith.muli %select_n3A_2254, %mul3A_2258 : i32
        %jit3A_2260 = arith.constant 16 : i32
        %eq3A_2261 = arith.constant 0 : i32
        %eq3A_2262 = arith.cmpi eq, %jit3A_2260, %eq3A_2261 : i32
        %jit3A_2263 = arith.constant 1 : i32
        %select_n3A_2264 = arith.select %eq3A_2262, %jit3A_2263, %jit3A_2260 : i32
        %rem3A_2265 = arith.remsi %sub3A_2257, %select_n3A_2264 : i32
        %ne3A_2266 = arith.constant 0 : i32
        %ne3A_2267 = arith.cmpi ne, %rem3A_2265, %ne3A_2266 : i32
        %lt3A_2268 = arith.constant 0 : i32
        %lt3A_2269 = arith.cmpi slt, %rem3A_2265, %lt3A_2268 : i32
        %lt3A_2270 = arith.constant 0 : i32
        %lt3A_2271 = arith.cmpi slt, %select_n3A_2264, %lt3A_2270 : i32
        %ne3A_2272 = arith.xori %lt3A_2269, %lt3A_2271 : i1
        %and3A_2273 = arith.andi %ne3A_2272, %ne3A_2267 : i1
        %add3A_2274 = arith.addi %rem3A_2265, %select_n3A_2264 : i32
        %select_n3A_2275 = arith.select %and3A_2273, %add3A_2274, %rem3A_2265 : i32
        %mul3A_2276 = arith.constant 128 : i32
        %mul3A_2277 = arith.muli %select_n3A_2275, %mul3A_2276 : i32
        %add3A_2278 = arith.addi %mul3A_2259, %mul3A_2277 : i32
        %jit3A_2279 = arith.constant 16 : i32
        %div3A_2280 = arith.divsi %sub3A_2257, %jit3A_2279 : i32
        %sign3A_2281 = arith.constant 0 : i32
        %sign3A_2282 = arith.cmpi sgt, %sub3A_2257, %sign3A_2281 : i32
        %sign3A_2283 = arith.extui %sign3A_2282 : i1 to i32
        %sign3A_2284 = arith.constant 0 : i32
        %sign3A_2285 = arith.cmpi slt, %sub3A_2257, %sign3A_2284 : i32
        %sign3A_2286 = arith.extui %sign3A_2285 : i1 to i32
        %sign3A_2287 = arith.subi %sign3A_2283, %sign3A_2286 : i32
        %sign3A_2288 = arith.constant 0 : i32
        %sign3A_2289 = arith.cmpi sgt, %jit3A_2279, %sign3A_2288 : i32
        %sign3A_2290 = arith.extui %sign3A_2289 : i1 to i32
        %sign3A_2291 = arith.constant 0 : i32
        %sign3A_2292 = arith.cmpi slt, %jit3A_2279, %sign3A_2291 : i32
        %sign3A_2293 = arith.extui %sign3A_2292 : i1 to i32
        %sign3A_2294 = arith.subi %sign3A_2290, %sign3A_2293 : i32
        %ne3A_2295 = arith.cmpi ne, %sign3A_2287, %sign3A_2294 : i32
        %rem3A_2296 = arith.remsi %sub3A_2257, %jit3A_2279 : i32
        %ne3A_2297 = arith.constant 0 : i32
        %ne3A_2298 = arith.cmpi ne, %rem3A_2296, %ne3A_2297 : i32
        %and3A_2299 = arith.andi %ne3A_2295, %ne3A_2298 : i1
        %sub3A_2300 = arith.constant 1 : i32
        %sub3A_2301 = arith.subi %div3A_2280, %sub3A_2300 : i32
        %select_n3A_2302 = arith.select %and3A_2299, %sub3A_2301, %div3A_2280 : i32
        %mul3A_2303 = arith.constant 64 : i32
        %mul3A_2304 = arith.muli %select_n3A_2302, %mul3A_2303 : i32
        %dma_wait3A_2305 = arith.constant 6 : i32
        %dma_wait3A_2306 = arith.constant 0 : i32
        %dma_wait3A_2307 = arith.constant 0 : i32
        %dma_wait3A_2308 = tpu.memref_slice %arg6[%dma_wait3A_2305, %dma_wait3A_2306, %dma_wait3A_2307] : memref<10x128x64xf32, #tpu.memory_space<vmem>> -> memref<1x128x64xf32, #tpu.memory_space<vmem>>
        %dma_wait3A_2309 = tpu.memref_squeeze %dma_wait3A_2308 : memref<1x128x64xf32, #tpu.memory_space<vmem>> -> memref<128x64xf32, #tpu.memory_space<vmem>>
        %dma_wait3A_2310 = tpu.memref_slice %arg4[%add3A_2278, %mul3A_2304] : memref<409600x128xf32, #tpu.memory_space<hbm>> -> memref<128x64xf32, #tpu.memory_space<hbm>>
        %dma_wait3A_2311 = tpu.memref_slice %arg4[%add3A_2278, %mul3A_2304] : memref<409600x128xf32, #tpu.memory_space<hbm>> -> memref<128x64xf32, #tpu.memory_space<hbm>>
        %dma_wait3A_2312 = arith.constant 0 : i32
        %dma_wait3A_2313 = arith.constant 0 : i32
        %dma_wait3A_2314 = tpu.memref_slice %arg6[%dma_wait3A_2305, %dma_wait3A_2312, %dma_wait3A_2313] : memref<10x128x64xf32, #tpu.memory_space<vmem>> -> memref<1x128x64xf32, #tpu.memory_space<vmem>>
        %dma_wait3A_2315 = tpu.memref_squeeze %dma_wait3A_2314 : memref<1x128x64xf32, #tpu.memory_space<vmem>> -> memref<128x64xf32, #tpu.memory_space<vmem>>
        tpu.wait_dma2 semaphore(%arg10 : memref<!tpu.dma_semaphore, #tpu.memory_space<semaphore_mem>>) src(%dma_wait3A_2315 : memref<128x64xf32, #tpu.memory_space<vmem>>) dst(%dma_wait3A_2311 : memref<128x64xf32, #tpu.memory_space<hbm>>)
        %mul3A_2316 = arith.constant 200 : i32
        %mul3A_2317 = arith.muli %add3A, %mul3A_2316 : i32
        %mul3A_2318 = arith.constant 5 : i32
        %mul3A_2319 = arith.muli %sub3A_2131, %mul3A_2318 : i32
        %add3A_2320 = arith.addi %mul3A_2317, %mul3A_2319 : i32
        %add3A_2321 = arith.constant 2 : i32
        %add3A_2322 = arith.addi %add3A_2320, %add3A_2321 : i32
        %jit3A_2323 = arith.constant 32 : i32
        %div3A_2324 = arith.divsi %add3A_2322, %jit3A_2323 : i32
        %sign3A_2325 = arith.constant 0 : i32
        %sign3A_2326 = arith.cmpi sgt, %add3A_2322, %sign3A_2325 : i32
        %sign3A_2327 = arith.extui %sign3A_2326 : i1 to i32
        %sign3A_2328 = arith.constant 0 : i32
        %sign3A_2329 = arith.cmpi slt, %add3A_2322, %sign3A_2328 : i32
        %sign3A_2330 = arith.extui %sign3A_2329 : i1 to i32
        %sign3A_2331 = arith.subi %sign3A_2327, %sign3A_2330 : i32
        %sign3A_2332 = arith.constant 0 : i32
        %sign3A_2333 = arith.cmpi sgt, %jit3A_2323, %sign3A_2332 : i32
        %sign3A_2334 = arith.extui %sign3A_2333 : i1 to i32
        %sign3A_2335 = arith.constant 0 : i32
        %sign3A_2336 = arith.cmpi slt, %jit3A_2323, %sign3A_2335 : i32
        %sign3A_2337 = arith.extui %sign3A_2336 : i1 to i32
        %sign3A_2338 = arith.subi %sign3A_2334, %sign3A_2337 : i32
        %ne3A_2339 = arith.cmpi ne, %sign3A_2331, %sign3A_2338 : i32
        %rem3A_2340 = arith.remsi %add3A_2322, %jit3A_2323 : i32
        %ne3A_2341 = arith.constant 0 : i32
        %ne3A_2342 = arith.cmpi ne, %rem3A_2340, %ne3A_2341 : i32
        %and3A_2343 = arith.andi %ne3A_2339, %ne3A_2342 : i1
        %sub3A_2344 = arith.constant 1 : i32
        %sub3A_2345 = arith.subi %div3A_2324, %sub3A_2344 : i32
        %select_n3A_2346 = arith.select %and3A_2343, %sub3A_2345, %div3A_2324 : i32
        %mul3A_2347 = arith.constant 32 : i32
        %mul3A_2348 = arith.muli %select_n3A_2346, %mul3A_2347 : i32
        %sub3A_2349 = arith.subi %add3A_2322, %mul3A_2348 : i32
        %mul3A_2350 = arith.constant 2048 : i32
        %mul3A_2351 = arith.muli %select_n3A_2346, %mul3A_2350 : i32
        %jit3A_2352 = arith.constant 16 : i32
        %eq3A_2353 = arith.constant 0 : i32
        %eq3A_2354 = arith.cmpi eq, %jit3A_2352, %eq3A_2353 : i32
        %jit3A_2355 = arith.constant 1 : i32
        %select_n3A_2356 = arith.select %eq3A_2354, %jit3A_2355, %jit3A_2352 : i32
        %rem3A_2357 = arith.remsi %sub3A_2349, %select_n3A_2356 : i32
        %ne3A_2358 = arith.constant 0 : i32
        %ne3A_2359 = arith.cmpi ne, %rem3A_2357, %ne3A_2358 : i32
        %lt3A_2360 = arith.constant 0 : i32
        %lt3A_2361 = arith.cmpi slt, %rem3A_2357, %lt3A_2360 : i32
        %lt3A_2362 = arith.constant 0 : i32
        %lt3A_2363 = arith.cmpi slt, %select_n3A_2356, %lt3A_2362 : i32
        %ne3A_2364 = arith.xori %lt3A_2361, %lt3A_2363 : i1
        %and3A_2365 = arith.andi %ne3A_2364, %ne3A_2359 : i1
        %add3A_2366 = arith.addi %rem3A_2357, %select_n3A_2356 : i32
        %select_n3A_2367 = arith.select %and3A_2365, %add3A_2366, %rem3A_2357 : i32
        %mul3A_2368 = arith.constant 128 : i32
        %mul3A_2369 = arith.muli %select_n3A_2367, %mul3A_2368 : i32
        %add3A_2370 = arith.addi %mul3A_2351, %mul3A_2369 : i32
        %jit3A_2371 = arith.constant 16 : i32
        %div3A_2372 = arith.divsi %sub3A_2349, %jit3A_2371 : i32
        %sign3A_2373 = arith.constant 0 : i32
        %sign3A_2374 = arith.cmpi sgt, %sub3A_2349, %sign3A_2373 : i32
        %sign3A_2375 = arith.extui %sign3A_2374 : i1 to i32
        %sign3A_2376 = arith.constant 0 : i32
        %sign3A_2377 = arith.cmpi slt, %sub3A_2349, %sign3A_2376 : i32
        %sign3A_2378 = arith.extui %sign3A_2377 : i1 to i32
        %sign3A_2379 = arith.subi %sign3A_2375, %sign3A_2378 : i32
        %sign3A_2380 = arith.constant 0 : i32
        %sign3A_2381 = arith.cmpi sgt, %jit3A_2371, %sign3A_2380 : i32
        %sign3A_2382 = arith.extui %sign3A_2381 : i1 to i32
        %sign3A_2383 = arith.constant 0 : i32
        %sign3A_2384 = arith.cmpi slt, %jit3A_2371, %sign3A_2383 : i32
        %sign3A_2385 = arith.extui %sign3A_2384 : i1 to i32
        %sign3A_2386 = arith.subi %sign3A_2382, %sign3A_2385 : i32
        %ne3A_2387 = arith.cmpi ne, %sign3A_2379, %sign3A_2386 : i32
        %rem3A_2388 = arith.remsi %sub3A_2349, %jit3A_2371 : i32
        %ne3A_2389 = arith.constant 0 : i32
        %ne3A_2390 = arith.cmpi ne, %rem3A_2388, %ne3A_2389 : i32
        %and3A_2391 = arith.andi %ne3A_2387, %ne3A_2390 : i1
        %sub3A_2392 = arith.constant 1 : i32
        %sub3A_2393 = arith.subi %div3A_2372, %sub3A_2392 : i32
        %select_n3A_2394 = arith.select %and3A_2391, %sub3A_2393, %div3A_2372 : i32
        %mul3A_2395 = arith.constant 64 : i32
        %mul3A_2396 = arith.muli %select_n3A_2394, %mul3A_2395 : i32
        %dma_wait3A_2397 = arith.constant 7 : i32
        %dma_wait3A_2398 = arith.constant 0 : i32
        %dma_wait3A_2399 = arith.constant 0 : i32
        %dma_wait3A_2400 = tpu.memref_slice %arg6[%dma_wait3A_2397, %dma_wait3A_2398, %dma_wait3A_2399] : memref<10x128x64xf32, #tpu.memory_space<vmem>> -> memref<1x128x64xf32, #tpu.memory_space<vmem>>
        %dma_wait3A_2401 = tpu.memref_squeeze %dma_wait3A_2400 : memref<1x128x64xf32, #tpu.memory_space<vmem>> -> memref<128x64xf32, #tpu.memory_space<vmem>>
        %dma_wait3A_2402 = tpu.memref_slice %arg4[%add3A_2370, %mul3A_2396] : memref<409600x128xf32, #tpu.memory_space<hbm>> -> memref<128x64xf32, #tpu.memory_space<hbm>>
        %dma_wait3A_2403 = tpu.memref_slice %arg4[%add3A_2370, %mul3A_2396] : memref<409600x128xf32, #tpu.memory_space<hbm>> -> memref<128x64xf32, #tpu.memory_space<hbm>>
        %dma_wait3A_2404 = arith.constant 0 : i32
        %dma_wait3A_2405 = arith.constant 0 : i32
        %dma_wait3A_2406 = tpu.memref_slice %arg6[%dma_wait3A_2397, %dma_wait3A_2404, %dma_wait3A_2405] : memref<10x128x64xf32, #tpu.memory_space<vmem>> -> memref<1x128x64xf32, #tpu.memory_space<vmem>>
        %dma_wait3A_2407 = tpu.memref_squeeze %dma_wait3A_2406 : memref<1x128x64xf32, #tpu.memory_space<vmem>> -> memref<128x64xf32, #tpu.memory_space<vmem>>
        tpu.wait_dma2 semaphore(%arg10 : memref<!tpu.dma_semaphore, #tpu.memory_space<semaphore_mem>>) src(%dma_wait3A_2407 : memref<128x64xf32, #tpu.memory_space<vmem>>) dst(%dma_wait3A_2403 : memref<128x64xf32, #tpu.memory_space<hbm>>)
        %mul3A_2408 = arith.constant 200 : i32
        %mul3A_2409 = arith.muli %add3A, %mul3A_2408 : i32
        %mul3A_2410 = arith.constant 5 : i32
        %mul3A_2411 = arith.muli %sub3A_2131, %mul3A_2410 : i32
        %add3A_2412 = arith.addi %mul3A_2409, %mul3A_2411 : i32
        %add3A_2413 = arith.constant 3 : i32
        %add3A_2414 = arith.addi %add3A_2412, %add3A_2413 : i32
        %jit3A_2415 = arith.constant 32 : i32
        %div3A_2416 = arith.divsi %add3A_2414, %jit3A_2415 : i32
        %sign3A_2417 = arith.constant 0 : i32
        %sign3A_2418 = arith.cmpi sgt, %add3A_2414, %sign3A_2417 : i32
        %sign3A_2419 = arith.extui %sign3A_2418 : i1 to i32
        %sign3A_2420 = arith.constant 0 : i32
        %sign3A_2421 = arith.cmpi slt, %add3A_2414, %sign3A_2420 : i32
        %sign3A_2422 = arith.extui %sign3A_2421 : i1 to i32
        %sign3A_2423 = arith.subi %sign3A_2419, %sign3A_2422 : i32
        %sign3A_2424 = arith.constant 0 : i32
        %sign3A_2425 = arith.cmpi sgt, %jit3A_2415, %sign3A_2424 : i32
        %sign3A_2426 = arith.extui %sign3A_2425 : i1 to i32
        %sign3A_2427 = arith.constant 0 : i32
        %sign3A_2428 = arith.cmpi slt, %jit3A_2415, %sign3A_2427 : i32
        %sign3A_2429 = arith.extui %sign3A_2428 : i1 to i32
        %sign3A_2430 = arith.subi %sign3A_2426, %sign3A_2429 : i32
        %ne3A_2431 = arith.cmpi ne, %sign3A_2423, %sign3A_2430 : i32
        %rem3A_2432 = arith.remsi %add3A_2414, %jit3A_2415 : i32
        %ne3A_2433 = arith.constant 0 : i32
        %ne3A_2434 = arith.cmpi ne, %rem3A_2432, %ne3A_2433 : i32
        %and3A_2435 = arith.andi %ne3A_2431, %ne3A_2434 : i1
        %sub3A_2436 = arith.constant 1 : i32
        %sub3A_2437 = arith.subi %div3A_2416, %sub3A_2436 : i32
        %select_n3A_2438 = arith.select %and3A_2435, %sub3A_2437, %div3A_2416 : i32
        %mul3A_2439 = arith.constant 32 : i32
        %mul3A_2440 = arith.muli %select_n3A_2438, %mul3A_2439 : i32
        %sub3A_2441 = arith.subi %add3A_2414, %mul3A_2440 : i32
        %mul3A_2442 = arith.constant 2048 : i32
        %mul3A_2443 = arith.muli %select_n3A_2438, %mul3A_2442 : i32
        %jit3A_2444 = arith.constant 16 : i32
        %eq3A_2445 = arith.constant 0 : i32
        %eq3A_2446 = arith.cmpi eq, %jit3A_2444, %eq3A_2445 : i32
        %jit3A_2447 = arith.constant 1 : i32
        %select_n3A_2448 = arith.select %eq3A_2446, %jit3A_2447, %jit3A_2444 : i32
        %rem3A_2449 = arith.remsi %sub3A_2441, %select_n3A_2448 : i32
        %ne3A_2450 = arith.constant 0 : i32
        %ne3A_2451 = arith.cmpi ne, %rem3A_2449, %ne3A_2450 : i32
        %lt3A_2452 = arith.constant 0 : i32
        %lt3A_2453 = arith.cmpi slt, %rem3A_2449, %lt3A_2452 : i32
        %lt3A_2454 = arith.constant 0 : i32
        %lt3A_2455 = arith.cmpi slt, %select_n3A_2448, %lt3A_2454 : i32
        %ne3A_2456 = arith.xori %lt3A_2453, %lt3A_2455 : i1
        %and3A_2457 = arith.andi %ne3A_2456, %ne3A_2451 : i1
        %add3A_2458 = arith.addi %rem3A_2449, %select_n3A_2448 : i32
        %select_n3A_2459 = arith.select %and3A_2457, %add3A_2458, %rem3A_2449 : i32
        %mul3A_2460 = arith.constant 128 : i32
        %mul3A_2461 = arith.muli %select_n3A_2459, %mul3A_2460 : i32
        %add3A_2462 = arith.addi %mul3A_2443, %mul3A_2461 : i32
        %jit3A_2463 = arith.constant 16 : i32
        %div3A_2464 = arith.divsi %sub3A_2441, %jit3A_2463 : i32
        %sign3A_2465 = arith.constant 0 : i32
        %sign3A_2466 = arith.cmpi sgt, %sub3A_2441, %sign3A_2465 : i32
        %sign3A_2467 = arith.extui %sign3A_2466 : i1 to i32
        %sign3A_2468 = arith.constant 0 : i32
        %sign3A_2469 = arith.cmpi slt, %sub3A_2441, %sign3A_2468 : i32
        %sign3A_2470 = arith.extui %sign3A_2469 : i1 to i32
        %sign3A_2471 = arith.subi %sign3A_2467, %sign3A_2470 : i32
        %sign3A_2472 = arith.constant 0 : i32
        %sign3A_2473 = arith.cmpi sgt, %jit3A_2463, %sign3A_2472 : i32
        %sign3A_2474 = arith.extui %sign3A_2473 : i1 to i32
        %sign3A_2475 = arith.constant 0 : i32
        %sign3A_2476 = arith.cmpi slt, %jit3A_2463, %sign3A_2475 : i32
        %sign3A_2477 = arith.extui %sign3A_2476 : i1 to i32
        %sign3A_2478 = arith.subi %sign3A_2474, %sign3A_2477 : i32
        %ne3A_2479 = arith.cmpi ne, %sign3A_2471, %sign3A_2478 : i32
        %rem3A_2480 = arith.remsi %sub3A_2441, %jit3A_2463 : i32
        %ne3A_2481 = arith.constant 0 : i32
        %ne3A_2482 = arith.cmpi ne, %rem3A_2480, %ne3A_2481 : i32
        %and3A_2483 = arith.andi %ne3A_2479, %ne3A_2482 : i1
        %sub3A_2484 = arith.constant 1 : i32
        %sub3A_2485 = arith.subi %div3A_2464, %sub3A_2484 : i32
        %select_n3A_2486 = arith.select %and3A_2483, %sub3A_2485, %div3A_2464 : i32
        %mul3A_2487 = arith.constant 64 : i32
        %mul3A_2488 = arith.muli %select_n3A_2486, %mul3A_2487 : i32
        %dma_wait3A_2489 = arith.constant 8 : i32
        %dma_wait3A_2490 = arith.constant 0 : i32
        %dma_wait3A_2491 = arith.constant 0 : i32
        %dma_wait3A_2492 = tpu.memref_slice %arg6[%dma_wait3A_2489, %dma_wait3A_2490, %dma_wait3A_2491] : memref<10x128x64xf32, #tpu.memory_space<vmem>> -> memref<1x128x64xf32, #tpu.memory_space<vmem>>
        %dma_wait3A_2493 = tpu.memref_squeeze %dma_wait3A_2492 : memref<1x128x64xf32, #tpu.memory_space<vmem>> -> memref<128x64xf32, #tpu.memory_space<vmem>>
        %dma_wait3A_2494 = tpu.memref_slice %arg4[%add3A_2462, %mul3A_2488] : memref<409600x128xf32, #tpu.memory_space<hbm>> -> memref<128x64xf32, #tpu.memory_space<hbm>>
        %dma_wait3A_2495 = tpu.memref_slice %arg4[%add3A_2462, %mul3A_2488] : memref<409600x128xf32, #tpu.memory_space<hbm>> -> memref<128x64xf32, #tpu.memory_space<hbm>>
        %dma_wait3A_2496 = arith.constant 0 : i32
        %dma_wait3A_2497 = arith.constant 0 : i32
        %dma_wait3A_2498 = tpu.memref_slice %arg6[%dma_wait3A_2489, %dma_wait3A_2496, %dma_wait3A_2497] : memref<10x128x64xf32, #tpu.memory_space<vmem>> -> memref<1x128x64xf32, #tpu.memory_space<vmem>>
        %dma_wait3A_2499 = tpu.memref_squeeze %dma_wait3A_2498 : memref<1x128x64xf32, #tpu.memory_space<vmem>> -> memref<128x64xf32, #tpu.memory_space<vmem>>
        tpu.wait_dma2 semaphore(%arg10 : memref<!tpu.dma_semaphore, #tpu.memory_space<semaphore_mem>>) src(%dma_wait3A_2499 : memref<128x64xf32, #tpu.memory_space<vmem>>) dst(%dma_wait3A_2495 : memref<128x64xf32, #tpu.memory_space<hbm>>)
        %mul3A_2500 = arith.constant 200 : i32
        %mul3A_2501 = arith.muli %add3A, %mul3A_2500 : i32
        %mul3A_2502 = arith.constant 5 : i32
        %mul3A_2503 = arith.muli %sub3A_2131, %mul3A_2502 : i32
        %add3A_2504 = arith.addi %mul3A_2501, %mul3A_2503 : i32
        %add3A_2505 = arith.constant 4 : i32
        %add3A_2506 = arith.addi %add3A_2504, %add3A_2505 : i32
        %jit3A_2507 = arith.constant 32 : i32
        %div3A_2508 = arith.divsi %add3A_2506, %jit3A_2507 : i32
        %sign3A_2509 = arith.constant 0 : i32
        %sign3A_2510 = arith.cmpi sgt, %add3A_2506, %sign3A_2509 : i32
        %sign3A_2511 = arith.extui %sign3A_2510 : i1 to i32
        %sign3A_2512 = arith.constant 0 : i32
        %sign3A_2513 = arith.cmpi slt, %add3A_2506, %sign3A_2512 : i32
        %sign3A_2514 = arith.extui %sign3A_2513 : i1 to i32
        %sign3A_2515 = arith.subi %sign3A_2511, %sign3A_2514 : i32
        %sign3A_2516 = arith.constant 0 : i32
        %sign3A_2517 = arith.cmpi sgt, %jit3A_2507, %sign3A_2516 : i32
        %sign3A_2518 = arith.extui %sign3A_2517 : i1 to i32
        %sign3A_2519 = arith.constant 0 : i32
        %sign3A_2520 = arith.cmpi slt, %jit3A_2507, %sign3A_2519 : i32
        %sign3A_2521 = arith.extui %sign3A_2520 : i1 to i32
        %sign3A_2522 = arith.subi %sign3A_2518, %sign3A_2521 : i32
        %ne3A_2523 = arith.cmpi ne, %sign3A_2515, %sign3A_2522 : i32
        %rem3A_2524 = arith.remsi %add3A_2506, %jit3A_2507 : i32
        %ne3A_2525 = arith.constant 0 : i32
        %ne3A_2526 = arith.cmpi ne, %rem3A_2524, %ne3A_2525 : i32
        %and3A_2527 = arith.andi %ne3A_2523, %ne3A_2526 : i1
        %sub3A_2528 = arith.constant 1 : i32
        %sub3A_2529 = arith.subi %div3A_2508, %sub3A_2528 : i32
        %select_n3A_2530 = arith.select %and3A_2527, %sub3A_2529, %div3A_2508 : i32
        %mul3A_2531 = arith.constant 32 : i32
        %mul3A_2532 = arith.muli %select_n3A_2530, %mul3A_2531 : i32
        %sub3A_2533 = arith.subi %add3A_2506, %mul3A_2532 : i32
        %mul3A_2534 = arith.constant 2048 : i32
        %mul3A_2535 = arith.muli %select_n3A_2530, %mul3A_2534 : i32
        %jit3A_2536 = arith.constant 16 : i32
        %eq3A_2537 = arith.constant 0 : i32
        %eq3A_2538 = arith.cmpi eq, %jit3A_2536, %eq3A_2537 : i32
        %jit3A_2539 = arith.constant 1 : i32
        %select_n3A_2540 = arith.select %eq3A_2538, %jit3A_2539, %jit3A_2536 : i32
        %rem3A_2541 = arith.remsi %sub3A_2533, %select_n3A_2540 : i32
        %ne3A_2542 = arith.constant 0 : i32
        %ne3A_2543 = arith.cmpi ne, %rem3A_2541, %ne3A_2542 : i32
        %lt3A_2544 = arith.constant 0 : i32
        %lt3A_2545 = arith.cmpi slt, %rem3A_2541, %lt3A_2544 : i32
        %lt3A_2546 = arith.constant 0 : i32
        %lt3A_2547 = arith.cmpi slt, %select_n3A_2540, %lt3A_2546 : i32
        %ne3A_2548 = arith.xori %lt3A_2545, %lt3A_2547 : i1
        %and3A_2549 = arith.andi %ne3A_2548, %ne3A_2543 : i1
        %add3A_2550 = arith.addi %rem3A_2541, %select_n3A_2540 : i32
        %select_n3A_2551 = arith.select %and3A_2549, %add3A_2550, %rem3A_2541 : i32
        %mul3A_2552 = arith.constant 128 : i32
        %mul3A_2553 = arith.muli %select_n3A_2551, %mul3A_2552 : i32
        %add3A_2554 = arith.addi %mul3A_2535, %mul3A_2553 : i32
        %jit3A_2555 = arith.constant 16 : i32
        %div3A_2556 = arith.divsi %sub3A_2533, %jit3A_2555 : i32
        %sign3A_2557 = arith.constant 0 : i32
        %sign3A_2558 = arith.cmpi sgt, %sub3A_2533, %sign3A_2557 : i32
        %sign3A_2559 = arith.extui %sign3A_2558 : i1 to i32
        %sign3A_2560 = arith.constant 0 : i32
        %sign3A_2561 = arith.cmpi slt, %sub3A_2533, %sign3A_2560 : i32
        %sign3A_2562 = arith.extui %sign3A_2561 : i1 to i32
        %sign3A_2563 = arith.subi %sign3A_2559, %sign3A_2562 : i32
        %sign3A_2564 = arith.constant 0 : i32
        %sign3A_2565 = arith.cmpi sgt, %jit3A_2555, %sign3A_2564 : i32
        %sign3A_2566 = arith.extui %sign3A_2565 : i1 to i32
        %sign3A_2567 = arith.constant 0 : i32
        %sign3A_2568 = arith.cmpi slt, %jit3A_2555, %sign3A_2567 : i32
        %sign3A_2569 = arith.extui %sign3A_2568 : i1 to i32
        %sign3A_2570 = arith.subi %sign3A_2566, %sign3A_2569 : i32
        %ne3A_2571 = arith.cmpi ne, %sign3A_2563, %sign3A_2570 : i32
        %rem3A_2572 = arith.remsi %sub3A_2533, %jit3A_2555 : i32
        %ne3A_2573 = arith.constant 0 : i32
        %ne3A_2574 = arith.cmpi ne, %rem3A_2572, %ne3A_2573 : i32
        %and3A_2575 = arith.andi %ne3A_2571, %ne3A_2574 : i1
        %sub3A_2576 = arith.constant 1 : i32
        %sub3A_2577 = arith.subi %div3A_2556, %sub3A_2576 : i32
        %select_n3A_2578 = arith.select %and3A_2575, %sub3A_2577, %div3A_2556 : i32
        %mul3A_2579 = arith.constant 64 : i32
        %mul3A_2580 = arith.muli %select_n3A_2578, %mul3A_2579 : i32
        %dma_wait3A_2581 = arith.constant 9 : i32
        %dma_wait3A_2582 = arith.constant 0 : i32
        %dma_wait3A_2583 = arith.constant 0 : i32
        %dma_wait3A_2584 = tpu.memref_slice %arg6[%dma_wait3A_2581, %dma_wait3A_2582, %dma_wait3A_2583] : memref<10x128x64xf32, #tpu.memory_space<vmem>> -> memref<1x128x64xf32, #tpu.memory_space<vmem>>
        %dma_wait3A_2585 = tpu.memref_squeeze %dma_wait3A_2584 : memref<1x128x64xf32, #tpu.memory_space<vmem>> -> memref<128x64xf32, #tpu.memory_space<vmem>>
        %dma_wait3A_2586 = tpu.memref_slice %arg4[%add3A_2554, %mul3A_2580] : memref<409600x128xf32, #tpu.memory_space<hbm>> -> memref<128x64xf32, #tpu.memory_space<hbm>>
        %dma_wait3A_2587 = tpu.memref_slice %arg4[%add3A_2554, %mul3A_2580] : memref<409600x128xf32, #tpu.memory_space<hbm>> -> memref<128x64xf32, #tpu.memory_space<hbm>>
        %dma_wait3A_2588 = arith.constant 0 : i32
        %dma_wait3A_2589 = arith.constant 0 : i32
        %dma_wait3A_2590 = tpu.memref_slice %arg6[%dma_wait3A_2581, %dma_wait3A_2588, %dma_wait3A_2589] : memref<10x128x64xf32, #tpu.memory_space<vmem>> -> memref<1x128x64xf32, #tpu.memory_space<vmem>>
        %dma_wait3A_2591 = tpu.memref_squeeze %dma_wait3A_2590 : memref<1x128x64xf32, #tpu.memory_space<vmem>> -> memref<128x64xf32, #tpu.memory_space<vmem>>
        tpu.wait_dma2 semaphore(%arg10 : memref<!tpu.dma_semaphore, #tpu.memory_space<semaphore_mem>>) src(%dma_wait3A_2591 : memref<128x64xf32, #tpu.memory_space<vmem>>) dst(%dma_wait3A_2587 : memref<128x64xf32, #tpu.memory_space<hbm>>)
      } else {
      }
      %mul3A_518 = arith.constant 5 : i32
      %mul3A_519 = arith.muli %add3A_515, %mul3A_518 : i32
      %add3A_520 = arith.constant 0 : i32
      %add3A_521 = arith.addi %mul3A_519, %add3A_520 : i32
      %dma_start3A_522 = arith.constant 5 : i32
      %dma_start3A_523 = arith.constant 0 : i32
      %dma_start3A_524 = arith.constant 0 : i32
      %dma_start3A_525 = tpu.memref_slice %arg6[%dma_start3A_522, %dma_start3A_523, %dma_start3A_524] : memref<10x128x64xf32, #tpu.memory_space<vmem>> -> memref<1x128x64xf32, #tpu.memory_space<vmem>>
      %dma_start3A_526 = tpu.memref_squeeze %dma_start3A_525 : memref<1x128x64xf32, #tpu.memory_space<vmem>> -> memref<128x64xf32, #tpu.memory_space<vmem>>
      %dma_start3A_527 = arith.constant 0 : i32
      %dma_start3A_528 = tpu.memref_slice %arg5[%add3A_521, %dma_start3A_527] : memref<200x128xi32, #tpu.memory_space<vmem>> -> memref<1x128xi32, #tpu.memory_space<vmem>>
      %dma_start3A_529 = tpu.memref_squeeze %dma_start3A_528 : memref<1x128xi32, #tpu.memory_space<vmem>> -> memref<128xi32, #tpu.memory_space<vmem>>
      %dma_start3A_530 = arith.constant 0 : i32
      %dma_start3A_531 = arith.constant 0 : i32
      %dma_start3A_532 = tpu.memref_slice %arg3[%dma_start3A_530, %dma_start3A_531] : memref<1024000x64xf32, #tpu.memory_space<hbm>> -> memref<1024000x64xf32, #tpu.memory_space<hbm>>
      tpu.enqueue_indirect_dma source(%dma_start3A_532 : memref<1024000x64xf32, #tpu.memory_space<hbm>>) target(%dma_start3A_526 : memref<128x64xf32, #tpu.memory_space<vmem>>) offsets(%dma_start3A_529 : memref<128xi32, #tpu.memory_space<vmem>>) semaphore(%arg8 : memref<!tpu.dma_semaphore, #tpu.memory_space<semaphore_mem>>)
      %mul3A_533 = arith.constant 5 : i32
      %mul3A_534 = arith.muli %add3A_515, %mul3A_533 : i32
      %add3A_535 = arith.constant 1 : i32
      %add3A_536 = arith.addi %mul3A_534, %add3A_535 : i32
      %dma_start3A_537 = arith.constant 6 : i32
      %dma_start3A_538 = arith.constant 0 : i32
      %dma_start3A_539 = arith.constant 0 : i32
      %dma_start3A_540 = tpu.memref_slice %arg6[%dma_start3A_537, %dma_start3A_538, %dma_start3A_539] : memref<10x128x64xf32, #tpu.memory_space<vmem>> -> memref<1x128x64xf32, #tpu.memory_space<vmem>>
      %dma_start3A_541 = tpu.memref_squeeze %dma_start3A_540 : memref<1x128x64xf32, #tpu.memory_space<vmem>> -> memref<128x64xf32, #tpu.memory_space<vmem>>
      %dma_start3A_542 = arith.constant 0 : i32
      %dma_start3A_543 = tpu.memref_slice %arg5[%add3A_536, %dma_start3A_542] : memref<200x128xi32, #tpu.memory_space<vmem>> -> memref<1x128xi32, #tpu.memory_space<vmem>>
      %dma_start3A_544 = tpu.memref_squeeze %dma_start3A_543 : memref<1x128xi32, #tpu.memory_space<vmem>> -> memref<128xi32, #tpu.memory_space<vmem>>
      %dma_start3A_545 = arith.constant 0 : i32
      %dma_start3A_546 = arith.constant 0 : i32
      %dma_start3A_547 = tpu.memref_slice %arg3[%dma_start3A_545, %dma_start3A_546] : memref<1024000x64xf32, #tpu.memory_space<hbm>> -> memref<1024000x64xf32, #tpu.memory_space<hbm>>
      tpu.enqueue_indirect_dma source(%dma_start3A_547 : memref<1024000x64xf32, #tpu.memory_space<hbm>>) target(%dma_start3A_541 : memref<128x64xf32, #tpu.memory_space<vmem>>) offsets(%dma_start3A_544 : memref<128xi32, #tpu.memory_space<vmem>>) semaphore(%arg8 : memref<!tpu.dma_semaphore, #tpu.memory_space<semaphore_mem>>)
      %mul3A_548 = arith.constant 5 : i32
      %mul3A_549 = arith.muli %add3A_515, %mul3A_548 : i32
      %add3A_550 = arith.constant 2 : i32
      %add3A_551 = arith.addi %mul3A_549, %add3A_550 : i32
      %dma_start3A_552 = arith.constant 7 : i32
      %dma_start3A_553 = arith.constant 0 : i32
      %dma_start3A_554 = arith.constant 0 : i32
      %dma_start3A_555 = tpu.memref_slice %arg6[%dma_start3A_552, %dma_start3A_553, %dma_start3A_554] : memref<10x128x64xf32, #tpu.memory_space<vmem>> -> memref<1x128x64xf32, #tpu.memory_space<vmem>>
      %dma_start3A_556 = tpu.memref_squeeze %dma_start3A_555 : memref<1x128x64xf32, #tpu.memory_space<vmem>> -> memref<128x64xf32, #tpu.memory_space<vmem>>
      %dma_start3A_557 = arith.constant 0 : i32
      %dma_start3A_558 = tpu.memref_slice %arg5[%add3A_551, %dma_start3A_557] : memref<200x128xi32, #tpu.memory_space<vmem>> -> memref<1x128xi32, #tpu.memory_space<vmem>>
      %dma_start3A_559 = tpu.memref_squeeze %dma_start3A_558 : memref<1x128xi32, #tpu.memory_space<vmem>> -> memref<128xi32, #tpu.memory_space<vmem>>
      %dma_start3A_560 = arith.constant 0 : i32
      %dma_start3A_561 = arith.constant 0 : i32
      %dma_start3A_562 = tpu.memref_slice %arg3[%dma_start3A_560, %dma_start3A_561] : memref<1024000x64xf32, #tpu.memory_space<hbm>> -> memref<1024000x64xf32, #tpu.memory_space<hbm>>
      tpu.enqueue_indirect_dma source(%dma_start3A_562 : memref<1024000x64xf32, #tpu.memory_space<hbm>>) target(%dma_start3A_556 : memref<128x64xf32, #tpu.memory_space<vmem>>) offsets(%dma_start3A_559 : memref<128xi32, #tpu.memory_space<vmem>>) semaphore(%arg8 : memref<!tpu.dma_semaphore, #tpu.memory_space<semaphore_mem>>)
      %mul3A_563 = arith.constant 5 : i32
      %mul3A_564 = arith.muli %add3A_515, %mul3A_563 : i32
      %add3A_565 = arith.constant 3 : i32
      %add3A_566 = arith.addi %mul3A_564, %add3A_565 : i32
      %dma_start3A_567 = arith.constant 8 : i32
      %dma_start3A_568 = arith.constant 0 : i32
      %dma_start3A_569 = arith.constant 0 : i32
      %dma_start3A_570 = tpu.memref_slice %arg6[%dma_start3A_567, %dma_start3A_568, %dma_start3A_569] : memref<10x128x64xf32, #tpu.memory_space<vmem>> -> memref<1x128x64xf32, #tpu.memory_space<vmem>>
      %dma_start3A_571 = tpu.memref_squeeze %dma_start3A_570 : memref<1x128x64xf32, #tpu.memory_space<vmem>> -> memref<128x64xf32, #tpu.memory_space<vmem>>
      %dma_start3A_572 = arith.constant 0 : i32
      %dma_start3A_573 = tpu.memref_slice %arg5[%add3A_566, %dma_start3A_572] : memref<200x128xi32, #tpu.memory_space<vmem>> -> memref<1x128xi32, #tpu.memory_space<vmem>>
      %dma_start3A_574 = tpu.memref_squeeze %dma_start3A_573 : memref<1x128xi32, #tpu.memory_space<vmem>> -> memref<128xi32, #tpu.memory_space<vmem>>
      %dma_start3A_575 = arith.constant 0 : i32
      %dma_start3A_576 = arith.constant 0 : i32
      %dma_start3A_577 = tpu.memref_slice %arg3[%dma_start3A_575, %dma_start3A_576] : memref<1024000x64xf32, #tpu.memory_space<hbm>> -> memref<1024000x64xf32, #tpu.memory_space<hbm>>
      tpu.enqueue_indirect_dma source(%dma_start3A_577 : memref<1024000x64xf32, #tpu.memory_space<hbm>>) target(%dma_start3A_571 : memref<128x64xf32, #tpu.memory_space<vmem>>) offsets(%dma_start3A_574 : memref<128xi32, #tpu.memory_space<vmem>>) semaphore(%arg8 : memref<!tpu.dma_semaphore, #tpu.memory_space<semaphore_mem>>)
      %mul3A_578 = arith.constant 5 : i32
      %mul3A_579 = arith.muli %add3A_515, %mul3A_578 : i32
      %add3A_580 = arith.constant 4 : i32
      %add3A_581 = arith.addi %mul3A_579, %add3A_580 : i32
      %dma_start3A_582 = arith.constant 9 : i32
      %dma_start3A_583 = arith.constant 0 : i32
      %dma_start3A_584 = arith.constant 0 : i32
      %dma_start3A_585 = tpu.memref_slice %arg6[%dma_start3A_582, %dma_start3A_583, %dma_start3A_584] : memref<10x128x64xf32, #tpu.memory_space<vmem>> -> memref<1x128x64xf32, #tpu.memory_space<vmem>>
      %dma_start3A_586 = tpu.memref_squeeze %dma_start3A_585 : memref<1x128x64xf32, #tpu.memory_space<vmem>> -> memref<128x64xf32, #tpu.memory_space<vmem>>
      %dma_start3A_587 = arith.constant 0 : i32
      %dma_start3A_588 = tpu.memref_slice %arg5[%add3A_581, %dma_start3A_587] : memref<200x128xi32, #tpu.memory_space<vmem>> -> memref<1x128xi32, #tpu.memory_space<vmem>>
      %dma_start3A_589 = tpu.memref_squeeze %dma_start3A_588 : memref<1x128xi32, #tpu.memory_space<vmem>> -> memref<128xi32, #tpu.memory_space<vmem>>
      %dma_start3A_590 = arith.constant 0 : i32
      %dma_start3A_591 = arith.constant 0 : i32
      %dma_start3A_592 = tpu.memref_slice %arg3[%dma_start3A_590, %dma_start3A_591] : memref<1024000x64xf32, #tpu.memory_space<hbm>> -> memref<1024000x64xf32, #tpu.memory_space<hbm>>
      tpu.enqueue_indirect_dma source(%dma_start3A_592 : memref<1024000x64xf32, #tpu.memory_space<hbm>>) target(%dma_start3A_586 : memref<128x64xf32, #tpu.memory_space<vmem>>) offsets(%dma_start3A_589 : memref<128xi32, #tpu.memory_space<vmem>>) semaphore(%arg8 : memref<!tpu.dma_semaphore, #tpu.memory_space<semaphore_mem>>)
      %mul3A_593 = arith.constant 5 : i32
      %mul3A_594 = arith.muli %mul3A_513, %mul3A_593 : i32
      %add3A_595 = arith.constant 0 : i32
      %add3A_596 = arith.addi %mul3A_594, %add3A_595 : i32
      %dma_wait3A_597 = arith.constant 0 : i32
      %dma_wait3A_598 = arith.constant 0 : i32
      %dma_wait3A_599 = arith.constant 0 : i32
      %dma_wait3A_600 = tpu.memref_slice %arg6[%dma_wait3A_597, %dma_wait3A_598, %dma_wait3A_599] : memref<10x128x64xf32, #tpu.memory_space<vmem>> -> memref<1x128x64xf32, #tpu.memory_space<vmem>>
      %dma_wait3A_601 = tpu.memref_squeeze %dma_wait3A_600 : memref<1x128x64xf32, #tpu.memory_space<vmem>> -> memref<128x64xf32, #tpu.memory_space<vmem>>
      %dma_wait3A_602 = arith.constant 0 : i32
      %dma_wait3A_603 = tpu.memref_slice %arg5[%add3A_596, %dma_wait3A_602] : memref<200x128xi32, #tpu.memory_space<vmem>> -> memref<1x128xi32, #tpu.memory_space<vmem>>
      %dma_wait3A_604 = tpu.memref_squeeze %dma_wait3A_603 : memref<1x128xi32, #tpu.memory_space<vmem>> -> memref<128xi32, #tpu.memory_space<vmem>>
      %dma_wait3A_605 = arith.constant 0 : i32
      %dma_wait3A_606 = arith.constant 0 : i32
      %dma_wait3A_607 = tpu.memref_slice %arg3[%dma_wait3A_605, %dma_wait3A_606] : memref<1024000x64xf32, #tpu.memory_space<hbm>> -> memref<1024000x64xf32, #tpu.memory_space<hbm>>
      tpu.wait_indirect_dma semaphore(%arg7 : memref<!tpu.dma_semaphore, #tpu.memory_space<semaphore_mem>>) src(%dma_wait3A_607 : memref<1024000x64xf32, #tpu.memory_space<hbm>>) dst(%dma_wait3A_601 : memref<128x64xf32, #tpu.memory_space<vmem>>)
      %mul3A_608 = arith.constant 5 : i32
      %mul3A_609 = arith.muli %mul3A_513, %mul3A_608 : i32
      %add3A_610 = arith.constant 1 : i32
      %add3A_611 = arith.addi %mul3A_609, %add3A_610 : i32
      %dma_wait3A_612 = arith.constant 1 : i32
      %dma_wait3A_613 = arith.constant 0 : i32
      %dma_wait3A_614 = arith.constant 0 : i32
      %dma_wait3A_615 = tpu.memref_slice %arg6[%dma_wait3A_612, %dma_wait3A_613, %dma_wait3A_614] : memref<10x128x64xf32, #tpu.memory_space<vmem>> -> memref<1x128x64xf32, #tpu.memory_space<vmem>>
      %dma_wait3A_616 = tpu.memref_squeeze %dma_wait3A_615 : memref<1x128x64xf32, #tpu.memory_space<vmem>> -> memref<128x64xf32, #tpu.memory_space<vmem>>
      %dma_wait3A_617 = arith.constant 0 : i32
      %dma_wait3A_618 = tpu.memref_slice %arg5[%add3A_611, %dma_wait3A_617] : memref<200x128xi32, #tpu.memory_space<vmem>> -> memref<1x128xi32, #tpu.memory_space<vmem>>
      %dma_wait3A_619 = tpu.memref_squeeze %dma_wait3A_618 : memref<1x128xi32, #tpu.memory_space<vmem>> -> memref<128xi32, #tpu.memory_space<vmem>>
      %dma_wait3A_620 = arith.constant 0 : i32
      %dma_wait3A_621 = arith.constant 0 : i32
      %dma_wait3A_622 = tpu.memref_slice %arg3[%dma_wait3A_620, %dma_wait3A_621] : memref<1024000x64xf32, #tpu.memory_space<hbm>> -> memref<1024000x64xf32, #tpu.memory_space<hbm>>
      tpu.wait_indirect_dma semaphore(%arg7 : memref<!tpu.dma_semaphore, #tpu.memory_space<semaphore_mem>>) src(%dma_wait3A_622 : memref<1024000x64xf32, #tpu.memory_space<hbm>>) dst(%dma_wait3A_616 : memref<128x64xf32, #tpu.memory_space<vmem>>)
      %mul3A_623 = arith.constant 5 : i32
      %mul3A_624 = arith.muli %mul3A_513, %mul3A_623 : i32
      %add3A_625 = arith.constant 2 : i32
      %add3A_626 = arith.addi %mul3A_624, %add3A_625 : i32
      %dma_wait3A_627 = arith.constant 2 : i32
      %dma_wait3A_628 = arith.constant 0 : i32
      %dma_wait3A_629 = arith.constant 0 : i32
      %dma_wait3A_630 = tpu.memref_slice %arg6[%dma_wait3A_627, %dma_wait3A_628, %dma_wait3A_629] : memref<10x128x64xf32, #tpu.memory_space<vmem>> -> memref<1x128x64xf32, #tpu.memory_space<vmem>>
      %dma_wait3A_631 = tpu.memref_squeeze %dma_wait3A_630 : memref<1x128x64xf32, #tpu.memory_space<vmem>> -> memref<128x64xf32, #tpu.memory_space<vmem>>
      %dma_wait3A_632 = arith.constant 0 : i32
      %dma_wait3A_633 = tpu.memref_slice %arg5[%add3A_626, %dma_wait3A_632] : memref<200x128xi32, #tpu.memory_space<vmem>> -> memref<1x128xi32, #tpu.memory_space<vmem>>
      %dma_wait3A_634 = tpu.memref_squeeze %dma_wait3A_633 : memref<1x128xi32, #tpu.memory_space<vmem>> -> memref<128xi32, #tpu.memory_space<vmem>>
      %dma_wait3A_635 = arith.constant 0 : i32
      %dma_wait3A_636 = arith.constant 0 : i32
      %dma_wait3A_637 = tpu.memref_slice %arg3[%dma_wait3A_635, %dma_wait3A_636] : memref<1024000x64xf32, #tpu.memory_space<hbm>> -> memref<1024000x64xf32, #tpu.memory_space<hbm>>
      tpu.wait_indirect_dma semaphore(%arg7 : memref<!tpu.dma_semaphore, #tpu.memory_space<semaphore_mem>>) src(%dma_wait3A_637 : memref<1024000x64xf32, #tpu.memory_space<hbm>>) dst(%dma_wait3A_631 : memref<128x64xf32, #tpu.memory_space<vmem>>)
      %mul3A_638 = arith.constant 5 : i32
      %mul3A_639 = arith.muli %mul3A_513, %mul3A_638 : i32
      %add3A_640 = arith.constant 3 : i32
      %add3A_641 = arith.addi %mul3A_639, %add3A_640 : i32
      %dma_wait3A_642 = arith.constant 3 : i32
      %dma_wait3A_643 = arith.constant 0 : i32
      %dma_wait3A_644 = arith.constant 0 : i32
      %dma_wait3A_645 = tpu.memref_slice %arg6[%dma_wait3A_642, %dma_wait3A_643, %dma_wait3A_644] : memref<10x128x64xf32, #tpu.memory_space<vmem>> -> memref<1x128x64xf32, #tpu.memory_space<vmem>>
      %dma_wait3A_646 = tpu.memref_squeeze %dma_wait3A_645 : memref<1x128x64xf32, #tpu.memory_space<vmem>> -> memref<128x64xf32, #tpu.memory_space<vmem>>
      %dma_wait3A_647 = arith.constant 0 : i32
      %dma_wait3A_648 = tpu.memref_slice %arg5[%add3A_641, %dma_wait3A_647] : memref<200x128xi32, #tpu.memory_space<vmem>> -> memref<1x128xi32, #tpu.memory_space<vmem>>
      %dma_wait3A_649 = tpu.memref_squeeze %dma_wait3A_648 : memref<1x128xi32, #tpu.memory_space<vmem>> -> memref<128xi32, #tpu.memory_space<vmem>>
      %dma_wait3A_650 = arith.constant 0 : i32
      %dma_wait3A_651 = arith.constant 0 : i32
      %dma_wait3A_652 = tpu.memref_slice %arg3[%dma_wait3A_650, %dma_wait3A_651] : memref<1024000x64xf32, #tpu.memory_space<hbm>> -> memref<1024000x64xf32, #tpu.memory_space<hbm>>
      tpu.wait_indirect_dma semaphore(%arg7 : memref<!tpu.dma_semaphore, #tpu.memory_space<semaphore_mem>>) src(%dma_wait3A_652 : memref<1024000x64xf32, #tpu.memory_space<hbm>>) dst(%dma_wait3A_646 : memref<128x64xf32, #tpu.memory_space<vmem>>)
      %mul3A_653 = arith.constant 5 : i32
      %mul3A_654 = arith.muli %mul3A_513, %mul3A_653 : i32
      %add3A_655 = arith.constant 4 : i32
      %add3A_656 = arith.addi %mul3A_654, %add3A_655 : i32
      %dma_wait3A_657 = arith.constant 4 : i32
      %dma_wait3A_658 = arith.constant 0 : i32
      %dma_wait3A_659 = arith.constant 0 : i32
      %dma_wait3A_660 = tpu.memref_slice %arg6[%dma_wait3A_657, %dma_wait3A_658, %dma_wait3A_659] : memref<10x128x64xf32, #tpu.memory_space<vmem>> -> memref<1x128x64xf32, #tpu.memory_space<vmem>>
      %dma_wait3A_661 = tpu.memref_squeeze %dma_wait3A_660 : memref<1x128x64xf32, #tpu.memory_space<vmem>> -> memref<128x64xf32, #tpu.memory_space<vmem>>
      %dma_wait3A_662 = arith.constant 0 : i32
      %dma_wait3A_663 = tpu.memref_slice %arg5[%add3A_656, %dma_wait3A_662] : memref<200x128xi32, #tpu.memory_space<vmem>> -> memref<1x128xi32, #tpu.memory_space<vmem>>
      %dma_wait3A_664 = tpu.memref_squeeze %dma_wait3A_663 : memref<1x128xi32, #tpu.memory_space<vmem>> -> memref<128xi32, #tpu.memory_space<vmem>>
      %dma_wait3A_665 = arith.constant 0 : i32
      %dma_wait3A_666 = arith.constant 0 : i32
      %dma_wait3A_667 = tpu.memref_slice %arg3[%dma_wait3A_665, %dma_wait3A_666] : memref<1024000x64xf32, #tpu.memory_space<hbm>> -> memref<1024000x64xf32, #tpu.memory_space<hbm>>
      tpu.wait_indirect_dma semaphore(%arg7 : memref<!tpu.dma_semaphore, #tpu.memory_space<semaphore_mem>>) src(%dma_wait3A_667 : memref<1024000x64xf32, #tpu.memory_space<hbm>>) dst(%dma_wait3A_661 : memref<128x64xf32, #tpu.memory_space<vmem>>)
      %mul3A_668 = arith.constant 200 : i32
      %mul3A_669 = arith.muli %add3A, %mul3A_668 : i32
      %mul3A_670 = arith.constant 5 : i32
      %mul3A_671 = arith.muli %mul3A_513, %mul3A_670 : i32
      %add3A_672 = arith.addi %mul3A_669, %mul3A_671 : i32
      %add3A_673 = arith.constant 0 : i32
      %add3A_674 = arith.addi %add3A_672, %add3A_673 : i32
      %jit3A_675 = arith.constant 32 : i32
      %div3A_676 = arith.divsi %add3A_674, %jit3A_675 : i32
      %sign3A_677 = arith.constant 0 : i32
      %sign3A_678 = arith.cmpi sgt, %add3A_674, %sign3A_677 : i32
      %sign3A_679 = arith.extui %sign3A_678 : i1 to i32
      %sign3A_680 = arith.constant 0 : i32
      %sign3A_681 = arith.cmpi slt, %add3A_674, %sign3A_680 : i32
      %sign3A_682 = arith.extui %sign3A_681 : i1 to i32
      %sign3A_683 = arith.subi %sign3A_679, %sign3A_682 : i32
      %sign3A_684 = arith.constant 0 : i32
      %sign3A_685 = arith.cmpi sgt, %jit3A_675, %sign3A_684 : i32
      %sign3A_686 = arith.extui %sign3A_685 : i1 to i32
      %sign3A_687 = arith.constant 0 : i32
      %sign3A_688 = arith.cmpi slt, %jit3A_675, %sign3A_687 : i32
      %sign3A_689 = arith.extui %sign3A_688 : i1 to i32
      %sign3A_690 = arith.subi %sign3A_686, %sign3A_689 : i32
      %ne3A_691 = arith.cmpi ne, %sign3A_683, %sign3A_690 : i32
      %rem3A_692 = arith.remsi %add3A_674, %jit3A_675 : i32
      %ne3A_693 = arith.constant 0 : i32
      %ne3A_694 = arith.cmpi ne, %rem3A_692, %ne3A_693 : i32
      %and3A_695 = arith.andi %ne3A_691, %ne3A_694 : i1
      %sub3A_696 = arith.constant 1 : i32
      %sub3A_697 = arith.subi %div3A_676, %sub3A_696 : i32
      %select_n3A_698 = arith.select %and3A_695, %sub3A_697, %div3A_676 : i32
      %mul3A_699 = arith.constant 32 : i32
      %mul3A_700 = arith.muli %select_n3A_698, %mul3A_699 : i32
      %sub3A_701 = arith.subi %add3A_674, %mul3A_700 : i32
      %mul3A_702 = arith.constant 2048 : i32
      %mul3A_703 = arith.muli %select_n3A_698, %mul3A_702 : i32
      %jit3A_704 = arith.constant 16 : i32
      %eq3A_705 = arith.constant 0 : i32
      %eq3A_706 = arith.cmpi eq, %jit3A_704, %eq3A_705 : i32
      %jit3A_707 = arith.constant 1 : i32
      %select_n3A_708 = arith.select %eq3A_706, %jit3A_707, %jit3A_704 : i32
      %rem3A_709 = arith.remsi %sub3A_701, %select_n3A_708 : i32
      %ne3A_710 = arith.constant 0 : i32
      %ne3A_711 = arith.cmpi ne, %rem3A_709, %ne3A_710 : i32
      %lt3A_712 = arith.constant 0 : i32
      %lt3A_713 = arith.cmpi slt, %rem3A_709, %lt3A_712 : i32
      %lt3A_714 = arith.constant 0 : i32
      %lt3A_715 = arith.cmpi slt, %select_n3A_708, %lt3A_714 : i32
      %ne3A_716 = arith.xori %lt3A_713, %lt3A_715 : i1
      %and3A_717 = arith.andi %ne3A_716, %ne3A_711 : i1
      %add3A_718 = arith.addi %rem3A_709, %select_n3A_708 : i32
      %select_n3A_719 = arith.select %and3A_717, %add3A_718, %rem3A_709 : i32
      %mul3A_720 = arith.constant 128 : i32
      %mul3A_721 = arith.muli %select_n3A_719, %mul3A_720 : i32
      %add3A_722 = arith.addi %mul3A_703, %mul3A_721 : i32
      %jit3A_723 = arith.constant 16 : i32
      %div3A_724 = arith.divsi %sub3A_701, %jit3A_723 : i32
      %sign3A_725 = arith.constant 0 : i32
      %sign3A_726 = arith.cmpi sgt, %sub3A_701, %sign3A_725 : i32
      %sign3A_727 = arith.extui %sign3A_726 : i1 to i32
      %sign3A_728 = arith.constant 0 : i32
      %sign3A_729 = arith.cmpi slt, %sub3A_701, %sign3A_728 : i32
      %sign3A_730 = arith.extui %sign3A_729 : i1 to i32
      %sign3A_731 = arith.subi %sign3A_727, %sign3A_730 : i32
      %sign3A_732 = arith.constant 0 : i32
      %sign3A_733 = arith.cmpi sgt, %jit3A_723, %sign3A_732 : i32
      %sign3A_734 = arith.extui %sign3A_733 : i1 to i32
      %sign3A_735 = arith.constant 0 : i32
      %sign3A_736 = arith.cmpi slt, %jit3A_723, %sign3A_735 : i32
      %sign3A_737 = arith.extui %sign3A_736 : i1 to i32
      %sign3A_738 = arith.subi %sign3A_734, %sign3A_737 : i32
      %ne3A_739 = arith.cmpi ne, %sign3A_731, %sign3A_738 : i32
      %rem3A_740 = arith.remsi %sub3A_701, %jit3A_723 : i32
      %ne3A_741 = arith.constant 0 : i32
      %ne3A_742 = arith.cmpi ne, %rem3A_740, %ne3A_741 : i32
      %and3A_743 = arith.andi %ne3A_739, %ne3A_742 : i1
      %sub3A_744 = arith.constant 1 : i32
      %sub3A_745 = arith.subi %div3A_724, %sub3A_744 : i32
      %select_n3A_746 = arith.select %and3A_743, %sub3A_745, %div3A_724 : i32
      %mul3A_747 = arith.constant 64 : i32
      %mul3A_748 = arith.muli %select_n3A_746, %mul3A_747 : i32
      %dma_start3A_749 = arith.constant 0 : i32
      %dma_start3A_750 = arith.constant 0 : i32
      %dma_start3A_751 = arith.constant 0 : i32
      %dma_start3A_752 = tpu.memref_slice %arg6[%dma_start3A_749, %dma_start3A_750, %dma_start3A_751] : memref<10x128x64xf32, #tpu.memory_space<vmem>> -> memref<1x128x64xf32, #tpu.memory_space<vmem>>
      %dma_start3A_753 = tpu.memref_squeeze %dma_start3A_752 : memref<1x128x64xf32, #tpu.memory_space<vmem>> -> memref<128x64xf32, #tpu.memory_space<vmem>>
      %dma_start3A_754 = tpu.memref_slice %arg4[%add3A_722, %mul3A_748] : memref<409600x128xf32, #tpu.memory_space<hbm>> -> memref<128x64xf32, #tpu.memory_space<hbm>>
      %dma_start3A_755 = tpu.memref_slice %arg4[%add3A_722, %mul3A_748] : memref<409600x128xf32, #tpu.memory_space<hbm>> -> memref<128x64xf32, #tpu.memory_space<hbm>>
      %dma_start3A_756 = arith.constant 0 : i32
      %dma_start3A_757 = arith.constant 0 : i32
      %dma_start3A_758 = tpu.memref_slice %arg6[%dma_start3A_749, %dma_start3A_756, %dma_start3A_757] : memref<10x128x64xf32, #tpu.memory_space<vmem>> -> memref<1x128x64xf32, #tpu.memory_space<vmem>>
      %dma_start3A_759 = tpu.memref_squeeze %dma_start3A_758 : memref<1x128x64xf32, #tpu.memory_space<vmem>> -> memref<128x64xf32, #tpu.memory_space<vmem>>
      tpu.enqueue_dma source(%dma_start3A_759 : memref<128x64xf32, #tpu.memory_space<vmem>>) target(%dma_start3A_755 : memref<128x64xf32, #tpu.memory_space<hbm>>) target_semaphore(%arg9 : memref<!tpu.dma_semaphore, #tpu.memory_space<semaphore_mem>>)
      %mul3A_760 = arith.constant 200 : i32
      %mul3A_761 = arith.muli %add3A, %mul3A_760 : i32
      %mul3A_762 = arith.constant 5 : i32
      %mul3A_763 = arith.muli %mul3A_513, %mul3A_762 : i32
      %add3A_764 = arith.addi %mul3A_761, %mul3A_763 : i32
      %add3A_765 = arith.constant 1 : i32
      %add3A_766 = arith.addi %add3A_764, %add3A_765 : i32
      %jit3A_767 = arith.constant 32 : i32
      %div3A_768 = arith.divsi %add3A_766, %jit3A_767 : i32
      %sign3A_769 = arith.constant 0 : i32
      %sign3A_770 = arith.cmpi sgt, %add3A_766, %sign3A_769 : i32
      %sign3A_771 = arith.extui %sign3A_770 : i1 to i32
      %sign3A_772 = arith.constant 0 : i32
      %sign3A_773 = arith.cmpi slt, %add3A_766, %sign3A_772 : i32
      %sign3A_774 = arith.extui %sign3A_773 : i1 to i32
      %sign3A_775 = arith.subi %sign3A_771, %sign3A_774 : i32
      %sign3A_776 = arith.constant 0 : i32
      %sign3A_777 = arith.cmpi sgt, %jit3A_767, %sign3A_776 : i32
      %sign3A_778 = arith.extui %sign3A_777 : i1 to i32
      %sign3A_779 = arith.constant 0 : i32
      %sign3A_780 = arith.cmpi slt, %jit3A_767, %sign3A_779 : i32
      %sign3A_781 = arith.extui %sign3A_780 : i1 to i32
      %sign3A_782 = arith.subi %sign3A_778, %sign3A_781 : i32
      %ne3A_783 = arith.cmpi ne, %sign3A_775, %sign3A_782 : i32
      %rem3A_784 = arith.remsi %add3A_766, %jit3A_767 : i32
      %ne3A_785 = arith.constant 0 : i32
      %ne3A_786 = arith.cmpi ne, %rem3A_784, %ne3A_785 : i32
      %and3A_787 = arith.andi %ne3A_783, %ne3A_786 : i1
      %sub3A_788 = arith.constant 1 : i32
      %sub3A_789 = arith.subi %div3A_768, %sub3A_788 : i32
      %select_n3A_790 = arith.select %and3A_787, %sub3A_789, %div3A_768 : i32
      %mul3A_791 = arith.constant 32 : i32
      %mul3A_792 = arith.muli %select_n3A_790, %mul3A_791 : i32
      %sub3A_793 = arith.subi %add3A_766, %mul3A_792 : i32
      %mul3A_794 = arith.constant 2048 : i32
      %mul3A_795 = arith.muli %select_n3A_790, %mul3A_794 : i32
      %jit3A_796 = arith.constant 16 : i32
      %eq3A_797 = arith.constant 0 : i32
      %eq3A_798 = arith.cmpi eq, %jit3A_796, %eq3A_797 : i32
      %jit3A_799 = arith.constant 1 : i32
      %select_n3A_800 = arith.select %eq3A_798, %jit3A_799, %jit3A_796 : i32
      %rem3A_801 = arith.remsi %sub3A_793, %select_n3A_800 : i32
      %ne3A_802 = arith.constant 0 : i32
      %ne3A_803 = arith.cmpi ne, %rem3A_801, %ne3A_802 : i32
      %lt3A_804 = arith.constant 0 : i32
      %lt3A_805 = arith.cmpi slt, %rem3A_801, %lt3A_804 : i32
      %lt3A_806 = arith.constant 0 : i32
      %lt3A_807 = arith.cmpi slt, %select_n3A_800, %lt3A_806 : i32
      %ne3A_808 = arith.xori %lt3A_805, %lt3A_807 : i1
      %and3A_809 = arith.andi %ne3A_808, %ne3A_803 : i1
      %add3A_810 = arith.addi %rem3A_801, %select_n3A_800 : i32
      %select_n3A_811 = arith.select %and3A_809, %add3A_810, %rem3A_801 : i32
      %mul3A_812 = arith.constant 128 : i32
      %mul3A_813 = arith.muli %select_n3A_811, %mul3A_812 : i32
      %add3A_814 = arith.addi %mul3A_795, %mul3A_813 : i32
      %jit3A_815 = arith.constant 16 : i32
      %div3A_816 = arith.divsi %sub3A_793, %jit3A_815 : i32
      %sign3A_817 = arith.constant 0 : i32
      %sign3A_818 = arith.cmpi sgt, %sub3A_793, %sign3A_817 : i32
      %sign3A_819 = arith.extui %sign3A_818 : i1 to i32
      %sign3A_820 = arith.constant 0 : i32
      %sign3A_821 = arith.cmpi slt, %sub3A_793, %sign3A_820 : i32
      %sign3A_822 = arith.extui %sign3A_821 : i1 to i32
      %sign3A_823 = arith.subi %sign3A_819, %sign3A_822 : i32
      %sign3A_824 = arith.constant 0 : i32
      %sign3A_825 = arith.cmpi sgt, %jit3A_815, %sign3A_824 : i32
      %sign3A_826 = arith.extui %sign3A_825 : i1 to i32
      %sign3A_827 = arith.constant 0 : i32
      %sign3A_828 = arith.cmpi slt, %jit3A_815, %sign3A_827 : i32
      %sign3A_829 = arith.extui %sign3A_828 : i1 to i32
      %sign3A_830 = arith.subi %sign3A_826, %sign3A_829 : i32
      %ne3A_831 = arith.cmpi ne, %sign3A_823, %sign3A_830 : i32
      %rem3A_832 = arith.remsi %sub3A_793, %jit3A_815 : i32
      %ne3A_833 = arith.constant 0 : i32
      %ne3A_834 = arith.cmpi ne, %rem3A_832, %ne3A_833 : i32
      %and3A_835 = arith.andi %ne3A_831, %ne3A_834 : i1
      %sub3A_836 = arith.constant 1 : i32
      %sub3A_837 = arith.subi %div3A_816, %sub3A_836 : i32
      %select_n3A_838 = arith.select %and3A_835, %sub3A_837, %div3A_816 : i32
      %mul3A_839 = arith.constant 64 : i32
      %mul3A_840 = arith.muli %select_n3A_838, %mul3A_839 : i32
      %dma_start3A_841 = arith.constant 1 : i32
      %dma_start3A_842 = arith.constant 0 : i32
      %dma_start3A_843 = arith.constant 0 : i32
      %dma_start3A_844 = tpu.memref_slice %arg6[%dma_start3A_841, %dma_start3A_842, %dma_start3A_843] : memref<10x128x64xf32, #tpu.memory_space<vmem>> -> memref<1x128x64xf32, #tpu.memory_space<vmem>>
      %dma_start3A_845 = tpu.memref_squeeze %dma_start3A_844 : memref<1x128x64xf32, #tpu.memory_space<vmem>> -> memref<128x64xf32, #tpu.memory_space<vmem>>
      %dma_start3A_846 = tpu.memref_slice %arg4[%add3A_814, %mul3A_840] : memref<409600x128xf32, #tpu.memory_space<hbm>> -> memref<128x64xf32, #tpu.memory_space<hbm>>
      %dma_start3A_847 = tpu.memref_slice %arg4[%add3A_814, %mul3A_840] : memref<409600x128xf32, #tpu.memory_space<hbm>> -> memref<128x64xf32, #tpu.memory_space<hbm>>
      %dma_start3A_848 = arith.constant 0 : i32
      %dma_start3A_849 = arith.constant 0 : i32
      %dma_start3A_850 = tpu.memref_slice %arg6[%dma_start3A_841, %dma_start3A_848, %dma_start3A_849] : memref<10x128x64xf32, #tpu.memory_space<vmem>> -> memref<1x128x64xf32, #tpu.memory_space<vmem>>
      %dma_start3A_851 = tpu.memref_squeeze %dma_start3A_850 : memref<1x128x64xf32, #tpu.memory_space<vmem>> -> memref<128x64xf32, #tpu.memory_space<vmem>>
      tpu.enqueue_dma source(%dma_start3A_851 : memref<128x64xf32, #tpu.memory_space<vmem>>) target(%dma_start3A_847 : memref<128x64xf32, #tpu.memory_space<hbm>>) target_semaphore(%arg9 : memref<!tpu.dma_semaphore, #tpu.memory_space<semaphore_mem>>)
      %mul3A_852 = arith.constant 200 : i32
      %mul3A_853 = arith.muli %add3A, %mul3A_852 : i32
      %mul3A_854 = arith.constant 5 : i32
      %mul3A_855 = arith.muli %mul3A_513, %mul3A_854 : i32
      %add3A_856 = arith.addi %mul3A_853, %mul3A_855 : i32
      %add3A_857 = arith.constant 2 : i32
      %add3A_858 = arith.addi %add3A_856, %add3A_857 : i32
      %jit3A_859 = arith.constant 32 : i32
      %div3A_860 = arith.divsi %add3A_858, %jit3A_859 : i32
      %sign3A_861 = arith.constant 0 : i32
      %sign3A_862 = arith.cmpi sgt, %add3A_858, %sign3A_861 : i32
      %sign3A_863 = arith.extui %sign3A_862 : i1 to i32
      %sign3A_864 = arith.constant 0 : i32
      %sign3A_865 = arith.cmpi slt, %add3A_858, %sign3A_864 : i32
      %sign3A_866 = arith.extui %sign3A_865 : i1 to i32
      %sign3A_867 = arith.subi %sign3A_863, %sign3A_866 : i32
      %sign3A_868 = arith.constant 0 : i32
      %sign3A_869 = arith.cmpi sgt, %jit3A_859, %sign3A_868 : i32
      %sign3A_870 = arith.extui %sign3A_869 : i1 to i32
      %sign3A_871 = arith.constant 0 : i32
      %sign3A_872 = arith.cmpi slt, %jit3A_859, %sign3A_871 : i32
      %sign3A_873 = arith.extui %sign3A_872 : i1 to i32
      %sign3A_874 = arith.subi %sign3A_870, %sign3A_873 : i32
      %ne3A_875 = arith.cmpi ne, %sign3A_867, %sign3A_874 : i32
      %rem3A_876 = arith.remsi %add3A_858, %jit3A_859 : i32
      %ne3A_877 = arith.constant 0 : i32
      %ne3A_878 = arith.cmpi ne, %rem3A_876, %ne3A_877 : i32
      %and3A_879 = arith.andi %ne3A_875, %ne3A_878 : i1
      %sub3A_880 = arith.constant 1 : i32
      %sub3A_881 = arith.subi %div3A_860, %sub3A_880 : i32
      %select_n3A_882 = arith.select %and3A_879, %sub3A_881, %div3A_860 : i32
      %mul3A_883 = arith.constant 32 : i32
      %mul3A_884 = arith.muli %select_n3A_882, %mul3A_883 : i32
      %sub3A_885 = arith.subi %add3A_858, %mul3A_884 : i32
      %mul3A_886 = arith.constant 2048 : i32
      %mul3A_887 = arith.muli %select_n3A_882, %mul3A_886 : i32
      %jit3A_888 = arith.constant 16 : i32
      %eq3A_889 = arith.constant 0 : i32
      %eq3A_890 = arith.cmpi eq, %jit3A_888, %eq3A_889 : i32
      %jit3A_891 = arith.constant 1 : i32
      %select_n3A_892 = arith.select %eq3A_890, %jit3A_891, %jit3A_888 : i32
      %rem3A_893 = arith.remsi %sub3A_885, %select_n3A_892 : i32
      %ne3A_894 = arith.constant 0 : i32
      %ne3A_895 = arith.cmpi ne, %rem3A_893, %ne3A_894 : i32
      %lt3A_896 = arith.constant 0 : i32
      %lt3A_897 = arith.cmpi slt, %rem3A_893, %lt3A_896 : i32
      %lt3A_898 = arith.constant 0 : i32
      %lt3A_899 = arith.cmpi slt, %select_n3A_892, %lt3A_898 : i32
      %ne3A_900 = arith.xori %lt3A_897, %lt3A_899 : i1
      %and3A_901 = arith.andi %ne3A_900, %ne3A_895 : i1
      %add3A_902 = arith.addi %rem3A_893, %select_n3A_892 : i32
      %select_n3A_903 = arith.select %and3A_901, %add3A_902, %rem3A_893 : i32
      %mul3A_904 = arith.constant 128 : i32
      %mul3A_905 = arith.muli %select_n3A_903, %mul3A_904 : i32
      %add3A_906 = arith.addi %mul3A_887, %mul3A_905 : i32
      %jit3A_907 = arith.constant 16 : i32
      %div3A_908 = arith.divsi %sub3A_885, %jit3A_907 : i32
      %sign3A_909 = arith.constant 0 : i32
      %sign3A_910 = arith.cmpi sgt, %sub3A_885, %sign3A_909 : i32
      %sign3A_911 = arith.extui %sign3A_910 : i1 to i32
      %sign3A_912 = arith.constant 0 : i32
      %sign3A_913 = arith.cmpi slt, %sub3A_885, %sign3A_912 : i32
      %sign3A_914 = arith.extui %sign3A_913 : i1 to i32
      %sign3A_915 = arith.subi %sign3A_911, %sign3A_914 : i32
      %sign3A_916 = arith.constant 0 : i32
      %sign3A_917 = arith.cmpi sgt, %jit3A_907, %sign3A_916 : i32
      %sign3A_918 = arith.extui %sign3A_917 : i1 to i32
      %sign3A_919 = arith.constant 0 : i32
      %sign3A_920 = arith.cmpi slt, %jit3A_907, %sign3A_919 : i32
      %sign3A_921 = arith.extui %sign3A_920 : i1 to i32
      %sign3A_922 = arith.subi %sign3A_918, %sign3A_921 : i32
      %ne3A_923 = arith.cmpi ne, %sign3A_915, %sign3A_922 : i32
      %rem3A_924 = arith.remsi %sub3A_885, %jit3A_907 : i32
      %ne3A_925 = arith.constant 0 : i32
      %ne3A_926 = arith.cmpi ne, %rem3A_924, %ne3A_925 : i32
      %and3A_927 = arith.andi %ne3A_923, %ne3A_926 : i1
      %sub3A_928 = arith.constant 1 : i32
      %sub3A_929 = arith.subi %div3A_908, %sub3A_928 : i32
      %select_n3A_930 = arith.select %and3A_927, %sub3A_929, %div3A_908 : i32
      %mul3A_931 = arith.constant 64 : i32
      %mul3A_932 = arith.muli %select_n3A_930, %mul3A_931 : i32
      %dma_start3A_933 = arith.constant 2 : i32
      %dma_start3A_934 = arith.constant 0 : i32
      %dma_start3A_935 = arith.constant 0 : i32
      %dma_start3A_936 = tpu.memref_slice %arg6[%dma_start3A_933, %dma_start3A_934, %dma_start3A_935] : memref<10x128x64xf32, #tpu.memory_space<vmem>> -> memref<1x128x64xf32, #tpu.memory_space<vmem>>
      %dma_start3A_937 = tpu.memref_squeeze %dma_start3A_936 : memref<1x128x64xf32, #tpu.memory_space<vmem>> -> memref<128x64xf32, #tpu.memory_space<vmem>>
      %dma_start3A_938 = tpu.memref_slice %arg4[%add3A_906, %mul3A_932] : memref<409600x128xf32, #tpu.memory_space<hbm>> -> memref<128x64xf32, #tpu.memory_space<hbm>>
      %dma_start3A_939 = tpu.memref_slice %arg4[%add3A_906, %mul3A_932] : memref<409600x128xf32, #tpu.memory_space<hbm>> -> memref<128x64xf32, #tpu.memory_space<hbm>>
      %dma_start3A_940 = arith.constant 0 : i32
      %dma_start3A_941 = arith.constant 0 : i32
      %dma_start3A_942 = tpu.memref_slice %arg6[%dma_start3A_933, %dma_start3A_940, %dma_start3A_941] : memref<10x128x64xf32, #tpu.memory_space<vmem>> -> memref<1x128x64xf32, #tpu.memory_space<vmem>>
      %dma_start3A_943 = tpu.memref_squeeze %dma_start3A_942 : memref<1x128x64xf32, #tpu.memory_space<vmem>> -> memref<128x64xf32, #tpu.memory_space<vmem>>
      tpu.enqueue_dma source(%dma_start3A_943 : memref<128x64xf32, #tpu.memory_space<vmem>>) target(%dma_start3A_939 : memref<128x64xf32, #tpu.memory_space<hbm>>) target_semaphore(%arg9 : memref<!tpu.dma_semaphore, #tpu.memory_space<semaphore_mem>>)
      %mul3A_944 = arith.constant 200 : i32
      %mul3A_945 = arith.muli %add3A, %mul3A_944 : i32
      %mul3A_946 = arith.constant 5 : i32
      %mul3A_947 = arith.muli %mul3A_513, %mul3A_946 : i32
      %add3A_948 = arith.addi %mul3A_945, %mul3A_947 : i32
      %add3A_949 = arith.constant 3 : i32
      %add3A_950 = arith.addi %add3A_948, %add3A_949 : i32
      %jit3A_951 = arith.constant 32 : i32
      %div3A_952 = arith.divsi %add3A_950, %jit3A_951 : i32
      %sign3A_953 = arith.constant 0 : i32
      %sign3A_954 = arith.cmpi sgt, %add3A_950, %sign3A_953 : i32
      %sign3A_955 = arith.extui %sign3A_954 : i1 to i32
      %sign3A_956 = arith.constant 0 : i32
      %sign3A_957 = arith.cmpi slt, %add3A_950, %sign3A_956 : i32
      %sign3A_958 = arith.extui %sign3A_957 : i1 to i32
      %sign3A_959 = arith.subi %sign3A_955, %sign3A_958 : i32
      %sign3A_960 = arith.constant 0 : i32
      %sign3A_961 = arith.cmpi sgt, %jit3A_951, %sign3A_960 : i32
      %sign3A_962 = arith.extui %sign3A_961 : i1 to i32
      %sign3A_963 = arith.constant 0 : i32
      %sign3A_964 = arith.cmpi slt, %jit3A_951, %sign3A_963 : i32
      %sign3A_965 = arith.extui %sign3A_964 : i1 to i32
      %sign3A_966 = arith.subi %sign3A_962, %sign3A_965 : i32
      %ne3A_967 = arith.cmpi ne, %sign3A_959, %sign3A_966 : i32
      %rem3A_968 = arith.remsi %add3A_950, %jit3A_951 : i32
      %ne3A_969 = arith.constant 0 : i32
      %ne3A_970 = arith.cmpi ne, %rem3A_968, %ne3A_969 : i32
      %and3A_971 = arith.andi %ne3A_967, %ne3A_970 : i1
      %sub3A_972 = arith.constant 1 : i32
      %sub3A_973 = arith.subi %div3A_952, %sub3A_972 : i32
      %select_n3A_974 = arith.select %and3A_971, %sub3A_973, %div3A_952 : i32
      %mul3A_975 = arith.constant 32 : i32
      %mul3A_976 = arith.muli %select_n3A_974, %mul3A_975 : i32
      %sub3A_977 = arith.subi %add3A_950, %mul3A_976 : i32
      %mul3A_978 = arith.constant 2048 : i32
      %mul3A_979 = arith.muli %select_n3A_974, %mul3A_978 : i32
      %jit3A_980 = arith.constant 16 : i32
      %eq3A_981 = arith.constant 0 : i32
      %eq3A_982 = arith.cmpi eq, %jit3A_980, %eq3A_981 : i32
      %jit3A_983 = arith.constant 1 : i32
      %select_n3A_984 = arith.select %eq3A_982, %jit3A_983, %jit3A_980 : i32
      %rem3A_985 = arith.remsi %sub3A_977, %select_n3A_984 : i32
      %ne3A_986 = arith.constant 0 : i32
      %ne3A_987 = arith.cmpi ne, %rem3A_985, %ne3A_986 : i32
      %lt3A_988 = arith.constant 0 : i32
      %lt3A_989 = arith.cmpi slt, %rem3A_985, %lt3A_988 : i32
      %lt3A_990 = arith.constant 0 : i32
      %lt3A_991 = arith.cmpi slt, %select_n3A_984, %lt3A_990 : i32
      %ne3A_992 = arith.xori %lt3A_989, %lt3A_991 : i1
      %and3A_993 = arith.andi %ne3A_992, %ne3A_987 : i1
      %add3A_994 = arith.addi %rem3A_985, %select_n3A_984 : i32
      %select_n3A_995 = arith.select %and3A_993, %add3A_994, %rem3A_985 : i32
      %mul3A_996 = arith.constant 128 : i32
      %mul3A_997 = arith.muli %select_n3A_995, %mul3A_996 : i32
      %add3A_998 = arith.addi %mul3A_979, %mul3A_997 : i32
      %jit3A_999 = arith.constant 16 : i32
      %div3A_1000 = arith.divsi %sub3A_977, %jit3A_999 : i32
      %sign3A_1001 = arith.constant 0 : i32
      %sign3A_1002 = arith.cmpi sgt, %sub3A_977, %sign3A_1001 : i32
      %sign3A_1003 = arith.extui %sign3A_1002 : i1 to i32
      %sign3A_1004 = arith.constant 0 : i32
      %sign3A_1005 = arith.cmpi slt, %sub3A_977, %sign3A_1004 : i32
      %sign3A_1006 = arith.extui %sign3A_1005 : i1 to i32
      %sign3A_1007 = arith.subi %sign3A_1003, %sign3A_1006 : i32
      %sign3A_1008 = arith.constant 0 : i32
      %sign3A_1009 = arith.cmpi sgt, %jit3A_999, %sign3A_1008 : i32
      %sign3A_1010 = arith.extui %sign3A_1009 : i1 to i32
      %sign3A_1011 = arith.constant 0 : i32
      %sign3A_1012 = arith.cmpi slt, %jit3A_999, %sign3A_1011 : i32
      %sign3A_1013 = arith.extui %sign3A_1012 : i1 to i32
      %sign3A_1014 = arith.subi %sign3A_1010, %sign3A_1013 : i32
      %ne3A_1015 = arith.cmpi ne, %sign3A_1007, %sign3A_1014 : i32
      %rem3A_1016 = arith.remsi %sub3A_977, %jit3A_999 : i32
      %ne3A_1017 = arith.constant 0 : i32
      %ne3A_1018 = arith.cmpi ne, %rem3A_1016, %ne3A_1017 : i32
      %and3A_1019 = arith.andi %ne3A_1015, %ne3A_1018 : i1
      %sub3A_1020 = arith.constant 1 : i32
      %sub3A_1021 = arith.subi %div3A_1000, %sub3A_1020 : i32
      %select_n3A_1022 = arith.select %and3A_1019, %sub3A_1021, %div3A_1000 : i32
      %mul3A_1023 = arith.constant 64 : i32
      %mul3A_1024 = arith.muli %select_n3A_1022, %mul3A_1023 : i32
      %dma_start3A_1025 = arith.constant 3 : i32
      %dma_start3A_1026 = arith.constant 0 : i32
      %dma_start3A_1027 = arith.constant 0 : i32
      %dma_start3A_1028 = tpu.memref_slice %arg6[%dma_start3A_1025, %dma_start3A_1026, %dma_start3A_1027] : memref<10x128x64xf32, #tpu.memory_space<vmem>> -> memref<1x128x64xf32, #tpu.memory_space<vmem>>
      %dma_start3A_1029 = tpu.memref_squeeze %dma_start3A_1028 : memref<1x128x64xf32, #tpu.memory_space<vmem>> -> memref<128x64xf32, #tpu.memory_space<vmem>>
      %dma_start3A_1030 = tpu.memref_slice %arg4[%add3A_998, %mul3A_1024] : memref<409600x128xf32, #tpu.memory_space<hbm>> -> memref<128x64xf32, #tpu.memory_space<hbm>>
      %dma_start3A_1031 = tpu.memref_slice %arg4[%add3A_998, %mul3A_1024] : memref<409600x128xf32, #tpu.memory_space<hbm>> -> memref<128x64xf32, #tpu.memory_space<hbm>>
      %dma_start3A_1032 = arith.constant 0 : i32
      %dma_start3A_1033 = arith.constant 0 : i32
      %dma_start3A_1034 = tpu.memref_slice %arg6[%dma_start3A_1025, %dma_start3A_1032, %dma_start3A_1033] : memref<10x128x64xf32, #tpu.memory_space<vmem>> -> memref<1x128x64xf32, #tpu.memory_space<vmem>>
      %dma_start3A_1035 = tpu.memref_squeeze %dma_start3A_1034 : memref<1x128x64xf32, #tpu.memory_space<vmem>> -> memref<128x64xf32, #tpu.memory_space<vmem>>
      tpu.enqueue_dma source(%dma_start3A_1035 : memref<128x64xf32, #tpu.memory_space<vmem>>) target(%dma_start3A_1031 : memref<128x64xf32, #tpu.memory_space<hbm>>) target_semaphore(%arg9 : memref<!tpu.dma_semaphore, #tpu.memory_space<semaphore_mem>>)
      %mul3A_1036 = arith.constant 200 : i32
      %mul3A_1037 = arith.muli %add3A, %mul3A_1036 : i32
      %mul3A_1038 = arith.constant 5 : i32
      %mul3A_1039 = arith.muli %mul3A_513, %mul3A_1038 : i32
      %add3A_1040 = arith.addi %mul3A_1037, %mul3A_1039 : i32
      %add3A_1041 = arith.constant 4 : i32
      %add3A_1042 = arith.addi %add3A_1040, %add3A_1041 : i32
      %jit3A_1043 = arith.constant 32 : i32
      %div3A_1044 = arith.divsi %add3A_1042, %jit3A_1043 : i32
      %sign3A_1045 = arith.constant 0 : i32
      %sign3A_1046 = arith.cmpi sgt, %add3A_1042, %sign3A_1045 : i32
      %sign3A_1047 = arith.extui %sign3A_1046 : i1 to i32
      %sign3A_1048 = arith.constant 0 : i32
      %sign3A_1049 = arith.cmpi slt, %add3A_1042, %sign3A_1048 : i32
      %sign3A_1050 = arith.extui %sign3A_1049 : i1 to i32
      %sign3A_1051 = arith.subi %sign3A_1047, %sign3A_1050 : i32
      %sign3A_1052 = arith.constant 0 : i32
      %sign3A_1053 = arith.cmpi sgt, %jit3A_1043, %sign3A_1052 : i32
      %sign3A_1054 = arith.extui %sign3A_1053 : i1 to i32
      %sign3A_1055 = arith.constant 0 : i32
      %sign3A_1056 = arith.cmpi slt, %jit3A_1043, %sign3A_1055 : i32
      %sign3A_1057 = arith.extui %sign3A_1056 : i1 to i32
      %sign3A_1058 = arith.subi %sign3A_1054, %sign3A_1057 : i32
      %ne3A_1059 = arith.cmpi ne, %sign3A_1051, %sign3A_1058 : i32
      %rem3A_1060 = arith.remsi %add3A_1042, %jit3A_1043 : i32
      %ne3A_1061 = arith.constant 0 : i32
      %ne3A_1062 = arith.cmpi ne, %rem3A_1060, %ne3A_1061 : i32
      %and3A_1063 = arith.andi %ne3A_1059, %ne3A_1062 : i1
      %sub3A_1064 = arith.constant 1 : i32
      %sub3A_1065 = arith.subi %div3A_1044, %sub3A_1064 : i32
      %select_n3A_1066 = arith.select %and3A_1063, %sub3A_1065, %div3A_1044 : i32
      %mul3A_1067 = arith.constant 32 : i32
      %mul3A_1068 = arith.muli %select_n3A_1066, %mul3A_1067 : i32
      %sub3A_1069 = arith.subi %add3A_1042, %mul3A_1068 : i32
      %mul3A_1070 = arith.constant 2048 : i32
      %mul3A_1071 = arith.muli %select_n3A_1066, %mul3A_1070 : i32
      %jit3A_1072 = arith.constant 16 : i32
      %eq3A_1073 = arith.constant 0 : i32
      %eq3A_1074 = arith.cmpi eq, %jit3A_1072, %eq3A_1073 : i32
      %jit3A_1075 = arith.constant 1 : i32
      %select_n3A_1076 = arith.select %eq3A_1074, %jit3A_1075, %jit3A_1072 : i32
      %rem3A_1077 = arith.remsi %sub3A_1069, %select_n3A_1076 : i32
      %ne3A_1078 = arith.constant 0 : i32
      %ne3A_1079 = arith.cmpi ne, %rem3A_1077, %ne3A_1078 : i32
      %lt3A_1080 = arith.constant 0 : i32
      %lt3A_1081 = arith.cmpi slt, %rem3A_1077, %lt3A_1080 : i32
      %lt3A_1082 = arith.constant 0 : i32
      %lt3A_1083 = arith.cmpi slt, %select_n3A_1076, %lt3A_1082 : i32
      %ne3A_1084 = arith.xori %lt3A_1081, %lt3A_1083 : i1
      %and3A_1085 = arith.andi %ne3A_1084, %ne3A_1079 : i1
      %add3A_1086 = arith.addi %rem3A_1077, %select_n3A_1076 : i32
      %select_n3A_1087 = arith.select %and3A_1085, %add3A_1086, %rem3A_1077 : i32
      %mul3A_1088 = arith.constant 128 : i32
      %mul3A_1089 = arith.muli %select_n3A_1087, %mul3A_1088 : i32
      %add3A_1090 = arith.addi %mul3A_1071, %mul3A_1089 : i32
      %jit3A_1091 = arith.constant 16 : i32
      %div3A_1092 = arith.divsi %sub3A_1069, %jit3A_1091 : i32
      %sign3A_1093 = arith.constant 0 : i32
      %sign3A_1094 = arith.cmpi sgt, %sub3A_1069, %sign3A_1093 : i32
      %sign3A_1095 = arith.extui %sign3A_1094 : i1 to i32
      %sign3A_1096 = arith.constant 0 : i32
      %sign3A_1097 = arith.cmpi slt, %sub3A_1069, %sign3A_1096 : i32
      %sign3A_1098 = arith.extui %sign3A_1097 : i1 to i32
      %sign3A_1099 = arith.subi %sign3A_1095, %sign3A_1098 : i32
      %sign3A_1100 = arith.constant 0 : i32
      %sign3A_1101 = arith.cmpi sgt, %jit3A_1091, %sign3A_1100 : i32
      %sign3A_1102 = arith.extui %sign3A_1101 : i1 to i32
      %sign3A_1103 = arith.constant 0 : i32
      %sign3A_1104 = arith.cmpi slt, %jit3A_1091, %sign3A_1103 : i32
      %sign3A_1105 = arith.extui %sign3A_1104 : i1 to i32
      %sign3A_1106 = arith.subi %sign3A_1102, %sign3A_1105 : i32
      %ne3A_1107 = arith.cmpi ne, %sign3A_1099, %sign3A_1106 : i32
      %rem3A_1108 = arith.remsi %sub3A_1069, %jit3A_1091 : i32
      %ne3A_1109 = arith.constant 0 : i32
      %ne3A_1110 = arith.cmpi ne, %rem3A_1108, %ne3A_1109 : i32
      %and3A_1111 = arith.andi %ne3A_1107, %ne3A_1110 : i1
      %sub3A_1112 = arith.constant 1 : i32
      %sub3A_1113 = arith.subi %div3A_1092, %sub3A_1112 : i32
      %select_n3A_1114 = arith.select %and3A_1111, %sub3A_1113, %div3A_1092 : i32
      %mul3A_1115 = arith.constant 64 : i32
      %mul3A_1116 = arith.muli %select_n3A_1114, %mul3A_1115 : i32
      %dma_start3A_1117 = arith.constant 4 : i32
      %dma_start3A_1118 = arith.constant 0 : i32
      %dma_start3A_1119 = arith.constant 0 : i32
      %dma_start3A_1120 = tpu.memref_slice %arg6[%dma_start3A_1117, %dma_start3A_1118, %dma_start3A_1119] : memref<10x128x64xf32, #tpu.memory_space<vmem>> -> memref<1x128x64xf32, #tpu.memory_space<vmem>>
      %dma_start3A_1121 = tpu.memref_squeeze %dma_start3A_1120 : memref<1x128x64xf32, #tpu.memory_space<vmem>> -> memref<128x64xf32, #tpu.memory_space<vmem>>
      %dma_start3A_1122 = tpu.memref_slice %arg4[%add3A_1090, %mul3A_1116] : memref<409600x128xf32, #tpu.memory_space<hbm>> -> memref<128x64xf32, #tpu.memory_space<hbm>>
      %dma_start3A_1123 = tpu.memref_slice %arg4[%add3A_1090, %mul3A_1116] : memref<409600x128xf32, #tpu.memory_space<hbm>> -> memref<128x64xf32, #tpu.memory_space<hbm>>
      %dma_start3A_1124 = arith.constant 0 : i32
      %dma_start3A_1125 = arith.constant 0 : i32
      %dma_start3A_1126 = tpu.memref_slice %arg6[%dma_start3A_1117, %dma_start3A_1124, %dma_start3A_1125] : memref<10x128x64xf32, #tpu.memory_space<vmem>> -> memref<1x128x64xf32, #tpu.memory_space<vmem>>
      %dma_start3A_1127 = tpu.memref_squeeze %dma_start3A_1126 : memref<1x128x64xf32, #tpu.memory_space<vmem>> -> memref<128x64xf32, #tpu.memory_space<vmem>>
      tpu.enqueue_dma source(%dma_start3A_1127 : memref<128x64xf32, #tpu.memory_space<vmem>>) target(%dma_start3A_1123 : memref<128x64xf32, #tpu.memory_space<hbm>>) target_semaphore(%arg9 : memref<!tpu.dma_semaphore, #tpu.memory_space<semaphore_mem>>)
      %mul3A_1128 = arith.constant 200 : i32
      %mul3A_1129 = arith.muli %add3A, %mul3A_1128 : i32
      %mul3A_1130 = arith.constant 5 : i32
      %mul3A_1131 = arith.muli %mul3A_513, %mul3A_1130 : i32
      %add3A_1132 = arith.addi %mul3A_1129, %mul3A_1131 : i32
      %add3A_1133 = arith.constant 0 : i32
      %add3A_1134 = arith.addi %add3A_1132, %add3A_1133 : i32
      %jit3A_1135 = arith.constant 32 : i32
      %div3A_1136 = arith.divsi %add3A_1134, %jit3A_1135 : i32
      %sign3A_1137 = arith.constant 0 : i32
      %sign3A_1138 = arith.cmpi sgt, %add3A_1134, %sign3A_1137 : i32
      %sign3A_1139 = arith.extui %sign3A_1138 : i1 to i32
      %sign3A_1140 = arith.constant 0 : i32
      %sign3A_1141 = arith.cmpi slt, %add3A_1134, %sign3A_1140 : i32
      %sign3A_1142 = arith.extui %sign3A_1141 : i1 to i32
      %sign3A_1143 = arith.subi %sign3A_1139, %sign3A_1142 : i32
      %sign3A_1144 = arith.constant 0 : i32
      %sign3A_1145 = arith.cmpi sgt, %jit3A_1135, %sign3A_1144 : i32
      %sign3A_1146 = arith.extui %sign3A_1145 : i1 to i32
      %sign3A_1147 = arith.constant 0 : i32
      %sign3A_1148 = arith.cmpi slt, %jit3A_1135, %sign3A_1147 : i32
      %sign3A_1149 = arith.extui %sign3A_1148 : i1 to i32
      %sign3A_1150 = arith.subi %sign3A_1146, %sign3A_1149 : i32
      %ne3A_1151 = arith.cmpi ne, %sign3A_1143, %sign3A_1150 : i32
      %rem3A_1152 = arith.remsi %add3A_1134, %jit3A_1135 : i32
      %ne3A_1153 = arith.constant 0 : i32
      %ne3A_1154 = arith.cmpi ne, %rem3A_1152, %ne3A_1153 : i32
      %and3A_1155 = arith.andi %ne3A_1151, %ne3A_1154 : i1
      %sub3A_1156 = arith.constant 1 : i32
      %sub3A_1157 = arith.subi %div3A_1136, %sub3A_1156 : i32
      %select_n3A_1158 = arith.select %and3A_1155, %sub3A_1157, %div3A_1136 : i32
      %mul3A_1159 = arith.constant 32 : i32
      %mul3A_1160 = arith.muli %select_n3A_1158, %mul3A_1159 : i32
      %sub3A_1161 = arith.subi %add3A_1134, %mul3A_1160 : i32
      %mul3A_1162 = arith.constant 2048 : i32
      %mul3A_1163 = arith.muli %select_n3A_1158, %mul3A_1162 : i32
      %jit3A_1164 = arith.constant 16 : i32
      %eq3A_1165 = arith.constant 0 : i32
      %eq3A_1166 = arith.cmpi eq, %jit3A_1164, %eq3A_1165 : i32
      %jit3A_1167 = arith.constant 1 : i32
      %select_n3A_1168 = arith.select %eq3A_1166, %jit3A_1167, %jit3A_1164 : i32
      %rem3A_1169 = arith.remsi %sub3A_1161, %select_n3A_1168 : i32
      %ne3A_1170 = arith.constant 0 : i32
      %ne3A_1171 = arith.cmpi ne, %rem3A_1169, %ne3A_1170 : i32
      %lt3A_1172 = arith.constant 0 : i32
      %lt3A_1173 = arith.cmpi slt, %rem3A_1169, %lt3A_1172 : i32
      %lt3A_1174 = arith.constant 0 : i32
      %lt3A_1175 = arith.cmpi slt, %select_n3A_1168, %lt3A_1174 : i32
      %ne3A_1176 = arith.xori %lt3A_1173, %lt3A_1175 : i1
      %and3A_1177 = arith.andi %ne3A_1176, %ne3A_1171 : i1
      %add3A_1178 = arith.addi %rem3A_1169, %select_n3A_1168 : i32
      %select_n3A_1179 = arith.select %and3A_1177, %add3A_1178, %rem3A_1169 : i32
      %mul3A_1180 = arith.constant 128 : i32
      %mul3A_1181 = arith.muli %select_n3A_1179, %mul3A_1180 : i32
      %add3A_1182 = arith.addi %mul3A_1163, %mul3A_1181 : i32
      %jit3A_1183 = arith.constant 16 : i32
      %div3A_1184 = arith.divsi %sub3A_1161, %jit3A_1183 : i32
      %sign3A_1185 = arith.constant 0 : i32
      %sign3A_1186 = arith.cmpi sgt, %sub3A_1161, %sign3A_1185 : i32
      %sign3A_1187 = arith.extui %sign3A_1186 : i1 to i32
      %sign3A_1188 = arith.constant 0 : i32
      %sign3A_1189 = arith.cmpi slt, %sub3A_1161, %sign3A_1188 : i32
      %sign3A_1190 = arith.extui %sign3A_1189 : i1 to i32
      %sign3A_1191 = arith.subi %sign3A_1187, %sign3A_1190 : i32
      %sign3A_1192 = arith.constant 0 : i32
      %sign3A_1193 = arith.cmpi sgt, %jit3A_1183, %sign3A_1192 : i32
      %sign3A_1194 = arith.extui %sign3A_1193 : i1 to i32
      %sign3A_1195 = arith.constant 0 : i32
      %sign3A_1196 = arith.cmpi slt, %jit3A_1183, %sign3A_1195 : i32
      %sign3A_1197 = arith.extui %sign3A_1196 : i1 to i32
      %sign3A_1198 = arith.subi %sign3A_1194, %sign3A_1197 : i32
      %ne3A_1199 = arith.cmpi ne, %sign3A_1191, %sign3A_1198 : i32
      %rem3A_1200 = arith.remsi %sub3A_1161, %jit3A_1183 : i32
      %ne3A_1201 = arith.constant 0 : i32
      %ne3A_1202 = arith.cmpi ne, %rem3A_1200, %ne3A_1201 : i32
      %and3A_1203 = arith.andi %ne3A_1199, %ne3A_1202 : i1
      %sub3A_1204 = arith.constant 1 : i32
      %sub3A_1205 = arith.subi %div3A_1184, %sub3A_1204 : i32
      %select_n3A_1206 = arith.select %and3A_1203, %sub3A_1205, %div3A_1184 : i32
      %mul3A_1207 = arith.constant 64 : i32
      %mul3A_1208 = arith.muli %select_n3A_1206, %mul3A_1207 : i32
      %dma_wait3A_1209 = arith.constant 0 : i32
      %dma_wait3A_1210 = arith.constant 0 : i32
      %dma_wait3A_1211 = arith.constant 0 : i32
      %dma_wait3A_1212 = tpu.memref_slice %arg6[%dma_wait3A_1209, %dma_wait3A_1210, %dma_wait3A_1211] : memref<10x128x64xf32, #tpu.memory_space<vmem>> -> memref<1x128x64xf32, #tpu.memory_space<vmem>>
      %dma_wait3A_1213 = tpu.memref_squeeze %dma_wait3A_1212 : memref<1x128x64xf32, #tpu.memory_space<vmem>> -> memref<128x64xf32, #tpu.memory_space<vmem>>
      %dma_wait3A_1214 = tpu.memref_slice %arg4[%add3A_1182, %mul3A_1208] : memref<409600x128xf32, #tpu.memory_space<hbm>> -> memref<128x64xf32, #tpu.memory_space<hbm>>
      %dma_wait3A_1215 = tpu.memref_slice %arg4[%add3A_1182, %mul3A_1208] : memref<409600x128xf32, #tpu.memory_space<hbm>> -> memref<128x64xf32, #tpu.memory_space<hbm>>
      %dma_wait3A_1216 = arith.constant 0 : i32
      %dma_wait3A_1217 = arith.constant 0 : i32
      %dma_wait3A_1218 = tpu.memref_slice %arg6[%dma_wait3A_1209, %dma_wait3A_1216, %dma_wait3A_1217] : memref<10x128x64xf32, #tpu.memory_space<vmem>> -> memref<1x128x64xf32, #tpu.memory_space<vmem>>
      %dma_wait3A_1219 = tpu.memref_squeeze %dma_wait3A_1218 : memref<1x128x64xf32, #tpu.memory_space<vmem>> -> memref<128x64xf32, #tpu.memory_space<vmem>>
      tpu.wait_dma2 semaphore(%arg9 : memref<!tpu.dma_semaphore, #tpu.memory_space<semaphore_mem>>) src(%dma_wait3A_1219 : memref<128x64xf32, #tpu.memory_space<vmem>>) dst(%dma_wait3A_1215 : memref<128x64xf32, #tpu.memory_space<hbm>>)
      %mul3A_1220 = arith.constant 200 : i32
      %mul3A_1221 = arith.muli %add3A, %mul3A_1220 : i32
      %mul3A_1222 = arith.constant 5 : i32
      %mul3A_1223 = arith.muli %mul3A_513, %mul3A_1222 : i32
      %add3A_1224 = arith.addi %mul3A_1221, %mul3A_1223 : i32
      %add3A_1225 = arith.constant 1 : i32
      %add3A_1226 = arith.addi %add3A_1224, %add3A_1225 : i32
      %jit3A_1227 = arith.constant 32 : i32
      %div3A_1228 = arith.divsi %add3A_1226, %jit3A_1227 : i32
      %sign3A_1229 = arith.constant 0 : i32
      %sign3A_1230 = arith.cmpi sgt, %add3A_1226, %sign3A_1229 : i32
      %sign3A_1231 = arith.extui %sign3A_1230 : i1 to i32
      %sign3A_1232 = arith.constant 0 : i32
      %sign3A_1233 = arith.cmpi slt, %add3A_1226, %sign3A_1232 : i32
      %sign3A_1234 = arith.extui %sign3A_1233 : i1 to i32
      %sign3A_1235 = arith.subi %sign3A_1231, %sign3A_1234 : i32
      %sign3A_1236 = arith.constant 0 : i32
      %sign3A_1237 = arith.cmpi sgt, %jit3A_1227, %sign3A_1236 : i32
      %sign3A_1238 = arith.extui %sign3A_1237 : i1 to i32
      %sign3A_1239 = arith.constant 0 : i32
      %sign3A_1240 = arith.cmpi slt, %jit3A_1227, %sign3A_1239 : i32
      %sign3A_1241 = arith.extui %sign3A_1240 : i1 to i32
      %sign3A_1242 = arith.subi %sign3A_1238, %sign3A_1241 : i32
      %ne3A_1243 = arith.cmpi ne, %sign3A_1235, %sign3A_1242 : i32
      %rem3A_1244 = arith.remsi %add3A_1226, %jit3A_1227 : i32
      %ne3A_1245 = arith.constant 0 : i32
      %ne3A_1246 = arith.cmpi ne, %rem3A_1244, %ne3A_1245 : i32
      %and3A_1247 = arith.andi %ne3A_1243, %ne3A_1246 : i1
      %sub3A_1248 = arith.constant 1 : i32
      %sub3A_1249 = arith.subi %div3A_1228, %sub3A_1248 : i32
      %select_n3A_1250 = arith.select %and3A_1247, %sub3A_1249, %div3A_1228 : i32
      %mul3A_1251 = arith.constant 32 : i32
      %mul3A_1252 = arith.muli %select_n3A_1250, %mul3A_1251 : i32
      %sub3A_1253 = arith.subi %add3A_1226, %mul3A_1252 : i32
      %mul3A_1254 = arith.constant 2048 : i32
      %mul3A_1255 = arith.muli %select_n3A_1250, %mul3A_1254 : i32
      %jit3A_1256 = arith.constant 16 : i32
      %eq3A_1257 = arith.constant 0 : i32
      %eq3A_1258 = arith.cmpi eq, %jit3A_1256, %eq3A_1257 : i32
      %jit3A_1259 = arith.constant 1 : i32
      %select_n3A_1260 = arith.select %eq3A_1258, %jit3A_1259, %jit3A_1256 : i32
      %rem3A_1261 = arith.remsi %sub3A_1253, %select_n3A_1260 : i32
      %ne3A_1262 = arith.constant 0 : i32
      %ne3A_1263 = arith.cmpi ne, %rem3A_1261, %ne3A_1262 : i32
      %lt3A_1264 = arith.constant 0 : i32
      %lt3A_1265 = arith.cmpi slt, %rem3A_1261, %lt3A_1264 : i32
      %lt3A_1266 = arith.constant 0 : i32
      %lt3A_1267 = arith.cmpi slt, %select_n3A_1260, %lt3A_1266 : i32
      %ne3A_1268 = arith.xori %lt3A_1265, %lt3A_1267 : i1
      %and3A_1269 = arith.andi %ne3A_1268, %ne3A_1263 : i1
      %add3A_1270 = arith.addi %rem3A_1261, %select_n3A_1260 : i32
      %select_n3A_1271 = arith.select %and3A_1269, %add3A_1270, %rem3A_1261 : i32
      %mul3A_1272 = arith.constant 128 : i32
      %mul3A_1273 = arith.muli %select_n3A_1271, %mul3A_1272 : i32
      %add3A_1274 = arith.addi %mul3A_1255, %mul3A_1273 : i32
      %jit3A_1275 = arith.constant 16 : i32
      %div3A_1276 = arith.divsi %sub3A_1253, %jit3A_1275 : i32
      %sign3A_1277 = arith.constant 0 : i32
      %sign3A_1278 = arith.cmpi sgt, %sub3A_1253, %sign3A_1277 : i32
      %sign3A_1279 = arith.extui %sign3A_1278 : i1 to i32
      %sign3A_1280 = arith.constant 0 : i32
      %sign3A_1281 = arith.cmpi slt, %sub3A_1253, %sign3A_1280 : i32
      %sign3A_1282 = arith.extui %sign3A_1281 : i1 to i32
      %sign3A_1283 = arith.subi %sign3A_1279, %sign3A_1282 : i32
      %sign3A_1284 = arith.constant 0 : i32
      %sign3A_1285 = arith.cmpi sgt, %jit3A_1275, %sign3A_1284 : i32
      %sign3A_1286 = arith.extui %sign3A_1285 : i1 to i32
      %sign3A_1287 = arith.constant 0 : i32
      %sign3A_1288 = arith.cmpi slt, %jit3A_1275, %sign3A_1287 : i32
      %sign3A_1289 = arith.extui %sign3A_1288 : i1 to i32
      %sign3A_1290 = arith.subi %sign3A_1286, %sign3A_1289 : i32
      %ne3A_1291 = arith.cmpi ne, %sign3A_1283, %sign3A_1290 : i32
      %rem3A_1292 = arith.remsi %sub3A_1253, %jit3A_1275 : i32
      %ne3A_1293 = arith.constant 0 : i32
      %ne3A_1294 = arith.cmpi ne, %rem3A_1292, %ne3A_1293 : i32
      %and3A_1295 = arith.andi %ne3A_1291, %ne3A_1294 : i1
      %sub3A_1296 = arith.constant 1 : i32
      %sub3A_1297 = arith.subi %div3A_1276, %sub3A_1296 : i32
      %select_n3A_1298 = arith.select %and3A_1295, %sub3A_1297, %div3A_1276 : i32
      %mul3A_1299 = arith.constant 64 : i32
      %mul3A_1300 = arith.muli %select_n3A_1298, %mul3A_1299 : i32
      %dma_wait3A_1301 = arith.constant 1 : i32
      %dma_wait3A_1302 = arith.constant 0 : i32
      %dma_wait3A_1303 = arith.constant 0 : i32
      %dma_wait3A_1304 = tpu.memref_slice %arg6[%dma_wait3A_1301, %dma_wait3A_1302, %dma_wait3A_1303] : memref<10x128x64xf32, #tpu.memory_space<vmem>> -> memref<1x128x64xf32, #tpu.memory_space<vmem>>
      %dma_wait3A_1305 = tpu.memref_squeeze %dma_wait3A_1304 : memref<1x128x64xf32, #tpu.memory_space<vmem>> -> memref<128x64xf32, #tpu.memory_space<vmem>>
      %dma_wait3A_1306 = tpu.memref_slice %arg4[%add3A_1274, %mul3A_1300] : memref<409600x128xf32, #tpu.memory_space<hbm>> -> memref<128x64xf32, #tpu.memory_space<hbm>>
      %dma_wait3A_1307 = tpu.memref_slice %arg4[%add3A_1274, %mul3A_1300] : memref<409600x128xf32, #tpu.memory_space<hbm>> -> memref<128x64xf32, #tpu.memory_space<hbm>>
      %dma_wait3A_1308 = arith.constant 0 : i32
      %dma_wait3A_1309 = arith.constant 0 : i32
      %dma_wait3A_1310 = tpu.memref_slice %arg6[%dma_wait3A_1301, %dma_wait3A_1308, %dma_wait3A_1309] : memref<10x128x64xf32, #tpu.memory_space<vmem>> -> memref<1x128x64xf32, #tpu.memory_space<vmem>>
      %dma_wait3A_1311 = tpu.memref_squeeze %dma_wait3A_1310 : memref<1x128x64xf32, #tpu.memory_space<vmem>> -> memref<128x64xf32, #tpu.memory_space<vmem>>
      tpu.wait_dma2 semaphore(%arg9 : memref<!tpu.dma_semaphore, #tpu.memory_space<semaphore_mem>>) src(%dma_wait3A_1311 : memref<128x64xf32, #tpu.memory_space<vmem>>) dst(%dma_wait3A_1307 : memref<128x64xf32, #tpu.memory_space<hbm>>)
      %mul3A_1312 = arith.constant 200 : i32
      %mul3A_1313 = arith.muli %add3A, %mul3A_1312 : i32
      %mul3A_1314 = arith.constant 5 : i32
      %mul3A_1315 = arith.muli %mul3A_513, %mul3A_1314 : i32
      %add3A_1316 = arith.addi %mul3A_1313, %mul3A_1315 : i32
      %add3A_1317 = arith.constant 2 : i32
      %add3A_1318 = arith.addi %add3A_1316, %add3A_1317 : i32
      %jit3A_1319 = arith.constant 32 : i32
      %div3A_1320 = arith.divsi %add3A_1318, %jit3A_1319 : i32
      %sign3A_1321 = arith.constant 0 : i32
      %sign3A_1322 = arith.cmpi sgt, %add3A_1318, %sign3A_1321 : i32
      %sign3A_1323 = arith.extui %sign3A_1322 : i1 to i32
      %sign3A_1324 = arith.constant 0 : i32
      %sign3A_1325 = arith.cmpi slt, %add3A_1318, %sign3A_1324 : i32
      %sign3A_1326 = arith.extui %sign3A_1325 : i1 to i32
      %sign3A_1327 = arith.subi %sign3A_1323, %sign3A_1326 : i32
      %sign3A_1328 = arith.constant 0 : i32
      %sign3A_1329 = arith.cmpi sgt, %jit3A_1319, %sign3A_1328 : i32
      %sign3A_1330 = arith.extui %sign3A_1329 : i1 to i32
      %sign3A_1331 = arith.constant 0 : i32
      %sign3A_1332 = arith.cmpi slt, %jit3A_1319, %sign3A_1331 : i32
      %sign3A_1333 = arith.extui %sign3A_1332 : i1 to i32
      %sign3A_1334 = arith.subi %sign3A_1330, %sign3A_1333 : i32
      %ne3A_1335 = arith.cmpi ne, %sign3A_1327, %sign3A_1334 : i32
      %rem3A_1336 = arith.remsi %add3A_1318, %jit3A_1319 : i32
      %ne3A_1337 = arith.constant 0 : i32
      %ne3A_1338 = arith.cmpi ne, %rem3A_1336, %ne3A_1337 : i32
      %and3A_1339 = arith.andi %ne3A_1335, %ne3A_1338 : i1
      %sub3A_1340 = arith.constant 1 : i32
      %sub3A_1341 = arith.subi %div3A_1320, %sub3A_1340 : i32
      %select_n3A_1342 = arith.select %and3A_1339, %sub3A_1341, %div3A_1320 : i32
      %mul3A_1343 = arith.constant 32 : i32
      %mul3A_1344 = arith.muli %select_n3A_1342, %mul3A_1343 : i32
      %sub3A_1345 = arith.subi %add3A_1318, %mul3A_1344 : i32
      %mul3A_1346 = arith.constant 2048 : i32
      %mul3A_1347 = arith.muli %select_n3A_1342, %mul3A_1346 : i32
      %jit3A_1348 = arith.constant 16 : i32
      %eq3A_1349 = arith.constant 0 : i32
      %eq3A_1350 = arith.cmpi eq, %jit3A_1348, %eq3A_1349 : i32
      %jit3A_1351 = arith.constant 1 : i32
      %select_n3A_1352 = arith.select %eq3A_1350, %jit3A_1351, %jit3A_1348 : i32
      %rem3A_1353 = arith.remsi %sub3A_1345, %select_n3A_1352 : i32
      %ne3A_1354 = arith.constant 0 : i32
      %ne3A_1355 = arith.cmpi ne, %rem3A_1353, %ne3A_1354 : i32
      %lt3A_1356 = arith.constant 0 : i32
      %lt3A_1357 = arith.cmpi slt, %rem3A_1353, %lt3A_1356 : i32
      %lt3A_1358 = arith.constant 0 : i32
      %lt3A_1359 = arith.cmpi slt, %select_n3A_1352, %lt3A_1358 : i32
      %ne3A_1360 = arith.xori %lt3A_1357, %lt3A_1359 : i1
      %and3A_1361 = arith.andi %ne3A_1360, %ne3A_1355 : i1
      %add3A_1362 = arith.addi %rem3A_1353, %select_n3A_1352 : i32
      %select_n3A_1363 = arith.select %and3A_1361, %add3A_1362, %rem3A_1353 : i32
      %mul3A_1364 = arith.constant 128 : i32
      %mul3A_1365 = arith.muli %select_n3A_1363, %mul3A_1364 : i32
      %add3A_1366 = arith.addi %mul3A_1347, %mul3A_1365 : i32
      %jit3A_1367 = arith.constant 16 : i32
      %div3A_1368 = arith.divsi %sub3A_1345, %jit3A_1367 : i32
      %sign3A_1369 = arith.constant 0 : i32
      %sign3A_1370 = arith.cmpi sgt, %sub3A_1345, %sign3A_1369 : i32
      %sign3A_1371 = arith.extui %sign3A_1370 : i1 to i32
      %sign3A_1372 = arith.constant 0 : i32
      %sign3A_1373 = arith.cmpi slt, %sub3A_1345, %sign3A_1372 : i32
      %sign3A_1374 = arith.extui %sign3A_1373 : i1 to i32
      %sign3A_1375 = arith.subi %sign3A_1371, %sign3A_1374 : i32
      %sign3A_1376 = arith.constant 0 : i32
      %sign3A_1377 = arith.cmpi sgt, %jit3A_1367, %sign3A_1376 : i32
      %sign3A_1378 = arith.extui %sign3A_1377 : i1 to i32
      %sign3A_1379 = arith.constant 0 : i32
      %sign3A_1380 = arith.cmpi slt, %jit3A_1367, %sign3A_1379 : i32
      %sign3A_1381 = arith.extui %sign3A_1380 : i1 to i32
      %sign3A_1382 = arith.subi %sign3A_1378, %sign3A_1381 : i32
      %ne3A_1383 = arith.cmpi ne, %sign3A_1375, %sign3A_1382 : i32
      %rem3A_1384 = arith.remsi %sub3A_1345, %jit3A_1367 : i32
      %ne3A_1385 = arith.constant 0 : i32
      %ne3A_1386 = arith.cmpi ne, %rem3A_1384, %ne3A_1385 : i32
      %and3A_1387 = arith.andi %ne3A_1383, %ne3A_1386 : i1
      %sub3A_1388 = arith.constant 1 : i32
      %sub3A_1389 = arith.subi %div3A_1368, %sub3A_1388 : i32
      %select_n3A_1390 = arith.select %and3A_1387, %sub3A_1389, %div3A_1368 : i32
      %mul3A_1391 = arith.constant 64 : i32
      %mul3A_1392 = arith.muli %select_n3A_1390, %mul3A_1391 : i32
      %dma_wait3A_1393 = arith.constant 2 : i32
      %dma_wait3A_1394 = arith.constant 0 : i32
      %dma_wait3A_1395 = arith.constant 0 : i32
      %dma_wait3A_1396 = tpu.memref_slice %arg6[%dma_wait3A_1393, %dma_wait3A_1394, %dma_wait3A_1395] : memref<10x128x64xf32, #tpu.memory_space<vmem>> -> memref<1x128x64xf32, #tpu.memory_space<vmem>>
      %dma_wait3A_1397 = tpu.memref_squeeze %dma_wait3A_1396 : memref<1x128x64xf32, #tpu.memory_space<vmem>> -> memref<128x64xf32, #tpu.memory_space<vmem>>
      %dma_wait3A_1398 = tpu.memref_slice %arg4[%add3A_1366, %mul3A_1392] : memref<409600x128xf32, #tpu.memory_space<hbm>> -> memref<128x64xf32, #tpu.memory_space<hbm>>
      %dma_wait3A_1399 = tpu.memref_slice %arg4[%add3A_1366, %mul3A_1392] : memref<409600x128xf32, #tpu.memory_space<hbm>> -> memref<128x64xf32, #tpu.memory_space<hbm>>
      %dma_wait3A_1400 = arith.constant 0 : i32
      %dma_wait3A_1401 = arith.constant 0 : i32
      %dma_wait3A_1402 = tpu.memref_slice %arg6[%dma_wait3A_1393, %dma_wait3A_1400, %dma_wait3A_1401] : memref<10x128x64xf32, #tpu.memory_space<vmem>> -> memref<1x128x64xf32, #tpu.memory_space<vmem>>
      %dma_wait3A_1403 = tpu.memref_squeeze %dma_wait3A_1402 : memref<1x128x64xf32, #tpu.memory_space<vmem>> -> memref<128x64xf32, #tpu.memory_space<vmem>>
      tpu.wait_dma2 semaphore(%arg9 : memref<!tpu.dma_semaphore, #tpu.memory_space<semaphore_mem>>) src(%dma_wait3A_1403 : memref<128x64xf32, #tpu.memory_space<vmem>>) dst(%dma_wait3A_1399 : memref<128x64xf32, #tpu.memory_space<hbm>>)
      %mul3A_1404 = arith.constant 200 : i32
      %mul3A_1405 = arith.muli %add3A, %mul3A_1404 : i32
      %mul3A_1406 = arith.constant 5 : i32
      %mul3A_1407 = arith.muli %mul3A_513, %mul3A_1406 : i32
      %add3A_1408 = arith.addi %mul3A_1405, %mul3A_1407 : i32
      %add3A_1409 = arith.constant 3 : i32
      %add3A_1410 = arith.addi %add3A_1408, %add3A_1409 : i32
      %jit3A_1411 = arith.constant 32 : i32
      %div3A_1412 = arith.divsi %add3A_1410, %jit3A_1411 : i32
      %sign3A_1413 = arith.constant 0 : i32
      %sign3A_1414 = arith.cmpi sgt, %add3A_1410, %sign3A_1413 : i32
      %sign3A_1415 = arith.extui %sign3A_1414 : i1 to i32
      %sign3A_1416 = arith.constant 0 : i32
      %sign3A_1417 = arith.cmpi slt, %add3A_1410, %sign3A_1416 : i32
      %sign3A_1418 = arith.extui %sign3A_1417 : i1 to i32
      %sign3A_1419 = arith.subi %sign3A_1415, %sign3A_1418 : i32
      %sign3A_1420 = arith.constant 0 : i32
      %sign3A_1421 = arith.cmpi sgt, %jit3A_1411, %sign3A_1420 : i32
      %sign3A_1422 = arith.extui %sign3A_1421 : i1 to i32
      %sign3A_1423 = arith.constant 0 : i32
      %sign3A_1424 = arith.cmpi slt, %jit3A_1411, %sign3A_1423 : i32
      %sign3A_1425 = arith.extui %sign3A_1424 : i1 to i32
      %sign3A_1426 = arith.subi %sign3A_1422, %sign3A_1425 : i32
      %ne3A_1427 = arith.cmpi ne, %sign3A_1419, %sign3A_1426 : i32
      %rem3A_1428 = arith.remsi %add3A_1410, %jit3A_1411 : i32
      %ne3A_1429 = arith.constant 0 : i32
      %ne3A_1430 = arith.cmpi ne, %rem3A_1428, %ne3A_1429 : i32
      %and3A_1431 = arith.andi %ne3A_1427, %ne3A_1430 : i1
      %sub3A_1432 = arith.constant 1 : i32
      %sub3A_1433 = arith.subi %div3A_1412, %sub3A_1432 : i32
      %select_n3A_1434 = arith.select %and3A_1431, %sub3A_1433, %div3A_1412 : i32
      %mul3A_1435 = arith.constant 32 : i32
      %mul3A_1436 = arith.muli %select_n3A_1434, %mul3A_1435 : i32
      %sub3A_1437 = arith.subi %add3A_1410, %mul3A_1436 : i32
      %mul3A_1438 = arith.constant 2048 : i32
      %mul3A_1439 = arith.muli %select_n3A_1434, %mul3A_1438 : i32
      %jit3A_1440 = arith.constant 16 : i32
      %eq3A_1441 = arith.constant 0 : i32
      %eq3A_1442 = arith.cmpi eq, %jit3A_1440, %eq3A_1441 : i32
      %jit3A_1443 = arith.constant 1 : i32
      %select_n3A_1444 = arith.select %eq3A_1442, %jit3A_1443, %jit3A_1440 : i32
      %rem3A_1445 = arith.remsi %sub3A_1437, %select_n3A_1444 : i32
      %ne3A_1446 = arith.constant 0 : i32
      %ne3A_1447 = arith.cmpi ne, %rem3A_1445, %ne3A_1446 : i32
      %lt3A_1448 = arith.constant 0 : i32
      %lt3A_1449 = arith.cmpi slt, %rem3A_1445, %lt3A_1448 : i32
      %lt3A_1450 = arith.constant 0 : i32
      %lt3A_1451 = arith.cmpi slt, %select_n3A_1444, %lt3A_1450 : i32
      %ne3A_1452 = arith.xori %lt3A_1449, %lt3A_1451 : i1
      %and3A_1453 = arith.andi %ne3A_1452, %ne3A_1447 : i1
      %add3A_1454 = arith.addi %rem3A_1445, %select_n3A_1444 : i32
      %select_n3A_1455 = arith.select %and3A_1453, %add3A_1454, %rem3A_1445 : i32
      %mul3A_1456 = arith.constant 128 : i32
      %mul3A_1457 = arith.muli %select_n3A_1455, %mul3A_1456 : i32
      %add3A_1458 = arith.addi %mul3A_1439, %mul3A_1457 : i32
      %jit3A_1459 = arith.constant 16 : i32
      %div3A_1460 = arith.divsi %sub3A_1437, %jit3A_1459 : i32
      %sign3A_1461 = arith.constant 0 : i32
      %sign3A_1462 = arith.cmpi sgt, %sub3A_1437, %sign3A_1461 : i32
      %sign3A_1463 = arith.extui %sign3A_1462 : i1 to i32
      %sign3A_1464 = arith.constant 0 : i32
      %sign3A_1465 = arith.cmpi slt, %sub3A_1437, %sign3A_1464 : i32
      %sign3A_1466 = arith.extui %sign3A_1465 : i1 to i32
      %sign3A_1467 = arith.subi %sign3A_1463, %sign3A_1466 : i32
      %sign3A_1468 = arith.constant 0 : i32
      %sign3A_1469 = arith.cmpi sgt, %jit3A_1459, %sign3A_1468 : i32
      %sign3A_1470 = arith.extui %sign3A_1469 : i1 to i32
      %sign3A_1471 = arith.constant 0 : i32
      %sign3A_1472 = arith.cmpi slt, %jit3A_1459, %sign3A_1471 : i32
      %sign3A_1473 = arith.extui %sign3A_1472 : i1 to i32
      %sign3A_1474 = arith.subi %sign3A_1470, %sign3A_1473 : i32
      %ne3A_1475 = arith.cmpi ne, %sign3A_1467, %sign3A_1474 : i32
      %rem3A_1476 = arith.remsi %sub3A_1437, %jit3A_1459 : i32
      %ne3A_1477 = arith.constant 0 : i32
      %ne3A_1478 = arith.cmpi ne, %rem3A_1476, %ne3A_1477 : i32
      %and3A_1479 = arith.andi %ne3A_1475, %ne3A_1478 : i1
      %sub3A_1480 = arith.constant 1 : i32
      %sub3A_1481 = arith.subi %div3A_1460, %sub3A_1480 : i32
      %select_n3A_1482 = arith.select %and3A_1479, %sub3A_1481, %div3A_1460 : i32
      %mul3A_1483 = arith.constant 64 : i32
      %mul3A_1484 = arith.muli %select_n3A_1482, %mul3A_1483 : i32
      %dma_wait3A_1485 = arith.constant 3 : i32
      %dma_wait3A_1486 = arith.constant 0 : i32
      %dma_wait3A_1487 = arith.constant 0 : i32
      %dma_wait3A_1488 = tpu.memref_slice %arg6[%dma_wait3A_1485, %dma_wait3A_1486, %dma_wait3A_1487] : memref<10x128x64xf32, #tpu.memory_space<vmem>> -> memref<1x128x64xf32, #tpu.memory_space<vmem>>
      %dma_wait3A_1489 = tpu.memref_squeeze %dma_wait3A_1488 : memref<1x128x64xf32, #tpu.memory_space<vmem>> -> memref<128x64xf32, #tpu.memory_space<vmem>>
      %dma_wait3A_1490 = tpu.memref_slice %arg4[%add3A_1458, %mul3A_1484] : memref<409600x128xf32, #tpu.memory_space<hbm>> -> memref<128x64xf32, #tpu.memory_space<hbm>>
      %dma_wait3A_1491 = tpu.memref_slice %arg4[%add3A_1458, %mul3A_1484] : memref<409600x128xf32, #tpu.memory_space<hbm>> -> memref<128x64xf32, #tpu.memory_space<hbm>>
      %dma_wait3A_1492 = arith.constant 0 : i32
      %dma_wait3A_1493 = arith.constant 0 : i32
      %dma_wait3A_1494 = tpu.memref_slice %arg6[%dma_wait3A_1485, %dma_wait3A_1492, %dma_wait3A_1493] : memref<10x128x64xf32, #tpu.memory_space<vmem>> -> memref<1x128x64xf32, #tpu.memory_space<vmem>>
      %dma_wait3A_1495 = tpu.memref_squeeze %dma_wait3A_1494 : memref<1x128x64xf32, #tpu.memory_space<vmem>> -> memref<128x64xf32, #tpu.memory_space<vmem>>
      tpu.wait_dma2 semaphore(%arg9 : memref<!tpu.dma_semaphore, #tpu.memory_space<semaphore_mem>>) src(%dma_wait3A_1495 : memref<128x64xf32, #tpu.memory_space<vmem>>) dst(%dma_wait3A_1491 : memref<128x64xf32, #tpu.memory_space<hbm>>)
      %mul3A_1496 = arith.constant 200 : i32
      %mul3A_1497 = arith.muli %add3A, %mul3A_1496 : i32
      %mul3A_1498 = arith.constant 5 : i32
      %mul3A_1499 = arith.muli %mul3A_513, %mul3A_1498 : i32
      %add3A_1500 = arith.addi %mul3A_1497, %mul3A_1499 : i32
      %add3A_1501 = arith.constant 4 : i32
      %add3A_1502 = arith.addi %add3A_1500, %add3A_1501 : i32
      %jit3A_1503 = arith.constant 32 : i32
      %div3A_1504 = arith.divsi %add3A_1502, %jit3A_1503 : i32
      %sign3A_1505 = arith.constant 0 : i32
      %sign3A_1506 = arith.cmpi sgt, %add3A_1502, %sign3A_1505 : i32
      %sign3A_1507 = arith.extui %sign3A_1506 : i1 to i32
      %sign3A_1508 = arith.constant 0 : i32
      %sign3A_1509 = arith.cmpi slt, %add3A_1502, %sign3A_1508 : i32
      %sign3A_1510 = arith.extui %sign3A_1509 : i1 to i32
      %sign3A_1511 = arith.subi %sign3A_1507, %sign3A_1510 : i32
      %sign3A_1512 = arith.constant 0 : i32
      %sign3A_1513 = arith.cmpi sgt, %jit3A_1503, %sign3A_1512 : i32
      %sign3A_1514 = arith.extui %sign3A_1513 : i1 to i32
      %sign3A_1515 = arith.constant 0 : i32
      %sign3A_1516 = arith.cmpi slt, %jit3A_1503, %sign3A_1515 : i32
      %sign3A_1517 = arith.extui %sign3A_1516 : i1 to i32
      %sign3A_1518 = arith.subi %sign3A_1514, %sign3A_1517 : i32
      %ne3A_1519 = arith.cmpi ne, %sign3A_1511, %sign3A_1518 : i32
      %rem3A_1520 = arith.remsi %add3A_1502, %jit3A_1503 : i32
      %ne3A_1521 = arith.constant 0 : i32
      %ne3A_1522 = arith.cmpi ne, %rem3A_1520, %ne3A_1521 : i32
      %and3A_1523 = arith.andi %ne3A_1519, %ne3A_1522 : i1
      %sub3A_1524 = arith.constant 1 : i32
      %sub3A_1525 = arith.subi %div3A_1504, %sub3A_1524 : i32
      %select_n3A_1526 = arith.select %and3A_1523, %sub3A_1525, %div3A_1504 : i32
      %mul3A_1527 = arith.constant 32 : i32
      %mul3A_1528 = arith.muli %select_n3A_1526, %mul3A_1527 : i32
      %sub3A_1529 = arith.subi %add3A_1502, %mul3A_1528 : i32
      %mul3A_1530 = arith.constant 2048 : i32
      %mul3A_1531 = arith.muli %select_n3A_1526, %mul3A_1530 : i32
      %jit3A_1532 = arith.constant 16 : i32
      %eq3A_1533 = arith.constant 0 : i32
      %eq3A_1534 = arith.cmpi eq, %jit3A_1532, %eq3A_1533 : i32
      %jit3A_1535 = arith.constant 1 : i32
      %select_n3A_1536 = arith.select %eq3A_1534, %jit3A_1535, %jit3A_1532 : i32
      %rem3A_1537 = arith.remsi %sub3A_1529, %select_n3A_1536 : i32
      %ne3A_1538 = arith.constant 0 : i32
      %ne3A_1539 = arith.cmpi ne, %rem3A_1537, %ne3A_1538 : i32
      %lt3A_1540 = arith.constant 0 : i32
      %lt3A_1541 = arith.cmpi slt, %rem3A_1537, %lt3A_1540 : i32
      %lt3A_1542 = arith.constant 0 : i32
      %lt3A_1543 = arith.cmpi slt, %select_n3A_1536, %lt3A_1542 : i32
      %ne3A_1544 = arith.xori %lt3A_1541, %lt3A_1543 : i1
      %and3A_1545 = arith.andi %ne3A_1544, %ne3A_1539 : i1
      %add3A_1546 = arith.addi %rem3A_1537, %select_n3A_1536 : i32
      %select_n3A_1547 = arith.select %and3A_1545, %add3A_1546, %rem3A_1537 : i32
      %mul3A_1548 = arith.constant 128 : i32
      %mul3A_1549 = arith.muli %select_n3A_1547, %mul3A_1548 : i32
      %add3A_1550 = arith.addi %mul3A_1531, %mul3A_1549 : i32
      %jit3A_1551 = arith.constant 16 : i32
      %div3A_1552 = arith.divsi %sub3A_1529, %jit3A_1551 : i32
      %sign3A_1553 = arith.constant 0 : i32
      %sign3A_1554 = arith.cmpi sgt, %sub3A_1529, %sign3A_1553 : i32
      %sign3A_1555 = arith.extui %sign3A_1554 : i1 to i32
      %sign3A_1556 = arith.constant 0 : i32
      %sign3A_1557 = arith.cmpi slt, %sub3A_1529, %sign3A_1556 : i32
      %sign3A_1558 = arith.extui %sign3A_1557 : i1 to i32
      %sign3A_1559 = arith.subi %sign3A_1555, %sign3A_1558 : i32
      %sign3A_1560 = arith.constant 0 : i32
      %sign3A_1561 = arith.cmpi sgt, %jit3A_1551, %sign3A_1560 : i32
      %sign3A_1562 = arith.extui %sign3A_1561 : i1 to i32
      %sign3A_1563 = arith.constant 0 : i32
      %sign3A_1564 = arith.cmpi slt, %jit3A_1551, %sign3A_1563 : i32
      %sign3A_1565 = arith.extui %sign3A_1564 : i1 to i32
      %sign3A_1566 = arith.subi %sign3A_1562, %sign3A_1565 : i32
      %ne3A_1567 = arith.cmpi ne, %sign3A_1559, %sign3A_1566 : i32
      %rem3A_1568 = arith.remsi %sub3A_1529, %jit3A_1551 : i32
      %ne3A_1569 = arith.constant 0 : i32
      %ne3A_1570 = arith.cmpi ne, %rem3A_1568, %ne3A_1569 : i32
      %and3A_1571 = arith.andi %ne3A_1567, %ne3A_1570 : i1
      %sub3A_1572 = arith.constant 1 : i32
      %sub3A_1573 = arith.subi %div3A_1552, %sub3A_1572 : i32
      %select_n3A_1574 = arith.select %and3A_1571, %sub3A_1573, %div3A_1552 : i32
      %mul3A_1575 = arith.constant 64 : i32
      %mul3A_1576 = arith.muli %select_n3A_1574, %mul3A_1575 : i32
      %dma_wait3A_1577 = arith.constant 4 : i32
      %dma_wait3A_1578 = arith.constant 0 : i32
      %dma_wait3A_1579 = arith.constant 0 : i32
      %dma_wait3A_1580 = tpu.memref_slice %arg6[%dma_wait3A_1577, %dma_wait3A_1578, %dma_wait3A_1579] : memref<10x128x64xf32, #tpu.memory_space<vmem>> -> memref<1x128x64xf32, #tpu.memory_space<vmem>>
      %dma_wait3A_1581 = tpu.memref_squeeze %dma_wait3A_1580 : memref<1x128x64xf32, #tpu.memory_space<vmem>> -> memref<128x64xf32, #tpu.memory_space<vmem>>
      %dma_wait3A_1582 = tpu.memref_slice %arg4[%add3A_1550, %mul3A_1576] : memref<409600x128xf32, #tpu.memory_space<hbm>> -> memref<128x64xf32, #tpu.memory_space<hbm>>
      %dma_wait3A_1583 = tpu.memref_slice %arg4[%add3A_1550, %mul3A_1576] : memref<409600x128xf32, #tpu.memory_space<hbm>> -> memref<128x64xf32, #tpu.memory_space<hbm>>
      %dma_wait3A_1584 = arith.constant 0 : i32
      %dma_wait3A_1585 = arith.constant 0 : i32
      %dma_wait3A_1586 = tpu.memref_slice %arg6[%dma_wait3A_1577, %dma_wait3A_1584, %dma_wait3A_1585] : memref<10x128x64xf32, #tpu.memory_space<vmem>> -> memref<1x128x64xf32, #tpu.memory_space<vmem>>
      %dma_wait3A_1587 = tpu.memref_squeeze %dma_wait3A_1586 : memref<1x128x64xf32, #tpu.memory_space<vmem>> -> memref<128x64xf32, #tpu.memory_space<vmem>>
      tpu.wait_dma2 semaphore(%arg9 : memref<!tpu.dma_semaphore, #tpu.memory_space<semaphore_mem>>) src(%dma_wait3A_1587 : memref<128x64xf32, #tpu.memory_space<vmem>>) dst(%dma_wait3A_1583 : memref<128x64xf32, #tpu.memory_space<hbm>>)
      %add3A_1588 = arith.constant 1 : i32
      %add3A_1589 = arith.addi %scan3A_511, %add3A_1588 : i32
      %lt3A_1590 = arith.constant 20 : i32
      %lt3A_1591 = arith.cmpi slt, %add3A_1589, %lt3A_1590 : i32
      %convert_element_type3A_1592 = arith.extui %lt3A_1591 : i1 to i32
      %cond3A_1593 = arith.constant 0 : i32
      %cond3A_1594 = arith.cmpi ne, %convert_element_type3A_1592, %cond3A_1593 : i32
      scf.if %cond3A_1594 {
        %add3A_2130 = arith.constant 2 : i32
        %add3A_2131 = arith.addi %mul3A_513, %add3A_2130 : i32
        %mul3A_2132 = arith.constant 5 : i32
        %mul3A_2133 = arith.muli %add3A_2131, %mul3A_2132 : i32
        %add3A_2134 = arith.constant 0 : i32
        %add3A_2135 = arith.addi %mul3A_2133, %add3A_2134 : i32
        %dma_start3A_2136 = arith.constant 0 : i32
        %dma_start3A_2137 = arith.constant 0 : i32
        %dma_start3A_2138 = arith.constant 0 : i32
        %dma_start3A_2139 = tpu.memref_slice %arg6[%dma_start3A_2136, %dma_start3A_2137, %dma_start3A_2138] : memref<10x128x64xf32, #tpu.memory_space<vmem>> -> memref<1x128x64xf32, #tpu.memory_space<vmem>>
        %dma_start3A_2140 = tpu.memref_squeeze %dma_start3A_2139 : memref<1x128x64xf32, #tpu.memory_space<vmem>> -> memref<128x64xf32, #tpu.memory_space<vmem>>
        %dma_start3A_2141 = arith.constant 0 : i32
        %dma_start3A_2142 = tpu.memref_slice %arg5[%add3A_2135, %dma_start3A_2141] : memref<200x128xi32, #tpu.memory_space<vmem>> -> memref<1x128xi32, #tpu.memory_space<vmem>>
        %dma_start3A_2143 = tpu.memref_squeeze %dma_start3A_2142 : memref<1x128xi32, #tpu.memory_space<vmem>> -> memref<128xi32, #tpu.memory_space<vmem>>
        %dma_start3A_2144 = arith.constant 0 : i32
        %dma_start3A_2145 = arith.constant 0 : i32
        %dma_start3A_2146 = tpu.memref_slice %arg3[%dma_start3A_2144, %dma_start3A_2145] : memref<1024000x64xf32, #tpu.memory_space<hbm>> -> memref<1024000x64xf32, #tpu.memory_space<hbm>>
        tpu.enqueue_indirect_dma source(%dma_start3A_2146 : memref<1024000x64xf32, #tpu.memory_space<hbm>>) target(%dma_start3A_2140 : memref<128x64xf32, #tpu.memory_space<vmem>>) offsets(%dma_start3A_2143 : memref<128xi32, #tpu.memory_space<vmem>>) semaphore(%arg7 : memref<!tpu.dma_semaphore, #tpu.memory_space<semaphore_mem>>)
        %mul3A_2147 = arith.constant 5 : i32
        %mul3A_2148 = arith.muli %add3A_2131, %mul3A_2147 : i32
        %add3A_2149 = arith.constant 1 : i32
        %add3A_2150 = arith.addi %mul3A_2148, %add3A_2149 : i32
        %dma_start3A_2151 = arith.constant 1 : i32
        %dma_start3A_2152 = arith.constant 0 : i32
        %dma_start3A_2153 = arith.constant 0 : i32
        %dma_start3A_2154 = tpu.memref_slice %arg6[%dma_start3A_2151, %dma_start3A_2152, %dma_start3A_2153] : memref<10x128x64xf32, #tpu.memory_space<vmem>> -> memref<1x128x64xf32, #tpu.memory_space<vmem>>
        %dma_start3A_2155 = tpu.memref_squeeze %dma_start3A_2154 : memref<1x128x64xf32, #tpu.memory_space<vmem>> -> memref<128x64xf32, #tpu.memory_space<vmem>>
        %dma_start3A_2156 = arith.constant 0 : i32
        %dma_start3A_2157 = tpu.memref_slice %arg5[%add3A_2150, %dma_start3A_2156] : memref<200x128xi32, #tpu.memory_space<vmem>> -> memref<1x128xi32, #tpu.memory_space<vmem>>
        %dma_start3A_2158 = tpu.memref_squeeze %dma_start3A_2157 : memref<1x128xi32, #tpu.memory_space<vmem>> -> memref<128xi32, #tpu.memory_space<vmem>>
        %dma_start3A_2159 = arith.constant 0 : i32
        %dma_start3A_2160 = arith.constant 0 : i32
        %dma_start3A_2161 = tpu.memref_slice %arg3[%dma_start3A_2159, %dma_start3A_2160] : memref<1024000x64xf32, #tpu.memory_space<hbm>> -> memref<1024000x64xf32, #tpu.memory_space<hbm>>
        tpu.enqueue_indirect_dma source(%dma_start3A_2161 : memref<1024000x64xf32, #tpu.memory_space<hbm>>) target(%dma_start3A_2155 : memref<128x64xf32, #tpu.memory_space<vmem>>) offsets(%dma_start3A_2158 : memref<128xi32, #tpu.memory_space<vmem>>) semaphore(%arg7 : memref<!tpu.dma_semaphore, #tpu.memory_space<semaphore_mem>>)
        %mul3A_2162 = arith.constant 5 : i32
        %mul3A_2163 = arith.muli %add3A_2131, %mul3A_2162 : i32
        %add3A_2164 = arith.constant 2 : i32
        %add3A_2165 = arith.addi %mul3A_2163, %add3A_2164 : i32
        %dma_start3A_2166 = arith.constant 2 : i32
        %dma_start3A_2167 = arith.constant 0 : i32
        %dma_start3A_2168 = arith.constant 0 : i32
        %dma_start3A_2169 = tpu.memref_slice %arg6[%dma_start3A_2166, %dma_start3A_2167, %dma_start3A_2168] : memref<10x128x64xf32, #tpu.memory_space<vmem>> -> memref<1x128x64xf32, #tpu.memory_space<vmem>>
        %dma_start3A_2170 = tpu.memref_squeeze %dma_start3A_2169 : memref<1x128x64xf32, #tpu.memory_space<vmem>> -> memref<128x64xf32, #tpu.memory_space<vmem>>
        %dma_start3A_2171 = arith.constant 0 : i32
        %dma_start3A_2172 = tpu.memref_slice %arg5[%add3A_2165, %dma_start3A_2171] : memref<200x128xi32, #tpu.memory_space<vmem>> -> memref<1x128xi32, #tpu.memory_space<vmem>>
        %dma_start3A_2173 = tpu.memref_squeeze %dma_start3A_2172 : memref<1x128xi32, #tpu.memory_space<vmem>> -> memref<128xi32, #tpu.memory_space<vmem>>
        %dma_start3A_2174 = arith.constant 0 : i32
        %dma_start3A_2175 = arith.constant 0 : i32
        %dma_start3A_2176 = tpu.memref_slice %arg3[%dma_start3A_2174, %dma_start3A_2175] : memref<1024000x64xf32, #tpu.memory_space<hbm>> -> memref<1024000x64xf32, #tpu.memory_space<hbm>>
        tpu.enqueue_indirect_dma source(%dma_start3A_2176 : memref<1024000x64xf32, #tpu.memory_space<hbm>>) target(%dma_start3A_2170 : memref<128x64xf32, #tpu.memory_space<vmem>>) offsets(%dma_start3A_2173 : memref<128xi32, #tpu.memory_space<vmem>>) semaphore(%arg7 : memref<!tpu.dma_semaphore, #tpu.memory_space<semaphore_mem>>)
        %mul3A_2177 = arith.constant 5 : i32
        %mul3A_2178 = arith.muli %add3A_2131, %mul3A_2177 : i32
        %add3A_2179 = arith.constant 3 : i32
        %add3A_2180 = arith.addi %mul3A_2178, %add3A_2179 : i32
        %dma_start3A_2181 = arith.constant 3 : i32
        %dma_start3A_2182 = arith.constant 0 : i32
        %dma_start3A_2183 = arith.constant 0 : i32
        %dma_start3A_2184 = tpu.memref_slice %arg6[%dma_start3A_2181, %dma_start3A_2182, %dma_start3A_2183] : memref<10x128x64xf32, #tpu.memory_space<vmem>> -> memref<1x128x64xf32, #tpu.memory_space<vmem>>
        %dma_start3A_2185 = tpu.memref_squeeze %dma_start3A_2184 : memref<1x128x64xf32, #tpu.memory_space<vmem>> -> memref<128x64xf32, #tpu.memory_space<vmem>>
        %dma_start3A_2186 = arith.constant 0 : i32
        %dma_start3A_2187 = tpu.memref_slice %arg5[%add3A_2180, %dma_start3A_2186] : memref<200x128xi32, #tpu.memory_space<vmem>> -> memref<1x128xi32, #tpu.memory_space<vmem>>
        %dma_start3A_2188 = tpu.memref_squeeze %dma_start3A_2187 : memref<1x128xi32, #tpu.memory_space<vmem>> -> memref<128xi32, #tpu.memory_space<vmem>>
        %dma_start3A_2189 = arith.constant 0 : i32
        %dma_start3A_2190 = arith.constant 0 : i32
        %dma_start3A_2191 = tpu.memref_slice %arg3[%dma_start3A_2189, %dma_start3A_2190] : memref<1024000x64xf32, #tpu.memory_space<hbm>> -> memref<1024000x64xf32, #tpu.memory_space<hbm>>
        tpu.enqueue_indirect_dma source(%dma_start3A_2191 : memref<1024000x64xf32, #tpu.memory_space<hbm>>) target(%dma_start3A_2185 : memref<128x64xf32, #tpu.memory_space<vmem>>) offsets(%dma_start3A_2188 : memref<128xi32, #tpu.memory_space<vmem>>) semaphore(%arg7 : memref<!tpu.dma_semaphore, #tpu.memory_space<semaphore_mem>>)
        %mul3A_2192 = arith.constant 5 : i32
        %mul3A_2193 = arith.muli %add3A_2131, %mul3A_2192 : i32
        %add3A_2194 = arith.constant 4 : i32
        %add3A_2195 = arith.addi %mul3A_2193, %add3A_2194 : i32
        %dma_start3A_2196 = arith.constant 4 : i32
        %dma_start3A_2197 = arith.constant 0 : i32
        %dma_start3A_2198 = arith.constant 0 : i32
        %dma_start3A_2199 = tpu.memref_slice %arg6[%dma_start3A_2196, %dma_start3A_2197, %dma_start3A_2198] : memref<10x128x64xf32, #tpu.memory_space<vmem>> -> memref<1x128x64xf32, #tpu.memory_space<vmem>>
        %dma_start3A_2200 = tpu.memref_squeeze %dma_start3A_2199 : memref<1x128x64xf32, #tpu.memory_space<vmem>> -> memref<128x64xf32, #tpu.memory_space<vmem>>
        %dma_start3A_2201 = arith.constant 0 : i32
        %dma_start3A_2202 = tpu.memref_slice %arg5[%add3A_2195, %dma_start3A_2201] : memref<200x128xi32, #tpu.memory_space<vmem>> -> memref<1x128xi32, #tpu.memory_space<vmem>>
        %dma_start3A_2203 = tpu.memref_squeeze %dma_start3A_2202 : memref<1x128xi32, #tpu.memory_space<vmem>> -> memref<128xi32, #tpu.memory_space<vmem>>
        %dma_start3A_2204 = arith.constant 0 : i32
        %dma_start3A_2205 = arith.constant 0 : i32
        %dma_start3A_2206 = tpu.memref_slice %arg3[%dma_start3A_2204, %dma_start3A_2205] : memref<1024000x64xf32, #tpu.memory_space<hbm>> -> memref<1024000x64xf32, #tpu.memory_space<hbm>>
        tpu.enqueue_indirect_dma source(%dma_start3A_2206 : memref<1024000x64xf32, #tpu.memory_space<hbm>>) target(%dma_start3A_2200 : memref<128x64xf32, #tpu.memory_space<vmem>>) offsets(%dma_start3A_2203 : memref<128xi32, #tpu.memory_space<vmem>>) semaphore(%arg7 : memref<!tpu.dma_semaphore, #tpu.memory_space<semaphore_mem>>)
      } else {
      }
      %mul3A_1595 = arith.constant 5 : i32
      %mul3A_1596 = arith.muli %add3A_515, %mul3A_1595 : i32
      %add3A_1597 = arith.constant 0 : i32
      %add3A_1598 = arith.addi %mul3A_1596, %add3A_1597 : i32
      %dma_wait3A_1599 = arith.constant 5 : i32
      %dma_wait3A_1600 = arith.constant 0 : i32
      %dma_wait3A_1601 = arith.constant 0 : i32
      %dma_wait3A_1602 = tpu.memref_slice %arg6[%dma_wait3A_1599, %dma_wait3A_1600, %dma_wait3A_1601] : memref<10x128x64xf32, #tpu.memory_space<vmem>> -> memref<1x128x64xf32, #tpu.memory_space<vmem>>
      %dma_wait3A_1603 = tpu.memref_squeeze %dma_wait3A_1602 : memref<1x128x64xf32, #tpu.memory_space<vmem>> -> memref<128x64xf32, #tpu.memory_space<vmem>>
      %dma_wait3A_1604 = arith.constant 0 : i32
      %dma_wait3A_1605 = tpu.memref_slice %arg5[%add3A_1598, %dma_wait3A_1604] : memref<200x128xi32, #tpu.memory_space<vmem>> -> memref<1x128xi32, #tpu.memory_space<vmem>>
      %dma_wait3A_1606 = tpu.memref_squeeze %dma_wait3A_1605 : memref<1x128xi32, #tpu.memory_space<vmem>> -> memref<128xi32, #tpu.memory_space<vmem>>
      %dma_wait3A_1607 = arith.constant 0 : i32
      %dma_wait3A_1608 = arith.constant 0 : i32
      %dma_wait3A_1609 = tpu.memref_slice %arg3[%dma_wait3A_1607, %dma_wait3A_1608] : memref<1024000x64xf32, #tpu.memory_space<hbm>> -> memref<1024000x64xf32, #tpu.memory_space<hbm>>
      tpu.wait_indirect_dma semaphore(%arg8 : memref<!tpu.dma_semaphore, #tpu.memory_space<semaphore_mem>>) src(%dma_wait3A_1609 : memref<1024000x64xf32, #tpu.memory_space<hbm>>) dst(%dma_wait3A_1603 : memref<128x64xf32, #tpu.memory_space<vmem>>)
      %mul3A_1610 = arith.constant 5 : i32
      %mul3A_1611 = arith.muli %add3A_515, %mul3A_1610 : i32
      %add3A_1612 = arith.constant 1 : i32
      %add3A_1613 = arith.addi %mul3A_1611, %add3A_1612 : i32
      %dma_wait3A_1614 = arith.constant 6 : i32
      %dma_wait3A_1615 = arith.constant 0 : i32
      %dma_wait3A_1616 = arith.constant 0 : i32
      %dma_wait3A_1617 = tpu.memref_slice %arg6[%dma_wait3A_1614, %dma_wait3A_1615, %dma_wait3A_1616] : memref<10x128x64xf32, #tpu.memory_space<vmem>> -> memref<1x128x64xf32, #tpu.memory_space<vmem>>
      %dma_wait3A_1618 = tpu.memref_squeeze %dma_wait3A_1617 : memref<1x128x64xf32, #tpu.memory_space<vmem>> -> memref<128x64xf32, #tpu.memory_space<vmem>>
      %dma_wait3A_1619 = arith.constant 0 : i32
      %dma_wait3A_1620 = tpu.memref_slice %arg5[%add3A_1613, %dma_wait3A_1619] : memref<200x128xi32, #tpu.memory_space<vmem>> -> memref<1x128xi32, #tpu.memory_space<vmem>>
      %dma_wait3A_1621 = tpu.memref_squeeze %dma_wait3A_1620 : memref<1x128xi32, #tpu.memory_space<vmem>> -> memref<128xi32, #tpu.memory_space<vmem>>
      %dma_wait3A_1622 = arith.constant 0 : i32
      %dma_wait3A_1623 = arith.constant 0 : i32
      %dma_wait3A_1624 = tpu.memref_slice %arg3[%dma_wait3A_1622, %dma_wait3A_1623] : memref<1024000x64xf32, #tpu.memory_space<hbm>> -> memref<1024000x64xf32, #tpu.memory_space<hbm>>
      tpu.wait_indirect_dma semaphore(%arg8 : memref<!tpu.dma_semaphore, #tpu.memory_space<semaphore_mem>>) src(%dma_wait3A_1624 : memref<1024000x64xf32, #tpu.memory_space<hbm>>) dst(%dma_wait3A_1618 : memref<128x64xf32, #tpu.memory_space<vmem>>)
      %mul3A_1625 = arith.constant 5 : i32
      %mul3A_1626 = arith.muli %add3A_515, %mul3A_1625 : i32
      %add3A_1627 = arith.constant 2 : i32
      %add3A_1628 = arith.addi %mul3A_1626, %add3A_1627 : i32
      %dma_wait3A_1629 = arith.constant 7 : i32
      %dma_wait3A_1630 = arith.constant 0 : i32
      %dma_wait3A_1631 = arith.constant 0 : i32
      %dma_wait3A_1632 = tpu.memref_slice %arg6[%dma_wait3A_1629, %dma_wait3A_1630, %dma_wait3A_1631] : memref<10x128x64xf32, #tpu.memory_space<vmem>> -> memref<1x128x64xf32, #tpu.memory_space<vmem>>
      %dma_wait3A_1633 = tpu.memref_squeeze %dma_wait3A_1632 : memref<1x128x64xf32, #tpu.memory_space<vmem>> -> memref<128x64xf32, #tpu.memory_space<vmem>>
      %dma_wait3A_1634 = arith.constant 0 : i32
      %dma_wait3A_1635 = tpu.memref_slice %arg5[%add3A_1628, %dma_wait3A_1634] : memref<200x128xi32, #tpu.memory_space<vmem>> -> memref<1x128xi32, #tpu.memory_space<vmem>>
      %dma_wait3A_1636 = tpu.memref_squeeze %dma_wait3A_1635 : memref<1x128xi32, #tpu.memory_space<vmem>> -> memref<128xi32, #tpu.memory_space<vmem>>
      %dma_wait3A_1637 = arith.constant 0 : i32
      %dma_wait3A_1638 = arith.constant 0 : i32
      %dma_wait3A_1639 = tpu.memref_slice %arg3[%dma_wait3A_1637, %dma_wait3A_1638] : memref<1024000x64xf32, #tpu.memory_space<hbm>> -> memref<1024000x64xf32, #tpu.memory_space<hbm>>
      tpu.wait_indirect_dma semaphore(%arg8 : memref<!tpu.dma_semaphore, #tpu.memory_space<semaphore_mem>>) src(%dma_wait3A_1639 : memref<1024000x64xf32, #tpu.memory_space<hbm>>) dst(%dma_wait3A_1633 : memref<128x64xf32, #tpu.memory_space<vmem>>)
      %mul3A_1640 = arith.constant 5 : i32
      %mul3A_1641 = arith.muli %add3A_515, %mul3A_1640 : i32
      %add3A_1642 = arith.constant 3 : i32
      %add3A_1643 = arith.addi %mul3A_1641, %add3A_1642 : i32
      %dma_wait3A_1644 = arith.constant 8 : i32
      %dma_wait3A_1645 = arith.constant 0 : i32
      %dma_wait3A_1646 = arith.constant 0 : i32
      %dma_wait3A_1647 = tpu.memref_slice %arg6[%dma_wait3A_1644, %dma_wait3A_1645, %dma_wait3A_1646] : memref<10x128x64xf32, #tpu.memory_space<vmem>> -> memref<1x128x64xf32, #tpu.memory_space<vmem>>
      %dma_wait3A_1648 = tpu.memref_squeeze %dma_wait3A_1647 : memref<1x128x64xf32, #tpu.memory_space<vmem>> -> memref<128x64xf32, #tpu.memory_space<vmem>>
      %dma_wait3A_1649 = arith.constant 0 : i32
      %dma_wait3A_1650 = tpu.memref_slice %arg5[%add3A_1643, %dma_wait3A_1649] : memref<200x128xi32, #tpu.memory_space<vmem>> -> memref<1x128xi32, #tpu.memory_space<vmem>>
      %dma_wait3A_1651 = tpu.memref_squeeze %dma_wait3A_1650 : memref<1x128xi32, #tpu.memory_space<vmem>> -> memref<128xi32, #tpu.memory_space<vmem>>
      %dma_wait3A_1652 = arith.constant 0 : i32
      %dma_wait3A_1653 = arith.constant 0 : i32
      %dma_wait3A_1654 = tpu.memref_slice %arg3[%dma_wait3A_1652, %dma_wait3A_1653] : memref<1024000x64xf32, #tpu.memory_space<hbm>> -> memref<1024000x64xf32, #tpu.memory_space<hbm>>
      tpu.wait_indirect_dma semaphore(%arg8 : memref<!tpu.dma_semaphore, #tpu.memory_space<semaphore_mem>>) src(%dma_wait3A_1654 : memref<1024000x64xf32, #tpu.memory_space<hbm>>) dst(%dma_wait3A_1648 : memref<128x64xf32, #tpu.memory_space<vmem>>)
      %mul3A_1655 = arith.constant 5 : i32
      %mul3A_1656 = arith.muli %add3A_515, %mul3A_1655 : i32
      %add3A_1657 = arith.constant 4 : i32
      %add3A_1658 = arith.addi %mul3A_1656, %add3A_1657 : i32
      %dma_wait3A_1659 = arith.constant 9 : i32
      %dma_wait3A_1660 = arith.constant 0 : i32
      %dma_wait3A_1661 = arith.constant 0 : i32
      %dma_wait3A_1662 = tpu.memref_slice %arg6[%dma_wait3A_1659, %dma_wait3A_1660, %dma_wait3A_1661] : memref<10x128x64xf32, #tpu.memory_space<vmem>> -> memref<1x128x64xf32, #tpu.memory_space<vmem>>
      %dma_wait3A_1663 = tpu.memref_squeeze %dma_wait3A_1662 : memref<1x128x64xf32, #tpu.memory_space<vmem>> -> memref<128x64xf32, #tpu.memory_space<vmem>>
      %dma_wait3A_1664 = arith.constant 0 : i32
      %dma_wait3A_1665 = tpu.memref_slice %arg5[%add3A_1658, %dma_wait3A_1664] : memref<200x128xi32, #tpu.memory_space<vmem>> -> memref<1x128xi32, #tpu.memory_space<vmem>>
      %dma_wait3A_1666 = tpu.memref_squeeze %dma_wait3A_1665 : memref<1x128xi32, #tpu.memory_space<vmem>> -> memref<128xi32, #tpu.memory_space<vmem>>
      %dma_wait3A_1667 = arith.constant 0 : i32
      %dma_wait3A_1668 = arith.constant 0 : i32
      %dma_wait3A_1669 = tpu.memref_slice %arg3[%dma_wait3A_1667, %dma_wait3A_1668] : memref<1024000x64xf32, #tpu.memory_space<hbm>> -> memref<1024000x64xf32, #tpu.memory_space<hbm>>
      tpu.wait_indirect_dma semaphore(%arg8 : memref<!tpu.dma_semaphore, #tpu.memory_space<semaphore_mem>>) src(%dma_wait3A_1669 : memref<1024000x64xf32, #tpu.memory_space<hbm>>) dst(%dma_wait3A_1663 : memref<128x64xf32, #tpu.memory_space<vmem>>)
      %mul3A_1670 = arith.constant 200 : i32
      %mul3A_1671 = arith.muli %add3A, %mul3A_1670 : i32
      %mul3A_1672 = arith.constant 5 : i32
      %mul3A_1673 = arith.muli %add3A_515, %mul3A_1672 : i32
      %add3A_1674 = arith.addi %mul3A_1671, %mul3A_1673 : i32
      %add3A_1675 = arith.constant 0 : i32
      %add3A_1676 = arith.addi %add3A_1674, %add3A_1675 : i32
      %jit3A_1677 = arith.constant 32 : i32
      %div3A_1678 = arith.divsi %add3A_1676, %jit3A_1677 : i32
      %sign3A_1679 = arith.constant 0 : i32
      %sign3A_1680 = arith.cmpi sgt, %add3A_1676, %sign3A_1679 : i32
      %sign3A_1681 = arith.extui %sign3A_1680 : i1 to i32
      %sign3A_1682 = arith.constant 0 : i32
      %sign3A_1683 = arith.cmpi slt, %add3A_1676, %sign3A_1682 : i32
      %sign3A_1684 = arith.extui %sign3A_1683 : i1 to i32
      %sign3A_1685 = arith.subi %sign3A_1681, %sign3A_1684 : i32
      %sign3A_1686 = arith.constant 0 : i32
      %sign3A_1687 = arith.cmpi sgt, %jit3A_1677, %sign3A_1686 : i32
      %sign3A_1688 = arith.extui %sign3A_1687 : i1 to i32
      %sign3A_1689 = arith.constant 0 : i32
      %sign3A_1690 = arith.cmpi slt, %jit3A_1677, %sign3A_1689 : i32
      %sign3A_1691 = arith.extui %sign3A_1690 : i1 to i32
      %sign3A_1692 = arith.subi %sign3A_1688, %sign3A_1691 : i32
      %ne3A_1693 = arith.cmpi ne, %sign3A_1685, %sign3A_1692 : i32
      %rem3A_1694 = arith.remsi %add3A_1676, %jit3A_1677 : i32
      %ne3A_1695 = arith.constant 0 : i32
      %ne3A_1696 = arith.cmpi ne, %rem3A_1694, %ne3A_1695 : i32
      %and3A_1697 = arith.andi %ne3A_1693, %ne3A_1696 : i1
      %sub3A_1698 = arith.constant 1 : i32
      %sub3A_1699 = arith.subi %div3A_1678, %sub3A_1698 : i32
      %select_n3A_1700 = arith.select %and3A_1697, %sub3A_1699, %div3A_1678 : i32
      %mul3A_1701 = arith.constant 32 : i32
      %mul3A_1702 = arith.muli %select_n3A_1700, %mul3A_1701 : i32
      %sub3A_1703 = arith.subi %add3A_1676, %mul3A_1702 : i32
      %mul3A_1704 = arith.constant 2048 : i32
      %mul3A_1705 = arith.muli %select_n3A_1700, %mul3A_1704 : i32
      %jit3A_1706 = arith.constant 16 : i32
      %eq3A_1707 = arith.constant 0 : i32
      %eq3A_1708 = arith.cmpi eq, %jit3A_1706, %eq3A_1707 : i32
      %jit3A_1709 = arith.constant 1 : i32
      %select_n3A_1710 = arith.select %eq3A_1708, %jit3A_1709, %jit3A_1706 : i32
      %rem3A_1711 = arith.remsi %sub3A_1703, %select_n3A_1710 : i32
      %ne3A_1712 = arith.constant 0 : i32
      %ne3A_1713 = arith.cmpi ne, %rem3A_1711, %ne3A_1712 : i32
      %lt3A_1714 = arith.constant 0 : i32
      %lt3A_1715 = arith.cmpi slt, %rem3A_1711, %lt3A_1714 : i32
      %lt3A_1716 = arith.constant 0 : i32
      %lt3A_1717 = arith.cmpi slt, %select_n3A_1710, %lt3A_1716 : i32
      %ne3A_1718 = arith.xori %lt3A_1715, %lt3A_1717 : i1
      %and3A_1719 = arith.andi %ne3A_1718, %ne3A_1713 : i1
      %add3A_1720 = arith.addi %rem3A_1711, %select_n3A_1710 : i32
      %select_n3A_1721 = arith.select %and3A_1719, %add3A_1720, %rem3A_1711 : i32
      %mul3A_1722 = arith.constant 128 : i32
      %mul3A_1723 = arith.muli %select_n3A_1721, %mul3A_1722 : i32
      %add3A_1724 = arith.addi %mul3A_1705, %mul3A_1723 : i32
      %jit3A_1725 = arith.constant 16 : i32
      %div3A_1726 = arith.divsi %sub3A_1703, %jit3A_1725 : i32
      %sign3A_1727 = arith.constant 0 : i32
      %sign3A_1728 = arith.cmpi sgt, %sub3A_1703, %sign3A_1727 : i32
      %sign3A_1729 = arith.extui %sign3A_1728 : i1 to i32
      %sign3A_1730 = arith.constant 0 : i32
      %sign3A_1731 = arith.cmpi slt, %sub3A_1703, %sign3A_1730 : i32
      %sign3A_1732 = arith.extui %sign3A_1731 : i1 to i32
      %sign3A_1733 = arith.subi %sign3A_1729, %sign3A_1732 : i32
      %sign3A_1734 = arith.constant 0 : i32
      %sign3A_1735 = arith.cmpi sgt, %jit3A_1725, %sign3A_1734 : i32
      %sign3A_1736 = arith.extui %sign3A_1735 : i1 to i32
      %sign3A_1737 = arith.constant 0 : i32
      %sign3A_1738 = arith.cmpi slt, %jit3A_1725, %sign3A_1737 : i32
      %sign3A_1739 = arith.extui %sign3A_1738 : i1 to i32
      %sign3A_1740 = arith.subi %sign3A_1736, %sign3A_1739 : i32
      %ne3A_1741 = arith.cmpi ne, %sign3A_1733, %sign3A_1740 : i32
      %rem3A_1742 = arith.remsi %sub3A_1703, %jit3A_1725 : i32
      %ne3A_1743 = arith.constant 0 : i32
      %ne3A_1744 = arith.cmpi ne, %rem3A_1742, %ne3A_1743 : i32
      %and3A_1745 = arith.andi %ne3A_1741, %ne3A_1744 : i1
      %sub3A_1746 = arith.constant 1 : i32
      %sub3A_1747 = arith.subi %div3A_1726, %sub3A_1746 : i32
      %select_n3A_1748 = arith.select %and3A_1745, %sub3A_1747, %div3A_1726 : i32
      %mul3A_1749 = arith.constant 64 : i32
      %mul3A_1750 = arith.muli %select_n3A_1748, %mul3A_1749 : i32
      %dma_start3A_1751 = arith.constant 5 : i32
      %dma_start3A_1752 = arith.constant 0 : i32
      %dma_start3A_1753 = arith.constant 0 : i32
      %dma_start3A_1754 = tpu.memref_slice %arg6[%dma_start3A_1751, %dma_start3A_1752, %dma_start3A_1753] : memref<10x128x64xf32, #tpu.memory_space<vmem>> -> memref<1x128x64xf32, #tpu.memory_space<vmem>>
      %dma_start3A_1755 = tpu.memref_squeeze %dma_start3A_1754 : memref<1x128x64xf32, #tpu.memory_space<vmem>> -> memref<128x64xf32, #tpu.memory_space<vmem>>
      %dma_start3A_1756 = tpu.memref_slice %arg4[%add3A_1724, %mul3A_1750] : memref<409600x128xf32, #tpu.memory_space<hbm>> -> memref<128x64xf32, #tpu.memory_space<hbm>>
      %dma_start3A_1757 = tpu.memref_slice %arg4[%add3A_1724, %mul3A_1750] : memref<409600x128xf32, #tpu.memory_space<hbm>> -> memref<128x64xf32, #tpu.memory_space<hbm>>
      %dma_start3A_1758 = arith.constant 0 : i32
      %dma_start3A_1759 = arith.constant 0 : i32
      %dma_start3A_1760 = tpu.memref_slice %arg6[%dma_start3A_1751, %dma_start3A_1758, %dma_start3A_1759] : memref<10x128x64xf32, #tpu.memory_space<vmem>> -> memref<1x128x64xf32, #tpu.memory_space<vmem>>
      %dma_start3A_1761 = tpu.memref_squeeze %dma_start3A_1760 : memref<1x128x64xf32, #tpu.memory_space<vmem>> -> memref<128x64xf32, #tpu.memory_space<vmem>>
      tpu.enqueue_dma source(%dma_start3A_1761 : memref<128x64xf32, #tpu.memory_space<vmem>>) target(%dma_start3A_1757 : memref<128x64xf32, #tpu.memory_space<hbm>>) target_semaphore(%arg10 : memref<!tpu.dma_semaphore, #tpu.memory_space<semaphore_mem>>)
      %mul3A_1762 = arith.constant 200 : i32
      %mul3A_1763 = arith.muli %add3A, %mul3A_1762 : i32
      %mul3A_1764 = arith.constant 5 : i32
      %mul3A_1765 = arith.muli %add3A_515, %mul3A_1764 : i32
      %add3A_1766 = arith.addi %mul3A_1763, %mul3A_1765 : i32
      %add3A_1767 = arith.constant 1 : i32
      %add3A_1768 = arith.addi %add3A_1766, %add3A_1767 : i32
      %jit3A_1769 = arith.constant 32 : i32
      %div3A_1770 = arith.divsi %add3A_1768, %jit3A_1769 : i32
      %sign3A_1771 = arith.constant 0 : i32
      %sign3A_1772 = arith.cmpi sgt, %add3A_1768, %sign3A_1771 : i32
      %sign3A_1773 = arith.extui %sign3A_1772 : i1 to i32
      %sign3A_1774 = arith.constant 0 : i32
      %sign3A_1775 = arith.cmpi slt, %add3A_1768, %sign3A_1774 : i32
      %sign3A_1776 = arith.extui %sign3A_1775 : i1 to i32
      %sign3A_1777 = arith.subi %sign3A_1773, %sign3A_1776 : i32
      %sign3A_1778 = arith.constant 0 : i32
      %sign3A_1779 = arith.cmpi sgt, %jit3A_1769, %sign3A_1778 : i32
      %sign3A_1780 = arith.extui %sign3A_1779 : i1 to i32
      %sign3A_1781 = arith.constant 0 : i32
      %sign3A_1782 = arith.cmpi slt, %jit3A_1769, %sign3A_1781 : i32
      %sign3A_1783 = arith.extui %sign3A_1782 : i1 to i32
      %sign3A_1784 = arith.subi %sign3A_1780, %sign3A_1783 : i32
      %ne3A_1785 = arith.cmpi ne, %sign3A_1777, %sign3A_1784 : i32
      %rem3A_1786 = arith.remsi %add3A_1768, %jit3A_1769 : i32
      %ne3A_1787 = arith.constant 0 : i32
      %ne3A_1788 = arith.cmpi ne, %rem3A_1786, %ne3A_1787 : i32
      %and3A_1789 = arith.andi %ne3A_1785, %ne3A_1788 : i1
      %sub3A_1790 = arith.constant 1 : i32
      %sub3A_1791 = arith.subi %div3A_1770, %sub3A_1790 : i32
      %select_n3A_1792 = arith.select %and3A_1789, %sub3A_1791, %div3A_1770 : i32
      %mul3A_1793 = arith.constant 32 : i32
      %mul3A_1794 = arith.muli %select_n3A_1792, %mul3A_1793 : i32
      %sub3A_1795 = arith.subi %add3A_1768, %mul3A_1794 : i32
      %mul3A_1796 = arith.constant 2048 : i32
      %mul3A_1797 = arith.muli %select_n3A_1792, %mul3A_1796 : i32
      %jit3A_1798 = arith.constant 16 : i32
      %eq3A_1799 = arith.constant 0 : i32
      %eq3A_1800 = arith.cmpi eq, %jit3A_1798, %eq3A_1799 : i32
      %jit3A_1801 = arith.constant 1 : i32
      %select_n3A_1802 = arith.select %eq3A_1800, %jit3A_1801, %jit3A_1798 : i32
      %rem3A_1803 = arith.remsi %sub3A_1795, %select_n3A_1802 : i32
      %ne3A_1804 = arith.constant 0 : i32
      %ne3A_1805 = arith.cmpi ne, %rem3A_1803, %ne3A_1804 : i32
      %lt3A_1806 = arith.constant 0 : i32
      %lt3A_1807 = arith.cmpi slt, %rem3A_1803, %lt3A_1806 : i32
      %lt3A_1808 = arith.constant 0 : i32
      %lt3A_1809 = arith.cmpi slt, %select_n3A_1802, %lt3A_1808 : i32
      %ne3A_1810 = arith.xori %lt3A_1807, %lt3A_1809 : i1
      %and3A_1811 = arith.andi %ne3A_1810, %ne3A_1805 : i1
      %add3A_1812 = arith.addi %rem3A_1803, %select_n3A_1802 : i32
      %select_n3A_1813 = arith.select %and3A_1811, %add3A_1812, %rem3A_1803 : i32
      %mul3A_1814 = arith.constant 128 : i32
      %mul3A_1815 = arith.muli %select_n3A_1813, %mul3A_1814 : i32
      %add3A_1816 = arith.addi %mul3A_1797, %mul3A_1815 : i32
      %jit3A_1817 = arith.constant 16 : i32
      %div3A_1818 = arith.divsi %sub3A_1795, %jit3A_1817 : i32
      %sign3A_1819 = arith.constant 0 : i32
      %sign3A_1820 = arith.cmpi sgt, %sub3A_1795, %sign3A_1819 : i32
      %sign3A_1821 = arith.extui %sign3A_1820 : i1 to i32
      %sign3A_1822 = arith.constant 0 : i32
      %sign3A_1823 = arith.cmpi slt, %sub3A_1795, %sign3A_1822 : i32
      %sign3A_1824 = arith.extui %sign3A_1823 : i1 to i32
      %sign3A_1825 = arith.subi %sign3A_1821, %sign3A_1824 : i32
      %sign3A_1826 = arith.constant 0 : i32
      %sign3A_1827 = arith.cmpi sgt, %jit3A_1817, %sign3A_1826 : i32
      %sign3A_1828 = arith.extui %sign3A_1827 : i1 to i32
      %sign3A_1829 = arith.constant 0 : i32
      %sign3A_1830 = arith.cmpi slt, %jit3A_1817, %sign3A_1829 : i32
      %sign3A_1831 = arith.extui %sign3A_1830 : i1 to i32
      %sign3A_1832 = arith.subi %sign3A_1828, %sign3A_1831 : i32
      %ne3A_1833 = arith.cmpi ne, %sign3A_1825, %sign3A_1832 : i32
      %rem3A_1834 = arith.remsi %sub3A_1795, %jit3A_1817 : i32
      %ne3A_1835 = arith.constant 0 : i32
      %ne3A_1836 = arith.cmpi ne, %rem3A_1834, %ne3A_1835 : i32
      %and3A_1837 = arith.andi %ne3A_1833, %ne3A_1836 : i1
      %sub3A_1838 = arith.constant 1 : i32
      %sub3A_1839 = arith.subi %div3A_1818, %sub3A_1838 : i32
      %select_n3A_1840 = arith.select %and3A_1837, %sub3A_1839, %div3A_1818 : i32
      %mul3A_1841 = arith.constant 64 : i32
      %mul3A_1842 = arith.muli %select_n3A_1840, %mul3A_1841 : i32
      %dma_start3A_1843 = arith.constant 6 : i32
      %dma_start3A_1844 = arith.constant 0 : i32
      %dma_start3A_1845 = arith.constant 0 : i32
      %dma_start3A_1846 = tpu.memref_slice %arg6[%dma_start3A_1843, %dma_start3A_1844, %dma_start3A_1845] : memref<10x128x64xf32, #tpu.memory_space<vmem>> -> memref<1x128x64xf32, #tpu.memory_space<vmem>>
      %dma_start3A_1847 = tpu.memref_squeeze %dma_start3A_1846 : memref<1x128x64xf32, #tpu.memory_space<vmem>> -> memref<128x64xf32, #tpu.memory_space<vmem>>
      %dma_start3A_1848 = tpu.memref_slice %arg4[%add3A_1816, %mul3A_1842] : memref<409600x128xf32, #tpu.memory_space<hbm>> -> memref<128x64xf32, #tpu.memory_space<hbm>>
      %dma_start3A_1849 = tpu.memref_slice %arg4[%add3A_1816, %mul3A_1842] : memref<409600x128xf32, #tpu.memory_space<hbm>> -> memref<128x64xf32, #tpu.memory_space<hbm>>
      %dma_start3A_1850 = arith.constant 0 : i32
      %dma_start3A_1851 = arith.constant 0 : i32
      %dma_start3A_1852 = tpu.memref_slice %arg6[%dma_start3A_1843, %dma_start3A_1850, %dma_start3A_1851] : memref<10x128x64xf32, #tpu.memory_space<vmem>> -> memref<1x128x64xf32, #tpu.memory_space<vmem>>
      %dma_start3A_1853 = tpu.memref_squeeze %dma_start3A_1852 : memref<1x128x64xf32, #tpu.memory_space<vmem>> -> memref<128x64xf32, #tpu.memory_space<vmem>>
      tpu.enqueue_dma source(%dma_start3A_1853 : memref<128x64xf32, #tpu.memory_space<vmem>>) target(%dma_start3A_1849 : memref<128x64xf32, #tpu.memory_space<hbm>>) target_semaphore(%arg10 : memref<!tpu.dma_semaphore, #tpu.memory_space<semaphore_mem>>)
      %mul3A_1854 = arith.constant 200 : i32
      %mul3A_1855 = arith.muli %add3A, %mul3A_1854 : i32
      %mul3A_1856 = arith.constant 5 : i32
      %mul3A_1857 = arith.muli %add3A_515, %mul3A_1856 : i32
      %add3A_1858 = arith.addi %mul3A_1855, %mul3A_1857 : i32
      %add3A_1859 = arith.constant 2 : i32
      %add3A_1860 = arith.addi %add3A_1858, %add3A_1859 : i32
      %jit3A_1861 = arith.constant 32 : i32
      %div3A_1862 = arith.divsi %add3A_1860, %jit3A_1861 : i32
      %sign3A_1863 = arith.constant 0 : i32
      %sign3A_1864 = arith.cmpi sgt, %add3A_1860, %sign3A_1863 : i32
      %sign3A_1865 = arith.extui %sign3A_1864 : i1 to i32
      %sign3A_1866 = arith.constant 0 : i32
      %sign3A_1867 = arith.cmpi slt, %add3A_1860, %sign3A_1866 : i32
      %sign3A_1868 = arith.extui %sign3A_1867 : i1 to i32
      %sign3A_1869 = arith.subi %sign3A_1865, %sign3A_1868 : i32
      %sign3A_1870 = arith.constant 0 : i32
      %sign3A_1871 = arith.cmpi sgt, %jit3A_1861, %sign3A_1870 : i32
      %sign3A_1872 = arith.extui %sign3A_1871 : i1 to i32
      %sign3A_1873 = arith.constant 0 : i32
      %sign3A_1874 = arith.cmpi slt, %jit3A_1861, %sign3A_1873 : i32
      %sign3A_1875 = arith.extui %sign3A_1874 : i1 to i32
      %sign3A_1876 = arith.subi %sign3A_1872, %sign3A_1875 : i32
      %ne3A_1877 = arith.cmpi ne, %sign3A_1869, %sign3A_1876 : i32
      %rem3A_1878 = arith.remsi %add3A_1860, %jit3A_1861 : i32
      %ne3A_1879 = arith.constant 0 : i32
      %ne3A_1880 = arith.cmpi ne, %rem3A_1878, %ne3A_1879 : i32
      %and3A_1881 = arith.andi %ne3A_1877, %ne3A_1880 : i1
      %sub3A_1882 = arith.constant 1 : i32
      %sub3A_1883 = arith.subi %div3A_1862, %sub3A_1882 : i32
      %select_n3A_1884 = arith.select %and3A_1881, %sub3A_1883, %div3A_1862 : i32
      %mul3A_1885 = arith.constant 32 : i32
      %mul3A_1886 = arith.muli %select_n3A_1884, %mul3A_1885 : i32
      %sub3A_1887 = arith.subi %add3A_1860, %mul3A_1886 : i32
      %mul3A_1888 = arith.constant 2048 : i32
      %mul3A_1889 = arith.muli %select_n3A_1884, %mul3A_1888 : i32
      %jit3A_1890 = arith.constant 16 : i32
      %eq3A_1891 = arith.constant 0 : i32
      %eq3A_1892 = arith.cmpi eq, %jit3A_1890, %eq3A_1891 : i32
      %jit3A_1893 = arith.constant 1 : i32
      %select_n3A_1894 = arith.select %eq3A_1892, %jit3A_1893, %jit3A_1890 : i32
      %rem3A_1895 = arith.remsi %sub3A_1887, %select_n3A_1894 : i32
      %ne3A_1896 = arith.constant 0 : i32
      %ne3A_1897 = arith.cmpi ne, %rem3A_1895, %ne3A_1896 : i32
      %lt3A_1898 = arith.constant 0 : i32
      %lt3A_1899 = arith.cmpi slt, %rem3A_1895, %lt3A_1898 : i32
      %lt3A_1900 = arith.constant 0 : i32
      %lt3A_1901 = arith.cmpi slt, %select_n3A_1894, %lt3A_1900 : i32
      %ne3A_1902 = arith.xori %lt3A_1899, %lt3A_1901 : i1
      %and3A_1903 = arith.andi %ne3A_1902, %ne3A_1897 : i1
      %add3A_1904 = arith.addi %rem3A_1895, %select_n3A_1894 : i32
      %select_n3A_1905 = arith.select %and3A_1903, %add3A_1904, %rem3A_1895 : i32
      %mul3A_1906 = arith.constant 128 : i32
      %mul3A_1907 = arith.muli %select_n3A_1905, %mul3A_1906 : i32
      %add3A_1908 = arith.addi %mul3A_1889, %mul3A_1907 : i32
      %jit3A_1909 = arith.constant 16 : i32
      %div3A_1910 = arith.divsi %sub3A_1887, %jit3A_1909 : i32
      %sign3A_1911 = arith.constant 0 : i32
      %sign3A_1912 = arith.cmpi sgt, %sub3A_1887, %sign3A_1911 : i32
      %sign3A_1913 = arith.extui %sign3A_1912 : i1 to i32
      %sign3A_1914 = arith.constant 0 : i32
      %sign3A_1915 = arith.cmpi slt, %sub3A_1887, %sign3A_1914 : i32
      %sign3A_1916 = arith.extui %sign3A_1915 : i1 to i32
      %sign3A_1917 = arith.subi %sign3A_1913, %sign3A_1916 : i32
      %sign3A_1918 = arith.constant 0 : i32
      %sign3A_1919 = arith.cmpi sgt, %jit3A_1909, %sign3A_1918 : i32
      %sign3A_1920 = arith.extui %sign3A_1919 : i1 to i32
      %sign3A_1921 = arith.constant 0 : i32
      %sign3A_1922 = arith.cmpi slt, %jit3A_1909, %sign3A_1921 : i32
      %sign3A_1923 = arith.extui %sign3A_1922 : i1 to i32
      %sign3A_1924 = arith.subi %sign3A_1920, %sign3A_1923 : i32
      %ne3A_1925 = arith.cmpi ne, %sign3A_1917, %sign3A_1924 : i32
      %rem3A_1926 = arith.remsi %sub3A_1887, %jit3A_1909 : i32
      %ne3A_1927 = arith.constant 0 : i32
      %ne3A_1928 = arith.cmpi ne, %rem3A_1926, %ne3A_1927 : i32
      %and3A_1929 = arith.andi %ne3A_1925, %ne3A_1928 : i1
      %sub3A_1930 = arith.constant 1 : i32
      %sub3A_1931 = arith.subi %div3A_1910, %sub3A_1930 : i32
      %select_n3A_1932 = arith.select %and3A_1929, %sub3A_1931, %div3A_1910 : i32
      %mul3A_1933 = arith.constant 64 : i32
      %mul3A_1934 = arith.muli %select_n3A_1932, %mul3A_1933 : i32
      %dma_start3A_1935 = arith.constant 7 : i32
      %dma_start3A_1936 = arith.constant 0 : i32
      %dma_start3A_1937 = arith.constant 0 : i32
      %dma_start3A_1938 = tpu.memref_slice %arg6[%dma_start3A_1935, %dma_start3A_1936, %dma_start3A_1937] : memref<10x128x64xf32, #tpu.memory_space<vmem>> -> memref<1x128x64xf32, #tpu.memory_space<vmem>>
      %dma_start3A_1939 = tpu.memref_squeeze %dma_start3A_1938 : memref<1x128x64xf32, #tpu.memory_space<vmem>> -> memref<128x64xf32, #tpu.memory_space<vmem>>
      %dma_start3A_1940 = tpu.memref_slice %arg4[%add3A_1908, %mul3A_1934] : memref<409600x128xf32, #tpu.memory_space<hbm>> -> memref<128x64xf32, #tpu.memory_space<hbm>>
      %dma_start3A_1941 = tpu.memref_slice %arg4[%add3A_1908, %mul3A_1934] : memref<409600x128xf32, #tpu.memory_space<hbm>> -> memref<128x64xf32, #tpu.memory_space<hbm>>
      %dma_start3A_1942 = arith.constant 0 : i32
      %dma_start3A_1943 = arith.constant 0 : i32
      %dma_start3A_1944 = tpu.memref_slice %arg6[%dma_start3A_1935, %dma_start3A_1942, %dma_start3A_1943] : memref<10x128x64xf32, #tpu.memory_space<vmem>> -> memref<1x128x64xf32, #tpu.memory_space<vmem>>
      %dma_start3A_1945 = tpu.memref_squeeze %dma_start3A_1944 : memref<1x128x64xf32, #tpu.memory_space<vmem>> -> memref<128x64xf32, #tpu.memory_space<vmem>>
      tpu.enqueue_dma source(%dma_start3A_1945 : memref<128x64xf32, #tpu.memory_space<vmem>>) target(%dma_start3A_1941 : memref<128x64xf32, #tpu.memory_space<hbm>>) target_semaphore(%arg10 : memref<!tpu.dma_semaphore, #tpu.memory_space<semaphore_mem>>)
      %mul3A_1946 = arith.constant 200 : i32
      %mul3A_1947 = arith.muli %add3A, %mul3A_1946 : i32
      %mul3A_1948 = arith.constant 5 : i32
      %mul3A_1949 = arith.muli %add3A_515, %mul3A_1948 : i32
      %add3A_1950 = arith.addi %mul3A_1947, %mul3A_1949 : i32
      %add3A_1951 = arith.constant 3 : i32
      %add3A_1952 = arith.addi %add3A_1950, %add3A_1951 : i32
      %jit3A_1953 = arith.constant 32 : i32
      %div3A_1954 = arith.divsi %add3A_1952, %jit3A_1953 : i32
      %sign3A_1955 = arith.constant 0 : i32
      %sign3A_1956 = arith.cmpi sgt, %add3A_1952, %sign3A_1955 : i32
      %sign3A_1957 = arith.extui %sign3A_1956 : i1 to i32
      %sign3A_1958 = arith.constant 0 : i32
      %sign3A_1959 = arith.cmpi slt, %add3A_1952, %sign3A_1958 : i32
      %sign3A_1960 = arith.extui %sign3A_1959 : i1 to i32
      %sign3A_1961 = arith.subi %sign3A_1957, %sign3A_1960 : i32
      %sign3A_1962 = arith.constant 0 : i32
      %sign3A_1963 = arith.cmpi sgt, %jit3A_1953, %sign3A_1962 : i32
      %sign3A_1964 = arith.extui %sign3A_1963 : i1 to i32
      %sign3A_1965 = arith.constant 0 : i32
      %sign3A_1966 = arith.cmpi slt, %jit3A_1953, %sign3A_1965 : i32
      %sign3A_1967 = arith.extui %sign3A_1966 : i1 to i32
      %sign3A_1968 = arith.subi %sign3A_1964, %sign3A_1967 : i32
      %ne3A_1969 = arith.cmpi ne, %sign3A_1961, %sign3A_1968 : i32
      %rem3A_1970 = arith.remsi %add3A_1952, %jit3A_1953 : i32
      %ne3A_1971 = arith.constant 0 : i32
      %ne3A_1972 = arith.cmpi ne, %rem3A_1970, %ne3A_1971 : i32
      %and3A_1973 = arith.andi %ne3A_1969, %ne3A_1972 : i1
      %sub3A_1974 = arith.constant 1 : i32
      %sub3A_1975 = arith.subi %div3A_1954, %sub3A_1974 : i32
      %select_n3A_1976 = arith.select %and3A_1973, %sub3A_1975, %div3A_1954 : i32
      %mul3A_1977 = arith.constant 32 : i32
      %mul3A_1978 = arith.muli %select_n3A_1976, %mul3A_1977 : i32
      %sub3A_1979 = arith.subi %add3A_1952, %mul3A_1978 : i32
      %mul3A_1980 = arith.constant 2048 : i32
      %mul3A_1981 = arith.muli %select_n3A_1976, %mul3A_1980 : i32
      %jit3A_1982 = arith.constant 16 : i32
      %eq3A_1983 = arith.constant 0 : i32
      %eq3A_1984 = arith.cmpi eq, %jit3A_1982, %eq3A_1983 : i32
      %jit3A_1985 = arith.constant 1 : i32
      %select_n3A_1986 = arith.select %eq3A_1984, %jit3A_1985, %jit3A_1982 : i32
      %rem3A_1987 = arith.remsi %sub3A_1979, %select_n3A_1986 : i32
      %ne3A_1988 = arith.constant 0 : i32
      %ne3A_1989 = arith.cmpi ne, %rem3A_1987, %ne3A_1988 : i32
      %lt3A_1990 = arith.constant 0 : i32
      %lt3A_1991 = arith.cmpi slt, %rem3A_1987, %lt3A_1990 : i32
      %lt3A_1992 = arith.constant 0 : i32
      %lt3A_1993 = arith.cmpi slt, %select_n3A_1986, %lt3A_1992 : i32
      %ne3A_1994 = arith.xori %lt3A_1991, %lt3A_1993 : i1
      %and3A_1995 = arith.andi %ne3A_1994, %ne3A_1989 : i1
      %add3A_1996 = arith.addi %rem3A_1987, %select_n3A_1986 : i32
      %select_n3A_1997 = arith.select %and3A_1995, %add3A_1996, %rem3A_1987 : i32
      %mul3A_1998 = arith.constant 128 : i32
      %mul3A_1999 = arith.muli %select_n3A_1997, %mul3A_1998 : i32
      %add3A_2000 = arith.addi %mul3A_1981, %mul3A_1999 : i32
      %jit3A_2001 = arith.constant 16 : i32
      %div3A_2002 = arith.divsi %sub3A_1979, %jit3A_2001 : i32
      %sign3A_2003 = arith.constant 0 : i32
      %sign3A_2004 = arith.cmpi sgt, %sub3A_1979, %sign3A_2003 : i32
      %sign3A_2005 = arith.extui %sign3A_2004 : i1 to i32
      %sign3A_2006 = arith.constant 0 : i32
      %sign3A_2007 = arith.cmpi slt, %sub3A_1979, %sign3A_2006 : i32
      %sign3A_2008 = arith.extui %sign3A_2007 : i1 to i32
      %sign3A_2009 = arith.subi %sign3A_2005, %sign3A_2008 : i32
      %sign3A_2010 = arith.constant 0 : i32
      %sign3A_2011 = arith.cmpi sgt, %jit3A_2001, %sign3A_2010 : i32
      %sign3A_2012 = arith.extui %sign3A_2011 : i1 to i32
      %sign3A_2013 = arith.constant 0 : i32
      %sign3A_2014 = arith.cmpi slt, %jit3A_2001, %sign3A_2013 : i32
      %sign3A_2015 = arith.extui %sign3A_2014 : i1 to i32
      %sign3A_2016 = arith.subi %sign3A_2012, %sign3A_2015 : i32
      %ne3A_2017 = arith.cmpi ne, %sign3A_2009, %sign3A_2016 : i32
      %rem3A_2018 = arith.remsi %sub3A_1979, %jit3A_2001 : i32
      %ne3A_2019 = arith.constant 0 : i32
      %ne3A_2020 = arith.cmpi ne, %rem3A_2018, %ne3A_2019 : i32
      %and3A_2021 = arith.andi %ne3A_2017, %ne3A_2020 : i1
      %sub3A_2022 = arith.constant 1 : i32
      %sub3A_2023 = arith.subi %div3A_2002, %sub3A_2022 : i32
      %select_n3A_2024 = arith.select %and3A_2021, %sub3A_2023, %div3A_2002 : i32
      %mul3A_2025 = arith.constant 64 : i32
      %mul3A_2026 = arith.muli %select_n3A_2024, %mul3A_2025 : i32
      %dma_start3A_2027 = arith.constant 8 : i32
      %dma_start3A_2028 = arith.constant 0 : i32
      %dma_start3A_2029 = arith.constant 0 : i32
      %dma_start3A_2030 = tpu.memref_slice %arg6[%dma_start3A_2027, %dma_start3A_2028, %dma_start3A_2029] : memref<10x128x64xf32, #tpu.memory_space<vmem>> -> memref<1x128x64xf32, #tpu.memory_space<vmem>>
      %dma_start3A_2031 = tpu.memref_squeeze %dma_start3A_2030 : memref<1x128x64xf32, #tpu.memory_space<vmem>> -> memref<128x64xf32, #tpu.memory_space<vmem>>
      %dma_start3A_2032 = tpu.memref_slice %arg4[%add3A_2000, %mul3A_2026] : memref<409600x128xf32, #tpu.memory_space<hbm>> -> memref<128x64xf32, #tpu.memory_space<hbm>>
      %dma_start3A_2033 = tpu.memref_slice %arg4[%add3A_2000, %mul3A_2026] : memref<409600x128xf32, #tpu.memory_space<hbm>> -> memref<128x64xf32, #tpu.memory_space<hbm>>
      %dma_start3A_2034 = arith.constant 0 : i32
      %dma_start3A_2035 = arith.constant 0 : i32
      %dma_start3A_2036 = tpu.memref_slice %arg6[%dma_start3A_2027, %dma_start3A_2034, %dma_start3A_2035] : memref<10x128x64xf32, #tpu.memory_space<vmem>> -> memref<1x128x64xf32, #tpu.memory_space<vmem>>
      %dma_start3A_2037 = tpu.memref_squeeze %dma_start3A_2036 : memref<1x128x64xf32, #tpu.memory_space<vmem>> -> memref<128x64xf32, #tpu.memory_space<vmem>>
      tpu.enqueue_dma source(%dma_start3A_2037 : memref<128x64xf32, #tpu.memory_space<vmem>>) target(%dma_start3A_2033 : memref<128x64xf32, #tpu.memory_space<hbm>>) target_semaphore(%arg10 : memref<!tpu.dma_semaphore, #tpu.memory_space<semaphore_mem>>)
      %mul3A_2038 = arith.constant 200 : i32
      %mul3A_2039 = arith.muli %add3A, %mul3A_2038 : i32
      %mul3A_2040 = arith.constant 5 : i32
      %mul3A_2041 = arith.muli %add3A_515, %mul3A_2040 : i32
      %add3A_2042 = arith.addi %mul3A_2039, %mul3A_2041 : i32
      %add3A_2043 = arith.constant 4 : i32
      %add3A_2044 = arith.addi %add3A_2042, %add3A_2043 : i32
      %jit3A_2045 = arith.constant 32 : i32
      %div3A_2046 = arith.divsi %add3A_2044, %jit3A_2045 : i32
      %sign3A_2047 = arith.constant 0 : i32
      %sign3A_2048 = arith.cmpi sgt, %add3A_2044, %sign3A_2047 : i32
      %sign3A_2049 = arith.extui %sign3A_2048 : i1 to i32
      %sign3A_2050 = arith.constant 0 : i32
      %sign3A_2051 = arith.cmpi slt, %add3A_2044, %sign3A_2050 : i32
      %sign3A_2052 = arith.extui %sign3A_2051 : i1 to i32
      %sign3A_2053 = arith.subi %sign3A_2049, %sign3A_2052 : i32
      %sign3A_2054 = arith.constant 0 : i32
      %sign3A_2055 = arith.cmpi sgt, %jit3A_2045, %sign3A_2054 : i32
      %sign3A_2056 = arith.extui %sign3A_2055 : i1 to i32
      %sign3A_2057 = arith.constant 0 : i32
      %sign3A_2058 = arith.cmpi slt, %jit3A_2045, %sign3A_2057 : i32
      %sign3A_2059 = arith.extui %sign3A_2058 : i1 to i32
      %sign3A_2060 = arith.subi %sign3A_2056, %sign3A_2059 : i32
      %ne3A_2061 = arith.cmpi ne, %sign3A_2053, %sign3A_2060 : i32
      %rem3A_2062 = arith.remsi %add3A_2044, %jit3A_2045 : i32
      %ne3A_2063 = arith.constant 0 : i32
      %ne3A_2064 = arith.cmpi ne, %rem3A_2062, %ne3A_2063 : i32
      %and3A_2065 = arith.andi %ne3A_2061, %ne3A_2064 : i1
      %sub3A_2066 = arith.constant 1 : i32
      %sub3A_2067 = arith.subi %div3A_2046, %sub3A_2066 : i32
      %select_n3A_2068 = arith.select %and3A_2065, %sub3A_2067, %div3A_2046 : i32
      %mul3A_2069 = arith.constant 32 : i32
      %mul3A_2070 = arith.muli %select_n3A_2068, %mul3A_2069 : i32
      %sub3A_2071 = arith.subi %add3A_2044, %mul3A_2070 : i32
      %mul3A_2072 = arith.constant 2048 : i32
      %mul3A_2073 = arith.muli %select_n3A_2068, %mul3A_2072 : i32
      %jit3A_2074 = arith.constant 16 : i32
      %eq3A_2075 = arith.constant 0 : i32
      %eq3A_2076 = arith.cmpi eq, %jit3A_2074, %eq3A_2075 : i32
      %jit3A_2077 = arith.constant 1 : i32
      %select_n3A_2078 = arith.select %eq3A_2076, %jit3A_2077, %jit3A_2074 : i32
      %rem3A_2079 = arith.remsi %sub3A_2071, %select_n3A_2078 : i32
      %ne3A_2080 = arith.constant 0 : i32
      %ne3A_2081 = arith.cmpi ne, %rem3A_2079, %ne3A_2080 : i32
      %lt3A_2082 = arith.constant 0 : i32
      %lt3A_2083 = arith.cmpi slt, %rem3A_2079, %lt3A_2082 : i32
      %lt3A_2084 = arith.constant 0 : i32
      %lt3A_2085 = arith.cmpi slt, %select_n3A_2078, %lt3A_2084 : i32
      %ne3A_2086 = arith.xori %lt3A_2083, %lt3A_2085 : i1
      %and3A_2087 = arith.andi %ne3A_2086, %ne3A_2081 : i1
      %add3A_2088 = arith.addi %rem3A_2079, %select_n3A_2078 : i32
      %select_n3A_2089 = arith.select %and3A_2087, %add3A_2088, %rem3A_2079 : i32
      %mul3A_2090 = arith.constant 128 : i32
      %mul3A_2091 = arith.muli %select_n3A_2089, %mul3A_2090 : i32
      %add3A_2092 = arith.addi %mul3A_2073, %mul3A_2091 : i32
      %jit3A_2093 = arith.constant 16 : i32
      %div3A_2094 = arith.divsi %sub3A_2071, %jit3A_2093 : i32
      %sign3A_2095 = arith.constant 0 : i32
      %sign3A_2096 = arith.cmpi sgt, %sub3A_2071, %sign3A_2095 : i32
      %sign3A_2097 = arith.extui %sign3A_2096 : i1 to i32
      %sign3A_2098 = arith.constant 0 : i32
      %sign3A_2099 = arith.cmpi slt, %sub3A_2071, %sign3A_2098 : i32
      %sign3A_2100 = arith.extui %sign3A_2099 : i1 to i32
      %sign3A_2101 = arith.subi %sign3A_2097, %sign3A_2100 : i32
      %sign3A_2102 = arith.constant 0 : i32
      %sign3A_2103 = arith.cmpi sgt, %jit3A_2093, %sign3A_2102 : i32
      %sign3A_2104 = arith.extui %sign3A_2103 : i1 to i32
      %sign3A_2105 = arith.constant 0 : i32
      %sign3A_2106 = arith.cmpi slt, %jit3A_2093, %sign3A_2105 : i32
      %sign3A_2107 = arith.extui %sign3A_2106 : i1 to i32
      %sign3A_2108 = arith.subi %sign3A_2104, %sign3A_2107 : i32
      %ne3A_2109 = arith.cmpi ne, %sign3A_2101, %sign3A_2108 : i32
      %rem3A_2110 = arith.remsi %sub3A_2071, %jit3A_2093 : i32
      %ne3A_2111 = arith.constant 0 : i32
      %ne3A_2112 = arith.cmpi ne, %rem3A_2110, %ne3A_2111 : i32
      %and3A_2113 = arith.andi %ne3A_2109, %ne3A_2112 : i1
      %sub3A_2114 = arith.constant 1 : i32
      %sub3A_2115 = arith.subi %div3A_2094, %sub3A_2114 : i32
      %select_n3A_2116 = arith.select %and3A_2113, %sub3A_2115, %div3A_2094 : i32
      %mul3A_2117 = arith.constant 64 : i32
      %mul3A_2118 = arith.muli %select_n3A_2116, %mul3A_2117 : i32
      %dma_start3A_2119 = arith.constant 9 : i32
      %dma_start3A_2120 = arith.constant 0 : i32
      %dma_start3A_2121 = arith.constant 0 : i32
      %dma_start3A_2122 = tpu.memref_slice %arg6[%dma_start3A_2119, %dma_start3A_2120, %dma_start3A_2121] : memref<10x128x64xf32, #tpu.memory_space<vmem>> -> memref<1x128x64xf32, #tpu.memory_space<vmem>>
      %dma_start3A_2123 = tpu.memref_squeeze %dma_start3A_2122 : memref<1x128x64xf32, #tpu.memory_space<vmem>> -> memref<128x64xf32, #tpu.memory_space<vmem>>
      %dma_start3A_2124 = tpu.memref_slice %arg4[%add3A_2092, %mul3A_2118] : memref<409600x128xf32, #tpu.memory_space<hbm>> -> memref<128x64xf32, #tpu.memory_space<hbm>>
      %dma_start3A_2125 = tpu.memref_slice %arg4[%add3A_2092, %mul3A_2118] : memref<409600x128xf32, #tpu.memory_space<hbm>> -> memref<128x64xf32, #tpu.memory_space<hbm>>
      %dma_start3A_2126 = arith.constant 0 : i32
      %dma_start3A_2127 = arith.constant 0 : i32
      %dma_start3A_2128 = tpu.memref_slice %arg6[%dma_start3A_2119, %dma_start3A_2126, %dma_start3A_2127] : memref<10x128x64xf32, #tpu.memory_space<vmem>> -> memref<1x128x64xf32, #tpu.memory_space<vmem>>
      %dma_start3A_2129 = tpu.memref_squeeze %dma_start3A_2128 : memref<1x128x64xf32, #tpu.memory_space<vmem>> -> memref<128x64xf32, #tpu.memory_space<vmem>>
      tpu.enqueue_dma source(%dma_start3A_2129 : memref<128x64xf32, #tpu.memory_space<vmem>>) target(%dma_start3A_2125 : memref<128x64xf32, #tpu.memory_space<hbm>>) target_semaphore(%arg10 : memref<!tpu.dma_semaphore, #tpu.memory_space<semaphore_mem>>)
    }
    %scan3A_66 = arith.constant 20 : i32
    %mul3A_67 = arith.constant 200 : i32
    %mul3A_68 = arith.muli %add3A, %mul3A_67 : i32
    %add3A_69 = arith.constant 195 : i32
    %add3A_70 = arith.addi %mul3A_68, %add3A_69 : i32
    %add3A_71 = arith.constant 0 : i32
    %add3A_72 = arith.addi %add3A_70, %add3A_71 : i32
    %jit3A = arith.constant 32 : i32
    %div3A = arith.divsi %add3A_72, %jit3A : i32
    %sign3A = arith.constant 0 : i32
    %sign3A_73 = arith.cmpi sgt, %add3A_72, %sign3A : i32
    %sign3A_74 = arith.extui %sign3A_73 : i1 to i32
    %sign3A_75 = arith.constant 0 : i32
    %sign3A_76 = arith.cmpi slt, %add3A_72, %sign3A_75 : i32
    %sign3A_77 = arith.extui %sign3A_76 : i1 to i32
    %sign3A_78 = arith.subi %sign3A_74, %sign3A_77 : i32
    %sign3A_79 = arith.constant 0 : i32
    %sign3A_80 = arith.cmpi sgt, %jit3A, %sign3A_79 : i32
    %sign3A_81 = arith.extui %sign3A_80 : i1 to i32
    %sign3A_82 = arith.constant 0 : i32
    %sign3A_83 = arith.cmpi slt, %jit3A, %sign3A_82 : i32
    %sign3A_84 = arith.extui %sign3A_83 : i1 to i32
    %sign3A_85 = arith.subi %sign3A_81, %sign3A_84 : i32
    %ne3A = arith.cmpi ne, %sign3A_78, %sign3A_85 : i32
    %rem3A = arith.remsi %add3A_72, %jit3A : i32
    %ne3A_86 = arith.constant 0 : i32
    %ne3A_87 = arith.cmpi ne, %rem3A, %ne3A_86 : i32
    %and3A = arith.andi %ne3A, %ne3A_87 : i1
    %sub3A = arith.constant 1 : i32
    %sub3A_88 = arith.subi %div3A, %sub3A : i32
    %select_n3A = arith.select %and3A, %sub3A_88, %div3A : i32
    %mul3A_89 = arith.constant 32 : i32
    %mul3A_90 = arith.muli %select_n3A, %mul3A_89 : i32
    %sub3A_91 = arith.subi %add3A_72, %mul3A_90 : i32
    %mul3A_92 = arith.constant 2048 : i32
    %mul3A_93 = arith.muli %select_n3A, %mul3A_92 : i32
    %jit3A_94 = arith.constant 16 : i32
    %eq3A = arith.constant 0 : i32
    %eq3A_95 = arith.cmpi eq, %jit3A_94, %eq3A : i32
    %jit3A_96 = arith.constant 1 : i32
    %select_n3A_97 = arith.select %eq3A_95, %jit3A_96, %jit3A_94 : i32
    %rem3A_98 = arith.remsi %sub3A_91, %select_n3A_97 : i32
    %ne3A_99 = arith.constant 0 : i32
    %ne3A_100 = arith.cmpi ne, %rem3A_98, %ne3A_99 : i32
    %lt3A = arith.constant 0 : i32
    %lt3A_101 = arith.cmpi slt, %rem3A_98, %lt3A : i32
    %lt3A_102 = arith.constant 0 : i32
    %lt3A_103 = arith.cmpi slt, %select_n3A_97, %lt3A_102 : i32
    %ne3A_104 = arith.xori %lt3A_101, %lt3A_103 : i1
    %and3A_105 = arith.andi %ne3A_104, %ne3A_100 : i1
    %add3A_106 = arith.addi %rem3A_98, %select_n3A_97 : i32
    %select_n3A_107 = arith.select %and3A_105, %add3A_106, %rem3A_98 : i32
    %mul3A_108 = arith.constant 128 : i32
    %mul3A_109 = arith.muli %select_n3A_107, %mul3A_108 : i32
    %add3A_110 = arith.addi %mul3A_93, %mul3A_109 : i32
    %jit3A_111 = arith.constant 16 : i32
    %div3A_112 = arith.divsi %sub3A_91, %jit3A_111 : i32
    %sign3A_113 = arith.constant 0 : i32
    %sign3A_114 = arith.cmpi sgt, %sub3A_91, %sign3A_113 : i32
    %sign3A_115 = arith.extui %sign3A_114 : i1 to i32
    %sign3A_116 = arith.constant 0 : i32
    %sign3A_117 = arith.cmpi slt, %sub3A_91, %sign3A_116 : i32
    %sign3A_118 = arith.extui %sign3A_117 : i1 to i32
    %sign3A_119 = arith.subi %sign3A_115, %sign3A_118 : i32
    %sign3A_120 = arith.constant 0 : i32
    %sign3A_121 = arith.cmpi sgt, %jit3A_111, %sign3A_120 : i32
    %sign3A_122 = arith.extui %sign3A_121 : i1 to i32
    %sign3A_123 = arith.constant 0 : i32
    %sign3A_124 = arith.cmpi slt, %jit3A_111, %sign3A_123 : i32
    %sign3A_125 = arith.extui %sign3A_124 : i1 to i32
    %sign3A_126 = arith.subi %sign3A_122, %sign3A_125 : i32
    %ne3A_127 = arith.cmpi ne, %sign3A_119, %sign3A_126 : i32
    %rem3A_128 = arith.remsi %sub3A_91, %jit3A_111 : i32
    %ne3A_129 = arith.constant 0 : i32
    %ne3A_130 = arith.cmpi ne, %rem3A_128, %ne3A_129 : i32
    %and3A_131 = arith.andi %ne3A_127, %ne3A_130 : i1
    %sub3A_132 = arith.constant 1 : i32
    %sub3A_133 = arith.subi %div3A_112, %sub3A_132 : i32
    %select_n3A_134 = arith.select %and3A_131, %sub3A_133, %div3A_112 : i32
    %mul3A_135 = arith.constant 64 : i32
    %mul3A_136 = arith.muli %select_n3A_134, %mul3A_135 : i32
    %dma_wait3A = arith.constant 5 : i32
    %dma_wait3A_137 = arith.constant 0 : i32
    %dma_wait3A_138 = arith.constant 0 : i32
    %dma_wait3A_139 = tpu.memref_slice %arg6[%dma_wait3A, %dma_wait3A_137, %dma_wait3A_138] : memref<10x128x64xf32, #tpu.memory_space<vmem>> -> memref<1x128x64xf32, #tpu.memory_space<vmem>>
    %dma_wait3A_140 = tpu.memref_squeeze %dma_wait3A_139 : memref<1x128x64xf32, #tpu.memory_space<vmem>> -> memref<128x64xf32, #tpu.memory_space<vmem>>
    %dma_wait3A_141 = tpu.memref_slice %arg4[%add3A_110, %mul3A_136] : memref<409600x128xf32, #tpu.memory_space<hbm>> -> memref<128x64xf32, #tpu.memory_space<hbm>>
    %dma_wait3A_142 = tpu.memref_slice %arg4[%add3A_110, %mul3A_136] : memref<409600x128xf32, #tpu.memory_space<hbm>> -> memref<128x64xf32, #tpu.memory_space<hbm>>
    %dma_wait3A_143 = arith.constant 0 : i32
    %dma_wait3A_144 = arith.constant 0 : i32
    %dma_wait3A_145 = tpu.memref_slice %arg6[%dma_wait3A, %dma_wait3A_143, %dma_wait3A_144] : memref<10x128x64xf32, #tpu.memory_space<vmem>> -> memref<1x128x64xf32, #tpu.memory_space<vmem>>
    %dma_wait3A_146 = tpu.memref_squeeze %dma_wait3A_145 : memref<1x128x64xf32, #tpu.memory_space<vmem>> -> memref<128x64xf32, #tpu.memory_space<vmem>>
    tpu.wait_dma2 semaphore(%arg10 : memref<!tpu.dma_semaphore, #tpu.memory_space<semaphore_mem>>) src(%dma_wait3A_146 : memref<128x64xf32, #tpu.memory_space<vmem>>) dst(%dma_wait3A_142 : memref<128x64xf32, #tpu.memory_space<hbm>>)
    %mul3A_147 = arith.constant 200 : i32
    %mul3A_148 = arith.muli %add3A, %mul3A_147 : i32
    %add3A_149 = arith.constant 195 : i32
    %add3A_150 = arith.addi %mul3A_148, %add3A_149 : i32
    %add3A_151 = arith.constant 1 : i32
    %add3A_152 = arith.addi %add3A_150, %add3A_151 : i32
    %jit3A_153 = arith.constant 32 : i32
    %div3A_154 = arith.divsi %add3A_152, %jit3A_153 : i32
    %sign3A_155 = arith.constant 0 : i32
    %sign3A_156 = arith.cmpi sgt, %add3A_152, %sign3A_155 : i32
    %sign3A_157 = arith.extui %sign3A_156 : i1 to i32
    %sign3A_158 = arith.constant 0 : i32
    %sign3A_159 = arith.cmpi slt, %add3A_152, %sign3A_158 : i32
    %sign3A_160 = arith.extui %sign3A_159 : i1 to i32
    %sign3A_161 = arith.subi %sign3A_157, %sign3A_160 : i32
    %sign3A_162 = arith.constant 0 : i32
    %sign3A_163 = arith.cmpi sgt, %jit3A_153, %sign3A_162 : i32
    %sign3A_164 = arith.extui %sign3A_163 : i1 to i32
    %sign3A_165 = arith.constant 0 : i32
    %sign3A_166 = arith.cmpi slt, %jit3A_153, %sign3A_165 : i32
    %sign3A_167 = arith.extui %sign3A_166 : i1 to i32
    %sign3A_168 = arith.subi %sign3A_164, %sign3A_167 : i32
    %ne3A_169 = arith.cmpi ne, %sign3A_161, %sign3A_168 : i32
    %rem3A_170 = arith.remsi %add3A_152, %jit3A_153 : i32
    %ne3A_171 = arith.constant 0 : i32
    %ne3A_172 = arith.cmpi ne, %rem3A_170, %ne3A_171 : i32
    %and3A_173 = arith.andi %ne3A_169, %ne3A_172 : i1
    %sub3A_174 = arith.constant 1 : i32
    %sub3A_175 = arith.subi %div3A_154, %sub3A_174 : i32
    %select_n3A_176 = arith.select %and3A_173, %sub3A_175, %div3A_154 : i32
    %mul3A_177 = arith.constant 32 : i32
    %mul3A_178 = arith.muli %select_n3A_176, %mul3A_177 : i32
    %sub3A_179 = arith.subi %add3A_152, %mul3A_178 : i32
    %mul3A_180 = arith.constant 2048 : i32
    %mul3A_181 = arith.muli %select_n3A_176, %mul3A_180 : i32
    %jit3A_182 = arith.constant 16 : i32
    %eq3A_183 = arith.constant 0 : i32
    %eq3A_184 = arith.cmpi eq, %jit3A_182, %eq3A_183 : i32
    %jit3A_185 = arith.constant 1 : i32
    %select_n3A_186 = arith.select %eq3A_184, %jit3A_185, %jit3A_182 : i32
    %rem3A_187 = arith.remsi %sub3A_179, %select_n3A_186 : i32
    %ne3A_188 = arith.constant 0 : i32
    %ne3A_189 = arith.cmpi ne, %rem3A_187, %ne3A_188 : i32
    %lt3A_190 = arith.constant 0 : i32
    %lt3A_191 = arith.cmpi slt, %rem3A_187, %lt3A_190 : i32
    %lt3A_192 = arith.constant 0 : i32
    %lt3A_193 = arith.cmpi slt, %select_n3A_186, %lt3A_192 : i32
    %ne3A_194 = arith.xori %lt3A_191, %lt3A_193 : i1
    %and3A_195 = arith.andi %ne3A_194, %ne3A_189 : i1
    %add3A_196 = arith.addi %rem3A_187, %select_n3A_186 : i32
    %select_n3A_197 = arith.select %and3A_195, %add3A_196, %rem3A_187 : i32
    %mul3A_198 = arith.constant 128 : i32
    %mul3A_199 = arith.muli %select_n3A_197, %mul3A_198 : i32
    %add3A_200 = arith.addi %mul3A_181, %mul3A_199 : i32
    %jit3A_201 = arith.constant 16 : i32
    %div3A_202 = arith.divsi %sub3A_179, %jit3A_201 : i32
    %sign3A_203 = arith.constant 0 : i32
    %sign3A_204 = arith.cmpi sgt, %sub3A_179, %sign3A_203 : i32
    %sign3A_205 = arith.extui %sign3A_204 : i1 to i32
    %sign3A_206 = arith.constant 0 : i32
    %sign3A_207 = arith.cmpi slt, %sub3A_179, %sign3A_206 : i32
    %sign3A_208 = arith.extui %sign3A_207 : i1 to i32
    %sign3A_209 = arith.subi %sign3A_205, %sign3A_208 : i32
    %sign3A_210 = arith.constant 0 : i32
    %sign3A_211 = arith.cmpi sgt, %jit3A_201, %sign3A_210 : i32
    %sign3A_212 = arith.extui %sign3A_211 : i1 to i32
    %sign3A_213 = arith.constant 0 : i32
    %sign3A_214 = arith.cmpi slt, %jit3A_201, %sign3A_213 : i32
    %sign3A_215 = arith.extui %sign3A_214 : i1 to i32
    %sign3A_216 = arith.subi %sign3A_212, %sign3A_215 : i32
    %ne3A_217 = arith.cmpi ne, %sign3A_209, %sign3A_216 : i32
    %rem3A_218 = arith.remsi %sub3A_179, %jit3A_201 : i32
    %ne3A_219 = arith.constant 0 : i32
    %ne3A_220 = arith.cmpi ne, %rem3A_218, %ne3A_219 : i32
    %and3A_221 = arith.andi %ne3A_217, %ne3A_220 : i1
    %sub3A_222 = arith.constant 1 : i32
    %sub3A_223 = arith.subi %div3A_202, %sub3A_222 : i32
    %select_n3A_224 = arith.select %and3A_221, %sub3A_223, %div3A_202 : i32
    %mul3A_225 = arith.constant 64 : i32
    %mul3A_226 = arith.muli %select_n3A_224, %mul3A_225 : i32
    %dma_wait3A_227 = arith.constant 6 : i32
    %dma_wait3A_228 = arith.constant 0 : i32
    %dma_wait3A_229 = arith.constant 0 : i32
    %dma_wait3A_230 = tpu.memref_slice %arg6[%dma_wait3A_227, %dma_wait3A_228, %dma_wait3A_229] : memref<10x128x64xf32, #tpu.memory_space<vmem>> -> memref<1x128x64xf32, #tpu.memory_space<vmem>>
    %dma_wait3A_231 = tpu.memref_squeeze %dma_wait3A_230 : memref<1x128x64xf32, #tpu.memory_space<vmem>> -> memref<128x64xf32, #tpu.memory_space<vmem>>
    %dma_wait3A_232 = tpu.memref_slice %arg4[%add3A_200, %mul3A_226] : memref<409600x128xf32, #tpu.memory_space<hbm>> -> memref<128x64xf32, #tpu.memory_space<hbm>>
    %dma_wait3A_233 = tpu.memref_slice %arg4[%add3A_200, %mul3A_226] : memref<409600x128xf32, #tpu.memory_space<hbm>> -> memref<128x64xf32, #tpu.memory_space<hbm>>
    %dma_wait3A_234 = arith.constant 0 : i32
    %dma_wait3A_235 = arith.constant 0 : i32
    %dma_wait3A_236 = tpu.memref_slice %arg6[%dma_wait3A_227, %dma_wait3A_234, %dma_wait3A_235] : memref<10x128x64xf32, #tpu.memory_space<vmem>> -> memref<1x128x64xf32, #tpu.memory_space<vmem>>
    %dma_wait3A_237 = tpu.memref_squeeze %dma_wait3A_236 : memref<1x128x64xf32, #tpu.memory_space<vmem>> -> memref<128x64xf32, #tpu.memory_space<vmem>>
    tpu.wait_dma2 semaphore(%arg10 : memref<!tpu.dma_semaphore, #tpu.memory_space<semaphore_mem>>) src(%dma_wait3A_237 : memref<128x64xf32, #tpu.memory_space<vmem>>) dst(%dma_wait3A_233 : memref<128x64xf32, #tpu.memory_space<hbm>>)
    %mul3A_238 = arith.constant 200 : i32
    %mul3A_239 = arith.muli %add3A, %mul3A_238 : i32
    %add3A_240 = arith.constant 195 : i32
    %add3A_241 = arith.addi %mul3A_239, %add3A_240 : i32
    %add3A_242 = arith.constant 2 : i32
    %add3A_243 = arith.addi %add3A_241, %add3A_242 : i32
    %jit3A_244 = arith.constant 32 : i32
    %div3A_245 = arith.divsi %add3A_243, %jit3A_244 : i32
    %sign3A_246 = arith.constant 0 : i32
    %sign3A_247 = arith.cmpi sgt, %add3A_243, %sign3A_246 : i32
    %sign3A_248 = arith.extui %sign3A_247 : i1 to i32
    %sign3A_249 = arith.constant 0 : i32
    %sign3A_250 = arith.cmpi slt, %add3A_243, %sign3A_249 : i32
    %sign3A_251 = arith.extui %sign3A_250 : i1 to i32
    %sign3A_252 = arith.subi %sign3A_248, %sign3A_251 : i32
    %sign3A_253 = arith.constant 0 : i32
    %sign3A_254 = arith.cmpi sgt, %jit3A_244, %sign3A_253 : i32
    %sign3A_255 = arith.extui %sign3A_254 : i1 to i32
    %sign3A_256 = arith.constant 0 : i32
    %sign3A_257 = arith.cmpi slt, %jit3A_244, %sign3A_256 : i32
    %sign3A_258 = arith.extui %sign3A_257 : i1 to i32
    %sign3A_259 = arith.subi %sign3A_255, %sign3A_258 : i32
    %ne3A_260 = arith.cmpi ne, %sign3A_252, %sign3A_259 : i32
    %rem3A_261 = arith.remsi %add3A_243, %jit3A_244 : i32
    %ne3A_262 = arith.constant 0 : i32
    %ne3A_263 = arith.cmpi ne, %rem3A_261, %ne3A_262 : i32
    %and3A_264 = arith.andi %ne3A_260, %ne3A_263 : i1
    %sub3A_265 = arith.constant 1 : i32
    %sub3A_266 = arith.subi %div3A_245, %sub3A_265 : i32
    %select_n3A_267 = arith.select %and3A_264, %sub3A_266, %div3A_245 : i32
    %mul3A_268 = arith.constant 32 : i32
    %mul3A_269 = arith.muli %select_n3A_267, %mul3A_268 : i32
    %sub3A_270 = arith.subi %add3A_243, %mul3A_269 : i32
    %mul3A_271 = arith.constant 2048 : i32
    %mul3A_272 = arith.muli %select_n3A_267, %mul3A_271 : i32
    %jit3A_273 = arith.constant 16 : i32
    %eq3A_274 = arith.constant 0 : i32
    %eq3A_275 = arith.cmpi eq, %jit3A_273, %eq3A_274 : i32
    %jit3A_276 = arith.constant 1 : i32
    %select_n3A_277 = arith.select %eq3A_275, %jit3A_276, %jit3A_273 : i32
    %rem3A_278 = arith.remsi %sub3A_270, %select_n3A_277 : i32
    %ne3A_279 = arith.constant 0 : i32
    %ne3A_280 = arith.cmpi ne, %rem3A_278, %ne3A_279 : i32
    %lt3A_281 = arith.constant 0 : i32
    %lt3A_282 = arith.cmpi slt, %rem3A_278, %lt3A_281 : i32
    %lt3A_283 = arith.constant 0 : i32
    %lt3A_284 = arith.cmpi slt, %select_n3A_277, %lt3A_283 : i32
    %ne3A_285 = arith.xori %lt3A_282, %lt3A_284 : i1
    %and3A_286 = arith.andi %ne3A_285, %ne3A_280 : i1
    %add3A_287 = arith.addi %rem3A_278, %select_n3A_277 : i32
    %select_n3A_288 = arith.select %and3A_286, %add3A_287, %rem3A_278 : i32
    %mul3A_289 = arith.constant 128 : i32
    %mul3A_290 = arith.muli %select_n3A_288, %mul3A_289 : i32
    %add3A_291 = arith.addi %mul3A_272, %mul3A_290 : i32
    %jit3A_292 = arith.constant 16 : i32
    %div3A_293 = arith.divsi %sub3A_270, %jit3A_292 : i32
    %sign3A_294 = arith.constant 0 : i32
    %sign3A_295 = arith.cmpi sgt, %sub3A_270, %sign3A_294 : i32
    %sign3A_296 = arith.extui %sign3A_295 : i1 to i32
    %sign3A_297 = arith.constant 0 : i32
    %sign3A_298 = arith.cmpi slt, %sub3A_270, %sign3A_297 : i32
    %sign3A_299 = arith.extui %sign3A_298 : i1 to i32
    %sign3A_300 = arith.subi %sign3A_296, %sign3A_299 : i32
    %sign3A_301 = arith.constant 0 : i32
    %sign3A_302 = arith.cmpi sgt, %jit3A_292, %sign3A_301 : i32
    %sign3A_303 = arith.extui %sign3A_302 : i1 to i32
    %sign3A_304 = arith.constant 0 : i32
    %sign3A_305 = arith.cmpi slt, %jit3A_292, %sign3A_304 : i32
    %sign3A_306 = arith.extui %sign3A_305 : i1 to i32
    %sign3A_307 = arith.subi %sign3A_303, %sign3A_306 : i32
    %ne3A_308 = arith.cmpi ne, %sign3A_300, %sign3A_307 : i32
    %rem3A_309 = arith.remsi %sub3A_270, %jit3A_292 : i32
    %ne3A_310 = arith.constant 0 : i32
    %ne3A_311 = arith.cmpi ne, %rem3A_309, %ne3A_310 : i32
    %and3A_312 = arith.andi %ne3A_308, %ne3A_311 : i1
    %sub3A_313 = arith.constant 1 : i32
    %sub3A_314 = arith.subi %div3A_293, %sub3A_313 : i32
    %select_n3A_315 = arith.select %and3A_312, %sub3A_314, %div3A_293 : i32
    %mul3A_316 = arith.constant 64 : i32
    %mul3A_317 = arith.muli %select_n3A_315, %mul3A_316 : i32
    %dma_wait3A_318 = arith.constant 7 : i32
    %dma_wait3A_319 = arith.constant 0 : i32
    %dma_wait3A_320 = arith.constant 0 : i32
    %dma_wait3A_321 = tpu.memref_slice %arg6[%dma_wait3A_318, %dma_wait3A_319, %dma_wait3A_320] : memref<10x128x64xf32, #tpu.memory_space<vmem>> -> memref<1x128x64xf32, #tpu.memory_space<vmem>>
    %dma_wait3A_322 = tpu.memref_squeeze %dma_wait3A_321 : memref<1x128x64xf32, #tpu.memory_space<vmem>> -> memref<128x64xf32, #tpu.memory_space<vmem>>
    %dma_wait3A_323 = tpu.memref_slice %arg4[%add3A_291, %mul3A_317] : memref<409600x128xf32, #tpu.memory_space<hbm>> -> memref<128x64xf32, #tpu.memory_space<hbm>>
    %dma_wait3A_324 = tpu.memref_slice %arg4[%add3A_291, %mul3A_317] : memref<409600x128xf32, #tpu.memory_space<hbm>> -> memref<128x64xf32, #tpu.memory_space<hbm>>
    %dma_wait3A_325 = arith.constant 0 : i32
    %dma_wait3A_326 = arith.constant 0 : i32
    %dma_wait3A_327 = tpu.memref_slice %arg6[%dma_wait3A_318, %dma_wait3A_325, %dma_wait3A_326] : memref<10x128x64xf32, #tpu.memory_space<vmem>> -> memref<1x128x64xf32, #tpu.memory_space<vmem>>
    %dma_wait3A_328 = tpu.memref_squeeze %dma_wait3A_327 : memref<1x128x64xf32, #tpu.memory_space<vmem>> -> memref<128x64xf32, #tpu.memory_space<vmem>>
    tpu.wait_dma2 semaphore(%arg10 : memref<!tpu.dma_semaphore, #tpu.memory_space<semaphore_mem>>) src(%dma_wait3A_328 : memref<128x64xf32, #tpu.memory_space<vmem>>) dst(%dma_wait3A_324 : memref<128x64xf32, #tpu.memory_space<hbm>>)
    %mul3A_329 = arith.constant 200 : i32
    %mul3A_330 = arith.muli %add3A, %mul3A_329 : i32
    %add3A_331 = arith.constant 195 : i32
    %add3A_332 = arith.addi %mul3A_330, %add3A_331 : i32
    %add3A_333 = arith.constant 3 : i32
    %add3A_334 = arith.addi %add3A_332, %add3A_333 : i32
    %jit3A_335 = arith.constant 32 : i32
    %div3A_336 = arith.divsi %add3A_334, %jit3A_335 : i32
    %sign3A_337 = arith.constant 0 : i32
    %sign3A_338 = arith.cmpi sgt, %add3A_334, %sign3A_337 : i32
    %sign3A_339 = arith.extui %sign3A_338 : i1 to i32
    %sign3A_340 = arith.constant 0 : i32
    %sign3A_341 = arith.cmpi slt, %add3A_334, %sign3A_340 : i32
    %sign3A_342 = arith.extui %sign3A_341 : i1 to i32
    %sign3A_343 = arith.subi %sign3A_339, %sign3A_342 : i32
    %sign3A_344 = arith.constant 0 : i32
    %sign3A_345 = arith.cmpi sgt, %jit3A_335, %sign3A_344 : i32
    %sign3A_346 = arith.extui %sign3A_345 : i1 to i32
    %sign3A_347 = arith.constant 0 : i32
    %sign3A_348 = arith.cmpi slt, %jit3A_335, %sign3A_347 : i32
    %sign3A_349 = arith.extui %sign3A_348 : i1 to i32
    %sign3A_350 = arith.subi %sign3A_346, %sign3A_349 : i32
    %ne3A_351 = arith.cmpi ne, %sign3A_343, %sign3A_350 : i32
    %rem3A_352 = arith.remsi %add3A_334, %jit3A_335 : i32
    %ne3A_353 = arith.constant 0 : i32
    %ne3A_354 = arith.cmpi ne, %rem3A_352, %ne3A_353 : i32
    %and3A_355 = arith.andi %ne3A_351, %ne3A_354 : i1
    %sub3A_356 = arith.constant 1 : i32
    %sub3A_357 = arith.subi %div3A_336, %sub3A_356 : i32
    %select_n3A_358 = arith.select %and3A_355, %sub3A_357, %div3A_336 : i32
    %mul3A_359 = arith.constant 32 : i32
    %mul3A_360 = arith.muli %select_n3A_358, %mul3A_359 : i32
    %sub3A_361 = arith.subi %add3A_334, %mul3A_360 : i32
    %mul3A_362 = arith.constant 2048 : i32
    %mul3A_363 = arith.muli %select_n3A_358, %mul3A_362 : i32
    %jit3A_364 = arith.constant 16 : i32
    %eq3A_365 = arith.constant 0 : i32
    %eq3A_366 = arith.cmpi eq, %jit3A_364, %eq3A_365 : i32
    %jit3A_367 = arith.constant 1 : i32
    %select_n3A_368 = arith.select %eq3A_366, %jit3A_367, %jit3A_364 : i32
    %rem3A_369 = arith.remsi %sub3A_361, %select_n3A_368 : i32
    %ne3A_370 = arith.constant 0 : i32
    %ne3A_371 = arith.cmpi ne, %rem3A_369, %ne3A_370 : i32
    %lt3A_372 = arith.constant 0 : i32
    %lt3A_373 = arith.cmpi slt, %rem3A_369, %lt3A_372 : i32
    %lt3A_374 = arith.constant 0 : i32
    %lt3A_375 = arith.cmpi slt, %select_n3A_368, %lt3A_374 : i32
    %ne3A_376 = arith.xori %lt3A_373, %lt3A_375 : i1
    %and3A_377 = arith.andi %ne3A_376, %ne3A_371 : i1
    %add3A_378 = arith.addi %rem3A_369, %select_n3A_368 : i32
    %select_n3A_379 = arith.select %and3A_377, %add3A_378, %rem3A_369 : i32
    %mul3A_380 = arith.constant 128 : i32
    %mul3A_381 = arith.muli %select_n3A_379, %mul3A_380 : i32
    %add3A_382 = arith.addi %mul3A_363, %mul3A_381 : i32
    %jit3A_383 = arith.constant 16 : i32
    %div3A_384 = arith.divsi %sub3A_361, %jit3A_383 : i32
    %sign3A_385 = arith.constant 0 : i32
    %sign3A_386 = arith.cmpi sgt, %sub3A_361, %sign3A_385 : i32
    %sign3A_387 = arith.extui %sign3A_386 : i1 to i32
    %sign3A_388 = arith.constant 0 : i32
    %sign3A_389 = arith.cmpi slt, %sub3A_361, %sign3A_388 : i32
    %sign3A_390 = arith.extui %sign3A_389 : i1 to i32
    %sign3A_391 = arith.subi %sign3A_387, %sign3A_390 : i32
    %sign3A_392 = arith.constant 0 : i32
    %sign3A_393 = arith.cmpi sgt, %jit3A_383, %sign3A_392 : i32
    %sign3A_394 = arith.extui %sign3A_393 : i1 to i32
    %sign3A_395 = arith.constant 0 : i32
    %sign3A_396 = arith.cmpi slt, %jit3A_383, %sign3A_395 : i32
    %sign3A_397 = arith.extui %sign3A_396 : i1 to i32
    %sign3A_398 = arith.subi %sign3A_394, %sign3A_397 : i32
    %ne3A_399 = arith.cmpi ne, %sign3A_391, %sign3A_398 : i32
    %rem3A_400 = arith.remsi %sub3A_361, %jit3A_383 : i32
    %ne3A_401 = arith.constant 0 : i32
    %ne3A_402 = arith.cmpi ne, %rem3A_400, %ne3A_401 : i32
    %and3A_403 = arith.andi %ne3A_399, %ne3A_402 : i1
    %sub3A_404 = arith.constant 1 : i32
    %sub3A_405 = arith.subi %div3A_384, %sub3A_404 : i32
    %select_n3A_406 = arith.select %and3A_403, %sub3A_405, %div3A_384 : i32
    %mul3A_407 = arith.constant 64 : i32
    %mul3A_408 = arith.muli %select_n3A_406, %mul3A_407 : i32
    %dma_wait3A_409 = arith.constant 8 : i32
    %dma_wait3A_410 = arith.constant 0 : i32
    %dma_wait3A_411 = arith.constant 0 : i32
    %dma_wait3A_412 = tpu.memref_slice %arg6[%dma_wait3A_409, %dma_wait3A_410, %dma_wait3A_411] : memref<10x128x64xf32, #tpu.memory_space<vmem>> -> memref<1x128x64xf32, #tpu.memory_space<vmem>>
    %dma_wait3A_413 = tpu.memref_squeeze %dma_wait3A_412 : memref<1x128x64xf32, #tpu.memory_space<vmem>> -> memref<128x64xf32, #tpu.memory_space<vmem>>
    %dma_wait3A_414 = tpu.memref_slice %arg4[%add3A_382, %mul3A_408] : memref<409600x128xf32, #tpu.memory_space<hbm>> -> memref<128x64xf32, #tpu.memory_space<hbm>>
    %dma_wait3A_415 = tpu.memref_slice %arg4[%add3A_382, %mul3A_408] : memref<409600x128xf32, #tpu.memory_space<hbm>> -> memref<128x64xf32, #tpu.memory_space<hbm>>
    %dma_wait3A_416 = arith.constant 0 : i32
    %dma_wait3A_417 = arith.constant 0 : i32
    %dma_wait3A_418 = tpu.memref_slice %arg6[%dma_wait3A_409, %dma_wait3A_416, %dma_wait3A_417] : memref<10x128x64xf32, #tpu.memory_space<vmem>> -> memref<1x128x64xf32, #tpu.memory_space<vmem>>
    %dma_wait3A_419 = tpu.memref_squeeze %dma_wait3A_418 : memref<1x128x64xf32, #tpu.memory_space<vmem>> -> memref<128x64xf32, #tpu.memory_space<vmem>>
    tpu.wait_dma2 semaphore(%arg10 : memref<!tpu.dma_semaphore, #tpu.memory_space<semaphore_mem>>) src(%dma_wait3A_419 : memref<128x64xf32, #tpu.memory_space<vmem>>) dst(%dma_wait3A_415 : memref<128x64xf32, #tpu.memory_space<hbm>>)
    %mul3A_420 = arith.constant 200 : i32
    %mul3A_421 = arith.muli %add3A, %mul3A_420 : i32
    %add3A_422 = arith.constant 195 : i32
    %add3A_423 = arith.addi %mul3A_421, %add3A_422 : i32
    %add3A_424 = arith.constant 4 : i32
    %add3A_425 = arith.addi %add3A_423, %add3A_424 : i32
    %jit3A_426 = arith.constant 32 : i32
    %div3A_427 = arith.divsi %add3A_425, %jit3A_426 : i32
    %sign3A_428 = arith.constant 0 : i32
    %sign3A_429 = arith.cmpi sgt, %add3A_425, %sign3A_428 : i32
    %sign3A_430 = arith.extui %sign3A_429 : i1 to i32
    %sign3A_431 = arith.constant 0 : i32
    %sign3A_432 = arith.cmpi slt, %add3A_425, %sign3A_431 : i32
    %sign3A_433 = arith.extui %sign3A_432 : i1 to i32
    %sign3A_434 = arith.subi %sign3A_430, %sign3A_433 : i32
    %sign3A_435 = arith.constant 0 : i32
    %sign3A_436 = arith.cmpi sgt, %jit3A_426, %sign3A_435 : i32
    %sign3A_437 = arith.extui %sign3A_436 : i1 to i32
    %sign3A_438 = arith.constant 0 : i32
    %sign3A_439 = arith.cmpi slt, %jit3A_426, %sign3A_438 : i32
    %sign3A_440 = arith.extui %sign3A_439 : i1 to i32
    %sign3A_441 = arith.subi %sign3A_437, %sign3A_440 : i32
    %ne3A_442 = arith.cmpi ne, %sign3A_434, %sign3A_441 : i32
    %rem3A_443 = arith.remsi %add3A_425, %jit3A_426 : i32
    %ne3A_444 = arith.constant 0 : i32
    %ne3A_445 = arith.cmpi ne, %rem3A_443, %ne3A_444 : i32
    %and3A_446 = arith.andi %ne3A_442, %ne3A_445 : i1
    %sub3A_447 = arith.constant 1 : i32
    %sub3A_448 = arith.subi %div3A_427, %sub3A_447 : i32
    %select_n3A_449 = arith.select %and3A_446, %sub3A_448, %div3A_427 : i32
    %mul3A_450 = arith.constant 32 : i32
    %mul3A_451 = arith.muli %select_n3A_449, %mul3A_450 : i32
    %sub3A_452 = arith.subi %add3A_425, %mul3A_451 : i32
    %mul3A_453 = arith.constant 2048 : i32
    %mul3A_454 = arith.muli %select_n3A_449, %mul3A_453 : i32
    %jit3A_455 = arith.constant 16 : i32
    %eq3A_456 = arith.constant 0 : i32
    %eq3A_457 = arith.cmpi eq, %jit3A_455, %eq3A_456 : i32
    %jit3A_458 = arith.constant 1 : i32
    %select_n3A_459 = arith.select %eq3A_457, %jit3A_458, %jit3A_455 : i32
    %rem3A_460 = arith.remsi %sub3A_452, %select_n3A_459 : i32
    %ne3A_461 = arith.constant 0 : i32
    %ne3A_462 = arith.cmpi ne, %rem3A_460, %ne3A_461 : i32
    %lt3A_463 = arith.constant 0 : i32
    %lt3A_464 = arith.cmpi slt, %rem3A_460, %lt3A_463 : i32
    %lt3A_465 = arith.constant 0 : i32
    %lt3A_466 = arith.cmpi slt, %select_n3A_459, %lt3A_465 : i32
    %ne3A_467 = arith.xori %lt3A_464, %lt3A_466 : i1
    %and3A_468 = arith.andi %ne3A_467, %ne3A_462 : i1
    %add3A_469 = arith.addi %rem3A_460, %select_n3A_459 : i32
    %select_n3A_470 = arith.select %and3A_468, %add3A_469, %rem3A_460 : i32
    %mul3A_471 = arith.constant 128 : i32
    %mul3A_472 = arith.muli %select_n3A_470, %mul3A_471 : i32
    %add3A_473 = arith.addi %mul3A_454, %mul3A_472 : i32
    %jit3A_474 = arith.constant 16 : i32
    %div3A_475 = arith.divsi %sub3A_452, %jit3A_474 : i32
    %sign3A_476 = arith.constant 0 : i32
    %sign3A_477 = arith.cmpi sgt, %sub3A_452, %sign3A_476 : i32
    %sign3A_478 = arith.extui %sign3A_477 : i1 to i32
    %sign3A_479 = arith.constant 0 : i32
    %sign3A_480 = arith.cmpi slt, %sub3A_452, %sign3A_479 : i32
    %sign3A_481 = arith.extui %sign3A_480 : i1 to i32
    %sign3A_482 = arith.subi %sign3A_478, %sign3A_481 : i32
    %sign3A_483 = arith.constant 0 : i32
    %sign3A_484 = arith.cmpi sgt, %jit3A_474, %sign3A_483 : i32
    %sign3A_485 = arith.extui %sign3A_484 : i1 to i32
    %sign3A_486 = arith.constant 0 : i32
    %sign3A_487 = arith.cmpi slt, %jit3A_474, %sign3A_486 : i32
    %sign3A_488 = arith.extui %sign3A_487 : i1 to i32
    %sign3A_489 = arith.subi %sign3A_485, %sign3A_488 : i32
    %ne3A_490 = arith.cmpi ne, %sign3A_482, %sign3A_489 : i32
    %rem3A_491 = arith.remsi %sub3A_452, %jit3A_474 : i32
    %ne3A_492 = arith.constant 0 : i32
    %ne3A_493 = arith.cmpi ne, %rem3A_491, %ne3A_492 : i32
    %and3A_494 = arith.andi %ne3A_490, %ne3A_493 : i1
    %sub3A_495 = arith.constant 1 : i32
    %sub3A_496 = arith.subi %div3A_475, %sub3A_495 : i32
    %select_n3A_497 = arith.select %and3A_494, %sub3A_496, %div3A_475 : i32
    %mul3A_498 = arith.constant 64 : i32
    %mul3A_499 = arith.muli %select_n3A_497, %mul3A_498 : i32
    %dma_wait3A_500 = arith.constant 9 : i32
    %dma_wait3A_501 = arith.constant 0 : i32
    %dma_wait3A_502 = arith.constant 0 : i32
    %dma_wait3A_503 = tpu.memref_slice %arg6[%dma_wait3A_500, %dma_wait3A_501, %dma_wait3A_502] : memref<10x128x64xf32, #tpu.memory_space<vmem>> -> memref<1x128x64xf32, #tpu.memory_space<vmem>>
    %dma_wait3A_504 = tpu.memref_squeeze %dma_wait3A_503 : memref<1x128x64xf32, #tpu.memory_space<vmem>> -> memref<128x64xf32, #tpu.memory_space<vmem>>
    %dma_wait3A_505 = tpu.memref_slice %arg4[%add3A_473, %mul3A_499] : memref<409600x128xf32, #tpu.memory_space<hbm>> -> memref<128x64xf32, #tpu.memory_space<hbm>>
    %dma_wait3A_506 = tpu.memref_slice %arg4[%add3A_473, %mul3A_499] : memref<409600x128xf32, #tpu.memory_space<hbm>> -> memref<128x64xf32, #tpu.memory_space<hbm>>
    %dma_wait3A_507 = arith.constant 0 : i32
    %dma_wait3A_508 = arith.constant 0 : i32
    %dma_wait3A_509 = tpu.memref_slice %arg6[%dma_wait3A_500, %dma_wait3A_507, %dma_wait3A_508] : memref<10x128x64xf32, #tpu.memory_space<vmem>> -> memref<1x128x64xf32, #tpu.memory_space<vmem>>
    %dma_wait3A_510 = tpu.memref_squeeze %dma_wait3A_509 : memref<1x128x64xf32, #tpu.memory_space<vmem>> -> memref<128x64xf32, #tpu.memory_space<vmem>>
    tpu.wait_dma2 semaphore(%arg10 : memref<!tpu.dma_semaphore, #tpu.memory_space<semaphore_mem>>) src(%dma_wait3A_510 : memref<128x64xf32, #tpu.memory_space<vmem>>) dst(%dma_wait3A_506 : memref<128x64xf32, #tpu.memory_space<hbm>>)
    return
  }
}

module attributes {stable_mosaic.version = 14 : i64} {
  func.func @_w_repack_body(%arg0: i32, %arg1: memref<64x25600xf32, #tpu.memory_space<vmem>>, %arg2: memref<12800x128xf32, #tpu.memory_space<vmem>>) attributes {dimension_semantics = [#tpu.dimension_semantics<arbitrary>], iteration_bounds = array<i64: 40>, scalar_prefetch = 0 : i64, scratch_operands = 0 : i64, tpu.core_type = #tpu.core_type<tc>, window_params = [{transform_indices = @transform_0, window_bounds = array<i64: 64, 25600>}, {transform_indices = @transform_1, window_bounds = array<i64: 12800, 128>}]} {
    %get3A = arith.constant 0 : index
    %get3A_0 = arith.constant 0 : index
    %get3A_1 = vector.load %arg1[%get3A, %get3A_0] : memref<64x25600xf32, #tpu.memory_space<vmem>>, vector<64x25600xf32>
    %slice3A = vector.extract_strided_slice %get3A_1 {offsets = [0, 0], sizes = [64, 12800], strides = [1, 1]} : vector<64x25600xf32> to vector<64x12800xf32>
    %slice3A_2 = vector.extract_strided_slice %get3A_1 {offsets = [0, 12800], sizes = [64, 12800], strides = [1, 1]} : vector<64x25600xf32> to vector<64x12800xf32>
    %concatenate3A = tpu.concatenate %slice3A, %slice3A_2 in 0 : vector<64x12800xf32>, vector<64x12800xf32> -> vector<128x12800xf32>
    %transpose3A = tpu.transpose %concatenate3A, [1, 0] : vector<128x12800xf32> -> vector<12800x128xf32>
    %swap3A = arith.constant 0 : index
    %swap3A_3 = arith.constant 0 : index
    %swap3A_4 = vector.load %arg2[%swap3A, %swap3A_3] : memref<12800x128xf32, #tpu.memory_space<vmem>>, vector<12800x128xf32>
    tpu.vector_store %arg2[%swap3A, %swap3A_3], %transpose3A {strides = array<i32>} : memref<12800x128xf32, #tpu.memory_space<vmem>>, vector<12800x128xf32>,
    return
  }
  func.func @transform_0(%arg0: i32) -> (i32, i32) {
    %c0_i32 = arith.constant 0 : i32
    %c0_i32_0 = arith.constant 0 : i32
    return %c0_i32, %arg0 : i32, i32
  }
  func.func @transform_1(%arg0: i32) -> (i32, i32) {
    %c0_i32 = arith.constant 0 : i32
    %c0_i32_0 = arith.constant 0 : i32
    return %arg0, %c0_i32 : i32, i32
  }
}

module attributes {stable_mosaic.version = 14 : i64} {
  func.func @_out_repack_body(%arg0: i32, %arg1: memref<16384x128xf32, #tpu.memory_space<vmem>>, %arg2: memref<8x64x4096xf32, #tpu.memory_space<vmem>>) attributes {dimension_semantics = [#tpu.dimension_semantics<arbitrary>], iteration_bounds = array<i64: 25>, scalar_prefetch = 0 : i64, scratch_operands = 0 : i64, tpu.core_type = #tpu.core_type<tc>, window_params = [{transform_indices = @transform_0, window_bounds = array<i64: 16384, 128>}, {transform_indices = @transform_1, window_bounds = array<i64: 8, 64, 4096>}]} {
    %get3A = arith.constant 0 : index
    %get3A_0 = arith.constant 0 : index
    %get3A_1 = vector.load %arg1[%get3A, %get3A_0] : memref<16384x128xf32, #tpu.memory_space<vmem>>, vector<16384x128xf32>
    %transpose3A = tpu.transpose %get3A_1, [1, 0] : vector<16384x128xf32> -> vector<128x16384xf32>
    %slice3A = vector.extract_strided_slice %transpose3A {offsets = [0, 0], sizes = [128, 2048], strides = [1, 1]} : vector<128x16384xf32> to vector<128x2048xf32>
    %slice3A_2 = vector.extract_strided_slice %slice3A {offsets = [0, 0], sizes = [64, 2048], strides = [1, 1]} : vector<128x2048xf32> to vector<64x2048xf32>
    %slice3A_3 = vector.extract_strided_slice %slice3A {offsets = [64, 0], sizes = [64, 2048], strides = [1, 1]} : vector<128x2048xf32> to vector<64x2048xf32>
    %concatenate3A = tpu.concatenate %slice3A_2, %slice3A_3 in 1 : vector<64x2048xf32>, vector<64x2048xf32> -> vector<64x4096xf32>
    %swap3A = arith.constant 0 : index
    %swap3A_4 = arith.constant 0 : index
    %swap3A_5 = arith.constant 0 : index
    %swap3A_6 = vector.load %arg2[%swap3A, %swap3A_4, %swap3A_5] : memref<8x64x4096xf32, #tpu.memory_space<vmem>>, vector<1x64x4096xf32>
    %swap3A_7 = vector.shape_cast %swap3A_6 : vector<1x64x4096xf32> to vector<64x4096xf32>
    %swap3A_8 = vector.shape_cast %concatenate3A : vector<64x4096xf32> to vector<1x64x4096xf32>
    tpu.vector_store %arg2[%swap3A, %swap3A_4, %swap3A_5], %swap3A_8 {strides = array<i32>} : memref<8x64x4096xf32, #tpu.memory_space<vmem>>, vector<1x64x4096xf32>,
    %slice3A_9 = vector.extract_strided_slice %transpose3A {offsets = [0, 2048], sizes = [128, 2048], strides = [1, 1]} : vector<128x16384xf32> to vector<128x2048xf32>
    %slice3A_10 = vector.extract_strided_slice %slice3A_9 {offsets = [0, 0], sizes = [64, 2048], strides = [1, 1]} : vector<128x2048xf32> to vector<64x2048xf32>
    %slice3A_11 = vector.extract_strided_slice %slice3A_9 {offsets = [64, 0], sizes = [64, 2048], strides = [1, 1]} : vector<128x2048xf32> to vector<64x2048xf32>
    %concatenate3A_12 = tpu.concatenate %slice3A_10, %slice3A_11 in 1 : vector<64x2048xf32>, vector<64x2048xf32> -> vector<64x4096xf32>
    %swap3A_13 = arith.constant 1 : index
    %swap3A_14 = arith.constant 0 : index
    %swap3A_15 = arith.constant 0 : index
    %swap3A_16 = vector.load %arg2[%swap3A_13, %swap3A_14, %swap3A_15] : memref<8x64x4096xf32, #tpu.memory_space<vmem>>, vector<1x64x4096xf32>
    %swap3A_17 = vector.shape_cast %swap3A_16 : vector<1x64x4096xf32> to vector<64x4096xf32>
    %swap3A_18 = vector.shape_cast %concatenate3A_12 : vector<64x4096xf32> to vector<1x64x4096xf32>
    tpu.vector_store %arg2[%swap3A_13, %swap3A_14, %swap3A_15], %swap3A_18 {strides = array<i32>} : memref<8x64x4096xf32, #tpu.memory_space<vmem>>, vector<1x64x4096xf32>,
    %slice3A_19 = vector.extract_strided_slice %transpose3A {offsets = [0, 4096], sizes = [128, 2048], strides = [1, 1]} : vector<128x16384xf32> to vector<128x2048xf32>
    %slice3A_20 = vector.extract_strided_slice %slice3A_19 {offsets = [0, 0], sizes = [64, 2048], strides = [1, 1]} : vector<128x2048xf32> to vector<64x2048xf32>
    %slice3A_21 = vector.extract_strided_slice %slice3A_19 {offsets = [64, 0], sizes = [64, 2048], strides = [1, 1]} : vector<128x2048xf32> to vector<64x2048xf32>
    %concatenate3A_22 = tpu.concatenate %slice3A_20, %slice3A_21 in 1 : vector<64x2048xf32>, vector<64x2048xf32> -> vector<64x4096xf32>
    %swap3A_23 = arith.constant 2 : index
    %swap3A_24 = arith.constant 0 : index
    %swap3A_25 = arith.constant 0 : index
    %swap3A_26 = vector.load %arg2[%swap3A_23, %swap3A_24, %swap3A_25] : memref<8x64x4096xf32, #tpu.memory_space<vmem>>, vector<1x64x4096xf32>
    %swap3A_27 = vector.shape_cast %swap3A_26 : vector<1x64x4096xf32> to vector<64x4096xf32>
    %swap3A_28 = vector.shape_cast %concatenate3A_22 : vector<64x4096xf32> to vector<1x64x4096xf32>
    tpu.vector_store %arg2[%swap3A_23, %swap3A_24, %swap3A_25], %swap3A_28 {strides = array<i32>} : memref<8x64x4096xf32, #tpu.memory_space<vmem>>, vector<1x64x4096xf32>,
    %slice3A_29 = vector.extract_strided_slice %transpose3A {offsets = [0, 6144], sizes = [128, 2048], strides = [1, 1]} : vector<128x16384xf32> to vector<128x2048xf32>
    %slice3A_30 = vector.extract_strided_slice %slice3A_29 {offsets = [0, 0], sizes = [64, 2048], strides = [1, 1]} : vector<128x2048xf32> to vector<64x2048xf32>
    %slice3A_31 = vector.extract_strided_slice %slice3A_29 {offsets = [64, 0], sizes = [64, 2048], strides = [1, 1]} : vector<128x2048xf32> to vector<64x2048xf32>
    %concatenate3A_32 = tpu.concatenate %slice3A_30, %slice3A_31 in 1 : vector<64x2048xf32>, vector<64x2048xf32> -> vector<64x4096xf32>
    %swap3A_33 = arith.constant 3 : index
    %swap3A_34 = arith.constant 0 : index
    %swap3A_35 = arith.constant 0 : index
    %swap3A_36 = vector.load %arg2[%swap3A_33, %swap3A_34, %swap3A_35] : memref<8x64x4096xf32, #tpu.memory_space<vmem>>, vector<1x64x4096xf32>
    %swap3A_37 = vector.shape_cast %swap3A_36 : vector<1x64x4096xf32> to vector<64x4096xf32>
    %swap3A_38 = vector.shape_cast %concatenate3A_32 : vector<64x4096xf32> to vector<1x64x4096xf32>
    tpu.vector_store %arg2[%swap3A_33, %swap3A_34, %swap3A_35], %swap3A_38 {strides = array<i32>} : memref<8x64x4096xf32, #tpu.memory_space<vmem>>, vector<1x64x4096xf32>,
    %slice3A_39 = vector.extract_strided_slice %transpose3A {offsets = [0, 8192], sizes = [128, 2048], strides = [1, 1]} : vector<128x16384xf32> to vector<128x2048xf32>
    %slice3A_40 = vector.extract_strided_slice %slice3A_39 {offsets = [0, 0], sizes = [64, 2048], strides = [1, 1]} : vector<128x2048xf32> to vector<64x2048xf32>
    %slice3A_41 = vector.extract_strided_slice %slice3A_39 {offsets = [64, 0], sizes = [64, 2048], strides = [1, 1]} : vector<128x2048xf32> to vector<64x2048xf32>
    %concatenate3A_42 = tpu.concatenate %slice3A_40, %slice3A_41 in 1 : vector<64x2048xf32>, vector<64x2048xf32> -> vector<64x4096xf32>
    %swap3A_43 = arith.constant 4 : index
    %swap3A_44 = arith.constant 0 : index
    %swap3A_45 = arith.constant 0 : index
    %swap3A_46 = vector.load %arg2[%swap3A_43, %swap3A_44, %swap3A_45] : memref<8x64x4096xf32, #tpu.memory_space<vmem>>, vector<1x64x4096xf32>
    %swap3A_47 = vector.shape_cast %swap3A_46 : vector<1x64x4096xf32> to vector<64x4096xf32>
    %swap3A_48 = vector.shape_cast %concatenate3A_42 : vector<64x4096xf32> to vector<1x64x4096xf32>
    tpu.vector_store %arg2[%swap3A_43, %swap3A_44, %swap3A_45], %swap3A_48 {strides = array<i32>} : memref<8x64x4096xf32, #tpu.memory_space<vmem>>, vector<1x64x4096xf32>,
    %slice3A_49 = vector.extract_strided_slice %transpose3A {offsets = [0, 10240], sizes = [128, 2048], strides = [1, 1]} : vector<128x16384xf32> to vector<128x2048xf32>
    %slice3A_50 = vector.extract_strided_slice %slice3A_49 {offsets = [0, 0], sizes = [64, 2048], strides = [1, 1]} : vector<128x2048xf32> to vector<64x2048xf32>
    %slice3A_51 = vector.extract_strided_slice %slice3A_49 {offsets = [64, 0], sizes = [64, 2048], strides = [1, 1]} : vector<128x2048xf32> to vector<64x2048xf32>
    %concatenate3A_52 = tpu.concatenate %slice3A_50, %slice3A_51 in 1 : vector<64x2048xf32>, vector<64x2048xf32> -> vector<64x4096xf32>
    %swap3A_53 = arith.constant 5 : index
    %swap3A_54 = arith.constant 0 : index
    %swap3A_55 = arith.constant 0 : index
    %swap3A_56 = vector.load %arg2[%swap3A_53, %swap3A_54, %swap3A_55] : memref<8x64x4096xf32, #tpu.memory_space<vmem>>, vector<1x64x4096xf32>
    %swap3A_57 = vector.shape_cast %swap3A_56 : vector<1x64x4096xf32> to vector<64x4096xf32>
    %swap3A_58 = vector.shape_cast %concatenate3A_52 : vector<64x4096xf32> to vector<1x64x4096xf32>
    tpu.vector_store %arg2[%swap3A_53, %swap3A_54, %swap3A_55], %swap3A_58 {strides = array<i32>} : memref<8x64x4096xf32, #tpu.memory_space<vmem>>, vector<1x64x4096xf32>,
    %slice3A_59 = vector.extract_strided_slice %transpose3A {offsets = [0, 12288], sizes = [128, 2048], strides = [1, 1]} : vector<128x16384xf32> to vector<128x2048xf32>
    %slice3A_60 = vector.extract_strided_slice %slice3A_59 {offsets = [0, 0], sizes = [64, 2048], strides = [1, 1]} : vector<128x2048xf32> to vector<64x2048xf32>
    %slice3A_61 = vector.extract_strided_slice %slice3A_59 {offsets = [64, 0], sizes = [64, 2048], strides = [1, 1]} : vector<128x2048xf32> to vector<64x2048xf32>
    %concatenate3A_62 = tpu.concatenate %slice3A_60, %slice3A_61 in 1 : vector<64x2048xf32>, vector<64x2048xf32> -> vector<64x4096xf32>
    %swap3A_63 = arith.constant 6 : index
    %swap3A_64 = arith.constant 0 : index
    %swap3A_65 = arith.constant 0 : index
    %swap3A_66 = vector.load %arg2[%swap3A_63, %swap3A_64, %swap3A_65] : memref<8x64x4096xf32, #tpu.memory_space<vmem>>, vector<1x64x4096xf32>
    %swap3A_67 = vector.shape_cast %swap3A_66 : vector<1x64x4096xf32> to vector<64x4096xf32>
    %swap3A_68 = vector.shape_cast %concatenate3A_62 : vector<64x4096xf32> to vector<1x64x4096xf32>
    tpu.vector_store %arg2[%swap3A_63, %swap3A_64, %swap3A_65], %swap3A_68 {strides = array<i32>} : memref<8x64x4096xf32, #tpu.memory_space<vmem>>, vector<1x64x4096xf32>,
    %slice3A_69 = vector.extract_strided_slice %transpose3A {offsets = [0, 14336], sizes = [128, 2048], strides = [1, 1]} : vector<128x16384xf32> to vector<128x2048xf32>
    %slice3A_70 = vector.extract_strided_slice %slice3A_69 {offsets = [0, 0], sizes = [64, 2048], strides = [1, 1]} : vector<128x2048xf32> to vector<64x2048xf32>
    %slice3A_71 = vector.extract_strided_slice %slice3A_69 {offsets = [64, 0], sizes = [64, 2048], strides = [1, 1]} : vector<128x2048xf32> to vector<64x2048xf32>
    %concatenate3A_72 = tpu.concatenate %slice3A_70, %slice3A_71 in 1 : vector<64x2048xf32>, vector<64x2048xf32> -> vector<64x4096xf32>
    %swap3A_73 = arith.constant 7 : index
    %swap3A_74 = arith.constant 0 : index
    %swap3A_75 = arith.constant 0 : index
    %swap3A_76 = vector.load %arg2[%swap3A_73, %swap3A_74, %swap3A_75] : memref<8x64x4096xf32, #tpu.memory_space<vmem>>, vector<1x64x4096xf32>
    %swap3A_77 = vector.shape_cast %swap3A_76 : vector<1x64x4096xf32> to vector<64x4096xf32>
    %swap3A_78 = vector.shape_cast %concatenate3A_72 : vector<64x4096xf32> to vector<1x64x4096xf32>
    tpu.vector_store %arg2[%swap3A_73, %swap3A_74, %swap3A_75], %swap3A_78 {strides = array<i32>} : memref<8x64x4096xf32, #tpu.memory_space<vmem>>, vector<1x64x4096xf32>,
    return
  }
  func.func @transform_0(%arg0: i32) -> (i32, i32) {
    %c0_i32 = arith.constant 0 : i32
    %c0_i32_0 = arith.constant 0 : i32
    return %arg0, %c0_i32 : i32, i32
  }
  func.func @transform_1(%arg0: i32) -> (i32, i32, i32) {
    %c0_i32 = arith.constant 0 : i32
    %c0_i32_0 = arith.constant 0 : i32
    %c0_i32_1 = arith.constant 0 : i32
    return %arg0, %c0_i32, %c0_i32_0 : i32, i32, i32
  }
}

</mosaic_0001>

<sc_bundles>
// kernel: kernel.5.cloned.1.call-start
scs
__scs_entry_jumppad:
0x0: {  	(pc) =	sbr.rel $0x88, $3  }
0x1: {  	(tag) =	ssettag $0x0;
	lr =	simm.s32 $0x1  }
0x2: {  	[smem:$0x3F9F] =	sst lr;
	_ =	strace $0xD0000000  }
0x3: {  	_ = 	snop  }
0x4: {  	_ = 	snop  }
0x5: {  	_ = 	snop  }
0x6: {  	_ = 	snop  }
0x7: {  	_ = 	snop  }
__scs_overlays_trampoline_lowered:
0x8: {  	[smem:$0x3FAE] =	sst s0  }
0x9: {  	[smem:$0x3FAF] =	sst s1  }
0xa: {  	[smem:$0x3FB0] =	sst s2  }
0xb: {  	[smem:$0x3FB1] =	sst s3  }
0xc: {  	[smem:$0x3FB2] =	sst s4  }
0xd: {  	[smem:$0x3FB3] =	sst s5  }
0xe: {  	[smem:$0x3FB4] =	sst s6  }
0xf: {  	[smem:$0x3FB5] =	sst s7  }
0x10: {  	[smem:$0x3FB6] =	sst s8  }
0x11: {  	[smem:$0x3FB7] =	sst s9;
	s0 =	simm.s32 @!p0 $0x0  }
0x12: {  	s1 =	sld [smem:$0x3F9D];
	s0 =	simm.s32 @p0 $0x1  }
0x13: {  	[smem:$0x3FB8] =	sst s0;
	s0 =	simm.s32 @!p1 $0x0  }
0x14: {  	s2 =	sld [smem:$0x3F9C];
	s0 =	simm.s32 @p1 $0x1  }
0x15: {  	[smem:$0x3FB9] =	sst s0;
	s0 =	simm.s32 @!p2 $0x0  }
0x16: {  	s3 =	sld [smem:$0x3FDB];
	s0 =	simm.s32 @p2 $0x1  }
0x17: {  	s4 =	simm.s32 $0x1BF5;
	[smem:$0x3FBB] =	sst s0  }
0x18: {  	s0 =	sld [smem:$0x3F9E];
	_ =	swait.ge [sflag:s4], $0x0  }
0x19: {  	s7 =	sld [smem:$0x3F9F]  }
0x1a: {  	s8 =	sadd.s32 $0xFFFFE003, lr  }
0x1b: {  	s9 =	sadd.s32 $0xFFFFFEF7, lr;
	s5 =	simm.s32 $0xFFFFFFFF;
	p2 =	slt.u32 s8, $0xFFFFF086  }
0x1c: {  	p1 =	slt.u32 s9, $0xF7A;
	s5 =	simm.s32 @!p2 $0x0  }
0x1d: {  	s5 =	simm.s32 @p1 $0x1;
	p0 =	seq.s32 s7, s2  }
0x1e: {  	s7 =	smul.u32 @!p0 $0xF7A, s2;
	p2 =	seq.s32 @!p0 s5, $0x0  }
0x1f: {  	s9 =	smul.u32 $0xF7A, s1;
	s8 =	simm.s32 @!p0 $0x1BF5;
	p2 =	por !p2, p0  }
0x20: {  	[sflag:s8] =	ssyncset.s32 @!p0 $0xFFFFF086;
	s6 =	sadd.s32 @!p0 s3, s7;
	s7 =	simm.s32 @!p0 $0x108  }
0x21: {  	s3 =	sadd.s32 s3, s9;
	s6 =	sadd.s32 @!p0 $0x88, s6;
	s7 =	simm.s32 @p2 $0x1082  }
0x22: {  	[simem:s7], [sflag:s8] =	dma.local @!p0 [hbm:s6], $0xF7A  }
0x23: {  	s9 =	sor.u32 $0xD0000000, s2;
	s6 =	simm.s32 $0x108;
	_ =	swait.ge @!p0 [sflag:s8], $0x0  }
0x24: {  	s3 =	sadd.s32 $0x88, s3;
	s6 =	simm.s32 @!p1 $0x1082;
	[sflag:s4] =	ssyncset.s32 $0xFFFFF086  }
0x25: {  	[simem:s6], [sflag:s4] =	dma.local [hbm:s3], $0xF7A  }
0x26: {  	[smem:$0x3F9F] =	sst s1;
	(tag) =	ssettag s2;
	_ =	strace s9  }
0x27: {  	s1 =	sld [smem:$0x3FAF]  }
0x28: {  	s2 =	sld [smem:$0x3FB0]  }
0x29: {  	s4 =	sld [smem:$0x3FB2]  }
0x2a: {  	p0 =	seq.s32 s5, $0x0;
	s5 =	sld [smem:$0x3FB3]  }
0x2b: {  	s6 =	sld [smem:$0x3FB4]  }
0x2c: {  	s7 =	sld [smem:$0x3FB5]  }
0x2d: {  	s3 =	simm.s32 $0x108;
	s8 =	sld [smem:$0x3FB6]  }
0x2e: {  	s3 =	simm.s32 @!p0 $0x1082;
	s9 =	sld [smem:$0x3FB7]  }
0x2f: {  	lr =	sadd.s32 s0, s3;
	s0 =	sld [smem:$0x3FAE]  }
0x30: {  	s3 =	sld [smem:$0x3FB1]  }
0x31: {  	[smem:$0x3FBA] =	sst s10  }
0x32: {  	s10 =	sld [smem:$0x3FB8];
	_ =	sdelay $0x3  }
0x33: {  	p0 =	seq.s32 s10, $0x1;
	s10 =	sld [smem:$0x3FBA];
	_ =	sdelay $0x3  }
0x34: {  	[smem:$0x3FBA] =	sst s10  }
0x35: {  	s10 =	sld [smem:$0x3FB9];
	_ =	sdelay $0x3  }
0x36: {  	p1 =	seq.s32 s10, $0x1;
	s10 =	sld [smem:$0x3FBA];
	_ =	sdelay $0x3  }
0x37: {  	[smem:$0x3FBA] =	sst s10  }
0x38: {  	s10 =	sld [smem:$0x3FBB]  }
0x39: {  	_ = 	snop;
	(pc) =	sbr.ind lr, $3  }
0x3a: {  	_ = 	snop  }
0x3b: {  	_ = 	snop  }
0x3c: {  	p2 =	seq.s32 s10, $0x1;
	s10 =	sld [smem:$0x3FBA]  }
0x3d: {  	_ =	shalt  }
0x3e: {  	_ =	shalt  }
0x3f: {  	_ =	shalt  }
0x40: {  	_ =	shalt  }
0x41: {  	_ =	shalt  }
0x42: {  	_ =	shalt  }
0x43: {  	_ =	shalt  }
0x44: {  	_ =	shalt  }
0x45: {  	_ =	shalt  }
0x46: {  	_ =	shalt  }
0x47: {  	_ =	shalt  }
0x48: {  	_ =	shalt  }
0x49: {  	_ =	shalt  }
0x4a: {  	_ =	shalt  }
0x4b: {  	_ =	shalt  }
0x4c: {  	_ =	shalt  }
0x4d: {  	_ =	shalt  }
0x4e: {  	_ =	shalt  }
0x4f: {  	_ =	shalt  }
0x50: {  	_ =	shalt  }
0x51: {  	_ =	shalt  }
0x52: {  	_ =	shalt  }
0x53: {  	_ =	shalt  }
0x54: {  	_ =	shalt  }
0x55: {  	_ =	shalt  }
0x56: {  	_ =	shalt  }
0x57: {  	_ =	shalt  }
0x58: {  	_ =	shalt  }
0x59: {  	_ =	shalt  }
0x5a: {  	_ =	shalt  }
0x5b: {  	_ =	shalt  }
0x5c: {  	_ =	shalt  }
0x5d: {  	_ =	shalt  }
0x5e: {  	_ =	shalt  }
0x5f: {  	_ =	shalt  }
0x60: {  	_ =	shalt  }
0x61: {  	_ =	shalt  }
0x62: {  	_ =	shalt  }
0x63: {  	_ =	shalt  }
0x64: {  	_ =	shalt  }
0x65: {  	_ =	shalt  }
0x66: {  	_ =	shalt  }
0x67: {  	_ =	shalt  }
0x68: {  	_ =	shalt  }
0x69: {  	_ =	shalt  }
0x6a: {  	_ =	shalt  }
0x6b: {  	_ =	shalt  }
0x6c: {  	_ =	shalt  }
0x6d: {  	_ =	shalt  }
0x6e: {  	_ =	shalt  }
0x6f: {  	_ =	shalt  }
0x70: {  	_ =	shalt  }
0x71: {  	_ =	shalt  }
0x72: {  	_ =	shalt  }
0x73: {  	_ =	shalt  }
0x74: {  	_ =	shalt  }
0x75: {  	_ =	shalt  }
0x76: {  	_ =	shalt  }
0x77: {  	_ =	shalt  }
0x78: {  	_ =	shalt  }
0x79: {  	_ =	shalt  }
0x7a: {  	_ =	shalt  }
0x7b: {  	_ =	shalt  }
0x7c: {  	_ =	shalt  }
0x7d: {  	_ =	shalt  }
0x7e: {  	_ =	shalt  }
0x7f: {  	_ =	shalt  }
0x80: {  	_ =	shalt  }
0x81: {  	_ =	shalt  }
0x82: {  	_ =	shalt  }
0x83: {  	_ =	shalt  }
0x84: {  	_ =	shalt  }
0x85: {  	_ =	shalt  }
0x86: {  	_ =	shalt  }
0x87: {  	_ =	shalt  }
.Lfunc_end0:
.L_simem_size_0:
called_computation_lowered:
.L_overlay_start_0:
0x88: {  	s2 =	sld [smem:$0x3FD9]  }
0x89: {  	s3 =	sld [smem:$0x3FFE];
	_ =	sdelay $0x1  }
0x8a: {  	s1 =	srdreg.scid  }
0x8b: {  	s0 =	sand.u32 $0x1, s1  }
0x8c: {  	s17 =	sshll.u32 s0, $0xA;
	s2 =	sadd.s32 s3, s2  }
0x8d: {  	s2 =	sadd.s32 s2, s17  }
0x8e: {  	[smem:$0x3FC6] =	sst s2  }
0x8f: {  	_ = 	snop  }
0x90: {  	s2 =	sld [smem:$0x3FD0];
	(tm) =	ssettm $0x1  }
0x91: {  	s18 =	sld [smem:$0x3FFB];
	_ =	sdelay $0x3  }
0x92: {  	_ =	strace s18  }
0x93: {  	s3 =	sld [smem:$0x3FFC];
	_ =	sdelay $0x3  }
0x94: {  	_ =	strace s3  }
0x95: {  	s3 =	sld [smem:$0x3FFD];
	_ =	sdelay $0x3  }
0x96: {  	_ =	strace s3  }
0x97: {  	_ =	strace $0x8FFFFFFF  }
0x98: {  	s19 =	sld [smem:$0x3FDB];
	_ =	sdelay $0x1  }
0x99: {  	s4 =	simm.s32 $_scs_section_size  }
0x9a: {  	s5 =	simm.s32 $_size__tile_overlayer_lowered;
	s6 =	simm.s32 $_tile_overlayer_lowered  }
0x9b: {  	s22 =	simm.s32 $0x1BFF;
	s21 =	sshll.u32 s6, $0x1;
	s3 =	sadd.s32 s4, s19  }
0x9c: {  	s7 =	simm.s32 $0x0;
	s20 =	sshll.u32 s5, $0x1;
	s5 =	sadd.s32 s21, s3  }
0x9d: {  	[timem:s7], [sflag:s22] =	dma.local [hbm:s5], s20  }
0x9e: {  	_ =	swait.ge [sflag:s22], s20  }
0x9f: {  	s4 =	ssub.s32 $0x0, s20;
	[sflag:s22] =	ssyncset.done $0x0  }
0xa0: {  	[sflag:s22] =	ssyncadd.s32 s4;
	_ =	sdelay $0x1  }
0xa1: {  	s23 =	simm.s32 $0x1B8B  }
0xa2: {  	_ =	swait.ge [sflag:s23], $0x1  }
0xa3: {  	[sflag:s23] =	ssyncset.done $0x0  }
0xa4: {  	s25 =	simm.s32 $0x1B8E;
	s24 =	sld [smem:$0x3FFE];
	[sflag:s23] =	ssyncadd.s32 $0xFFFFFFFF  }
0xa5: {  	s26 =	simm.s32 $execute0_lowered;
	[smem:$0x3FD2] =	sst s25  }
0xa6: {  	s5 =	sshll.u32 s26, $0x1;
	_ =	strace $0x80000046;
	[dreg:$0x1] =	wrdreg $0xFFFFFFFF  }
0xa7: {  	s28 =	simm.s32 $_size_execute0_lowered;
	s3 =	sadd.s32 s3, s5;
	[dreg:$0x0] =	wrdreg $0x0  }
0xa8: {  	s5 =	sshll.u32 s28, $0x1;
	[dreg:$0x2] =	wrdreg s3  }
0xa9: {  	[dreg:$0x3] =	wrdreg s5  }
0xaa: {  	[dreg:$0x4] =	wrdreg $0xC0  }
0xab: {  	_ =	task [dreg:s7], $0x5FFFF  }
0xac: {  	[dreg:$0x1] =	wrdreg $0xFFFFFFFF  }
0xad: {  	[dreg:$0x0] =	wrdreg $0x60  }
0xae: {  	[dreg:$0x2] =	wrdreg s2  }
0xaf: {  	[dreg:$0x3] =	wrdreg s24  }
0xb0: {  	[dreg:$0x4] =	wrdreg $0x9  }
0xb1: {  	_ =	task.clear_ibuf [dreg:s7], $0x5FFFF;
	_ =	strace $0x90000046  }
0xb2: {  	s29 =	simm.s32 $0x9;
	_ =	strace $0x80000048  }
0xb3: {  	_ =	swait.ge [sflag:s29], $0x1  }
0xb4: {  	[sflag:s29] =	ssyncadd.s32 $0xFFFFFFFF  }
0xb5: {  	_ =	strace $0x90000048  }
0xb6: {  	_ =	sfence  }
0xb7: {  	s30 =	sld [smem:$0x0];
	_ =	sdelay $0x2  }
0xb8: {  	s31 =	sshll.u32 s1, $0xD;
	s1 =	sshrl.u32 s1, $0x2  }
0xb9: {  	s3 =	sand.u32 $0x4000, s31;
	s1 =	sadd.s32 s1, s30  }
0xba: {  	s0 =	sor.u32 s3, s0;
	s1 =	sshll.u32 s1, $0x11  }
0xbb: {  	s0 =	sor.u32 s1, s0  }
0xbc: {  	s0 =	sadd.s32 $0x8F2B, s0  }
0xbd: {  	[sflag:s0] =	ssyncadd.remote.s32 $0x1  }
0xbe: {  	_ =	sfence.sel $0xFFFF  }
0xbf: {  	[dreg:$0x0] =	wrdreg $0xFFFFFFFF;
	(pc) =	sbr.abs _section_cstart, $3  }
0xc0: {  	[dreg:$0x1] =	wrdreg $0xFFFFFFFF  }
0xc1: {  	_ =	task.clear_ibuf [dreg:s7], $0x2FFFF;
	_ =	strace $0x9FFFFFFF  }
0xc2: {  	(tm) =	ssettm $0x7FFFFFFF  }
0xc3: {  	_ =	shalt  }
tec
execute0_lowered:
.L_overlay_start_1:
0x0: {  	(tag) =	ssettag $0x1  }
0x1: {  	s0 =	srdreg.scid;
	s13 =	stileid.u32  }
0x2: {  	s2 =	rddreg [dreg:$0x0];
	s5 =	smul.u32 $0x190, s13  }
0x3: {  	s4 =	rddreg [dreg:$0x1];
	s7 =	smul.u32 $0x640, s13  }
0x4: {  	s3 =	simm.s32 $0x0;
	s0 =	sand.u32 $0x1, s0;
	s9 =	smul.u32 $0x640000, s13  }
0x5: {  	s1 =	sshll.u32 s13, $0x1;
	[smem:$0x7FF] =	sst s3;
	s13 =	smul.u32 $0x320000, s13  }
0x6: {  	s22 =	sadd.s32 $0x400, s4;
	s23 =	sadd.s32 $0x7D0400, s4;
	s6 =	smul.u32 $0xC8, s0  }
0x7: {  	s1 =	sor.u32 s0, s1;
	s8 =	smul.u32 $0x320, s0;
	_ =	strace $0x80000047  }
0x8: {  	[dreg:$0x3] =	wrdreg s22;
	s10 =	ssub.s32 $0x2, s0;
	s11 =	smul.u32 $0x320000, s0  }
0x9: {  	[dreg:$0x4] =	wrdreg s23;
	s0 =	smul.u32 $0x190000, s0;
	s26 =	sadd.s32 s8, s7  }
0xa: {  	s29 =	simm.s32 $0x10400;
	s28 =	sadd.s32 s11, s9;
	[dreg:$0x1e] =	wrdreg s26  }
0xb: {  	s1 =	smul.u32 $0xC80, s1;
	s0 =	sadd.s32 s0, s13;
	[dreg:$0x1f] =	wrdreg s28  }
0xc: {  	s12 =	sshrl.u32 s10, $0x1;
	s25 =	sadd.s32 s6, s5;
	[smem:$0x7FC] =	sst s0  }
0xd: {  	s10 =	ssub.s32 s10, s12;
	s1 =	sadd.s32 s2, s1;
	[dreg:$0x1d] =	wrdreg s25  }
0xe: {  	s31 =	simm.s32 $0x16400;
	s24 =	smax.u32 s10, $0x1;
	[dreg:$0x1b] =	wrdreg s1  }
0xf: {  	s8 =	simm.s32 $0x14400;
	s30 =	sor.u32 $0x1, s25;
	[dreg:$0x1c] =	wrdreg s24  }
0x10: {  	s7 =	simm.s32 $0x18400;
	s2 =	simm.s32 $0x0;
	[smem:$0x7FD] =	sst s30  }
.LBB2_1:
0x11: {  	[smem:$0x7FA] =	sst s2  }
0x12: {  	s0 =	simm.s32 $0x0;
	s1 =	rddreg [dreg:$0x1b]  }
0x13: {  	s25 =	simm.s32 $0x5;
	s3 =	simm.s32 $0x80;
	s26 =	simm.s32 $0x6400  }
0x14: {  	s2 =	simm.s32 $0x8400;
	s5 =	simm.s32 $0x100;
	s6 =	simm.s32 $0xA400  }
0x15: {  	s9 =	simm.s32 $0x180;
	s10 =	simm.s32 $0xC400;
	s15 =	simm.s32 $0x1400  }
0x16: {  	[tilespmem:s0], [sflag:$0x5] =	stream.linear.gather [hbm4b:s1+s0], $0x6400, $0x38;
	[tilespmem:$0x1A400] =	vst v63  }
0x17: {  	s11 =	simm.s32 $0x200;
	_ =	swait.ge [sflag:s25], $0x6400;
	[dreg:$0x5] =	wrdreg s15  }
0x18: {  	s12 =	simm.s32 $0xE400;
	[sflag:s25] =	ssyncset.done $0x0;
	s4 =	rddreg [dreg:$0x3]  }
0x19: {  	p0 =	por $0x1, $0x1;
	s24 =	rddreg [dreg:$0x1e];
	[sflag:s25] =	ssyncadd.s32 $0xFFFF9C00  }
0x1a: {  	s13 =	sadd.s32 $0xC, s24;
	s25 =	rddreg [dreg:$0x1f];
	s19 =	sadd.s32 $0x1C, s24  }
0x1b: {  	[tilespmem:s26], [sflag:$0x1] =	stream.indirect.gather [hbm4b:s4+s3], $0x40, s0, s3, $0xb8;
	[tilespmem:$0x1A400] =	vst v63  }
0x1c: {  	s15 =	sadd.s32 $0x24, s24;
	s28 =	sand.u32 $0x40, s13;
	s14 =	sadd.s32 $0x14000, s25  }
0x1d: {  	s0 =	sadd.s32 $0xC000, s25;
	s26 =	sld [smem:$0x7FC];
	s20 =	sadd.s32 $0x28000, s25  }
0x1e: {  	s15 =	sand.u32 $0x40, s15;
	s1 =	sand.u32 $0x3C000, s14;
	s23 =	sadd.s32 $0xC000, s20  }
0x1f: {  	[tilespmem:s2], [sflag:$0x1] =	stream.indirect.gather [hbm4b:s4+s3], $0x40, s3, s3, $0xb8;
	[tilespmem:$0x1A400] =	vst v63  }
0x20: {  	s22 =	sadd.s32 $0x14000, s20;
	s14 =	sadd.s32 $0x1C000, s20;
	[dreg:$0x8] =	wrdreg s23  }
0x21: {  	s14 =	sand.u32 $0x3C000, s14;
	s23 =	sadd.s32 $0x20000, s25;
	s16 =	sadd.s32 $0xE000, s26  }
0x22: {  	[tilespmem:s6], [sflag:$0x1] =	stream.indirect.gather [hbm4b:s4+s3], $0x40, s5, s3, $0xb8;
	[tilespmem:$0x1A400] =	vst v63  }
0x23: {  	s17 =	sadd.s32 $0xC000, s26;
	s5 =	sadd.s32 $0x1C000, s25;
	s2 =	sand.u32 $0x7FFC0000, s16  }
0x24: {  	s6 =	sadd.s32 $0xA000, s26;
	s16 =	sadd.s32 $0x18000, s25;
	s17 =	sand.u32 $0x7FFC0000, s17  }
0x25: {  	s5 =	sand.u32 $0x3C000, s5;
	s6 =	sand.u32 $0x7FFC0000, s6;
	s16 =	sand.u32 $0x38000, s16  }
0x26: {  	[tilespmem:s10], [sflag:$0x1] =	stream.indirect.gather [hbm4b:s4+s3], $0x40, s9, s3, $0xb8;
	[tilespmem:$0x1A400] =	vst v63  }
0x27: {  	s9 =	sadd.s32 $0x8000, s26;
	s2 =	sor.u32 s5, s2;
	s1 =	sor.u32 s1, s6  }
0x28: {  	s6 =	sadd.s32 $0x14000, s26;
	s10 =	simm.s32 $0x2800;
	s5 =	sand.u32 $0x40, s19  }
0x29: {  	s19 =	sadd.s32 $0x24000, s25;
	s16 =	sor.u32 s16, s17;
	[smem:$0x7FB] =	sst s2  }
0x2a: {  	s2 =	sadd.s32 $0x28, s24;
	s13 =	sadd.s32 $0xE000, s6;
	s17 =	sand.u32 $0x3C000, s19  }
0x2b: {  	[tilespmem:s12], [sflag:$0x1] =	stream.indirect.gather [hbm4b:s4+s3], $0x40, s11, s3, $0xb8;
	[tilespmem:$0x1A400] =	vst v63  }
0x2c: {  	s19 =	sadd.s32 $0x20, s24;
	s9 =	sand.u32 $0x7FFC0000, s9;
	s11 =	sadd.s32 $0x14, s24  }
0x2d: {  	s21 =	sadd.s32 $0xC, s2;
	s13 =	sand.u32 $0x7FFC0000, s13;
	s12 =	sadd.s32 $0x8000, s6  }
0x2e: {  	s18 =	sand.u32 $0x40, s11;
	[dreg:$0x9] =	wrdreg s12;
	s12 =	sadd.s32 $0x12000, s26  }
0x2f: {  	s11 =	sand.u32 $0x3C000, s22;
	s30 =	sor.u32 s18, s1;
	s1 =	sand.u32 $0x40, s21  }
0x30: {  	s22 =	sadd.s32 $0x10000, s26;
	s18 =	sadd.s32 $0xA000, s6;
	[dreg:$0x7] =	wrdreg s1  }
0x31: {  	s1 =	sor.u32 s14, s13;
	s13 =	sadd.s32 $0x18, s24;
	s14 =	sand.u32 $0x7FFC0000, s12  }
0x32: {  	s21 =	sand.u32 $0x7FFC0000, s18;
	s18 =	sand.u32 $0x7FFC0000, s22;
	s12 =	sand.u32 $0x40, s19  }
0x33: {  	s19 =	sand.u32 $0x38000, s25;
	s22 =	sadd.s32 $0x4000, s25;
	[dreg:$0x6] =	wrdreg s1  }
0x34: {  	s1 =	sor.u32 s11, s21;
	s11 =	sand.u32 $0x38000, s23;
	s21 =	simm.s32 @!p0 $0x4  }
0x35: {  	s13 =	sand.u32 $0x40, s13;
	s14 =	sor.u32 s17, s14;
	_ =	swait.ge @!p0 [sflag:s21], $0x2000  }
0x36: {  	s17 =	sand.u32 $0x7FFC0000, s26;
	s23 =	sand.u32 $0x3C000, s22;
	[sflag:s21] =	ssyncset.done @!p0 $0x0  }
0x37: {  	s22 =	sadd.s32 $0x10000, s25;
	s11 =	sor.u32 s11, s18;
	[sflag:s21] =	ssyncadd.s32 @!p0 $0xFFFFE000  }
0x38: {  	s13 =	sor.u32 s13, s16;
	s16 =	sor.u32 s15, s14;
	_ =	swait.ge @!p0 [sflag:s21], $0x2000  }
0x39: {  	s18 =	sand.u32 $0x40, s24;
	s22 =	sand.u32 $0x38000, s22;
	[sflag:s21] =	ssyncset.done @!p0 $0x0  }
0x3a: {  	s11 =	sor.u32 s12, s11;
	s14 =	sor.u32 s18, s19;
	[sflag:s21] =	ssyncadd.s32 @!p0 $0xFFFFE000  }
0x3b: {  	s18 =	sadd.s32 $0x10, s24;
	s19 =	sor.u32 s17, s23;
	_ =	swait.ge @!p0 [sflag:s21], $0x2000  }
0x3c: {  	s9 =	sor.u32 s22, s9;
	[sflag:s21] =	ssyncset.done @!p0 $0x0;
	s23 =	sld [smem:$0x7FD]  }
0x3d: {  	s22 =	sadd.s32 $0x8000, s25;
	s12 =	rddreg [dreg:$0x1d];
	[sflag:s21] =	ssyncadd.s32 @!p0 $0xFFFFE000  }
0x3e: {  	s25 =	simm.s32 $0x280;
	s15 =	sand.u32 $0xFFFFFFE0, s12;
	_ =	swait.ge @!p0 [sflag:s21], $0x2000  }
0x3f: {  	s18 =	sand.u32 $0x40, s18;
	s15 =	ssub.s32 s23, s15;
	[sflag:s21] =	ssyncset.done @!p0 $0x0  }
0x40: {  	s17 =	sor.u32 s17, s14;
	s14 =	sshra.s32 s15, $0x1F;
	[sflag:s21] =	ssyncadd.s32 @!p0 $0xFFFFE000  }
0x41: {  	s18 =	sor.u32 s18, s9;
	s9 =	sshrl.u32 s14, $0x1C;
	_ =	swait.ge @!p0 [sflag:s21], $0x2000  }
0x42: {  	s9 =	sadd.s32 s9, s15;
	[sflag:s21] =	ssyncset.done @!p0 $0x0;
	s15 =	sadd.s32 $0x4000, s26  }
0x43: {  	s22 =	sand.u32 $0x38000, s22;
	[sflag:s21] =	ssyncadd.s32 @!p0 $0xFFFFE000;
	s15 =	sand.u32 $0x7FFC0000, s15  }
0x44: {  	[tilespmem:s29], [sflag:$0x2] =	stream.indirect.gather [hbm4b:s4+s3], $0x40, s25, s3, $0xb8;
	[tilespmem:$0x1A400] =	vst v63  }
0x45: {  	s9 =	sshrl.u32 s9, $0x4;
	s25 =	sadd.s32 $0x8, s24;
	s22 =	sor.u32 s22, s15  }
0x46: {  	s24 =	simm.s32 $0x300;
	s21 =	sand.u32 $0x40, s25;
	s25 =	simm.s32 $0x12400  }
0x47: {  	[tilespmem:s25], [sflag:$0x2] =	stream.indirect.gather [hbm4b:s4+s3], $0x40, s24, s3, $0xb8;
	[tilespmem:$0x1A400] =	vst v63  }
0x48: {  	s15 =	simm.s32 $0x400;
	s29 =	smov.u32 s23;
	s25 =	sadd.s32 $0xC000, s6  }
0x49: {  	s24 =	simm.s32 $0x380;
	[dreg:$0xe] =	wrdreg s25;
	s25 =	sadd.s32 $0x6000, s26  }
0x4a: {  	[tilespmem:s8], [sflag:$0x2] =	stream.indirect.gather [hbm4b:s4+s3], $0x40, s24, s3, $0xb8;
	[tilespmem:$0x1A400] =	vst v63  }
0x4b: {  	s21 =	sor.u32 s21, s22;
	s26 =	sand.u32 $0x3C000, s0;
	s22 =	sand.u32 $0x7FFC0000, s25  }
0x4c: {  	s24 =	sadd.s32 s14, s9;
	s25 =	sadd.s32 $0x1C, s2;
	s9 =	sshrl.u32 s11, $0x3  }
0x4d: {  	s11 =	sshrl.u32 s13, $0x3;
	s13 =	sshrl.u32 s16, $0x3;
	[dreg:$0xa] =	wrdreg s25  }
0x4e: {  	s8 =	sor.u32 s26, s22;
	s26 =	sadd.s32 $0x14, s2;
	[dreg:$0xd] =	wrdreg s9  }
0x4f: {  	[tilespmem:s31], [sflag:$0x2] =	stream.indirect.gather [hbm4b:s4+s3], $0x40, s15, s3, $0xb8;
	[tilespmem:$0x1A400] =	vst v63  }
0x50: {  	s16 =	sshrl.u32 s18, $0x3;
	[dreg:$0xf] =	wrdreg s11;
	s31 =	sand.u32 $0x40, s26  }
0x51: {  	s18 =	simm.s32 $0x480;
	[dreg:$0xc] =	wrdreg s13;
	s1 =	sor.u32 s31, s1  }
0x52: {  	[tilespmem:s7], [sflag:$0x2] =	stream.indirect.gather [hbm4b:s4+s3], $0x40, s18, s3, $0xb8;
	[tilespmem:$0x1A400] =	vst v63  }
0x53: {  	s14 =	sshrl.u32 s17, $0x3;
	s22 =	simm.s32 $0x1;
	[dreg:$0xb] =	wrdreg s1  }
0x54: {  	s11 =	simm.s32 $0x0;
	s15 =	sshll.u32 s24, $0x6;
	_ =	swait.ge [sflag:s22], $0x2000  }
0x55: {  	s17 =	sor.u32 s28, s8;
	s24 =	sadd.s32 $0xA, s12;
	s26 =	sld [smem:$0x7FB]  }
0x56: {  	s19 =	sadd.s32 s15, s19;
	s25 =	sshrl.u32 s17, $0x3;
	[sflag:s22] =	ssyncset.done $0x0  }
0x57: {  	s17 =	sadd.s32 $0x28000, s20;
	s28 =	sshrl.u32 s19, $0x3;
	[sflag:s22] =	ssyncadd.s32 $0xFFFFE000  }
0x58: {  	s19 =	sadd.s32 $0x14000, s6;
	_ =	swait.ge [sflag:s22], $0x2000;
	s0 =	sor.u32 s5, s26  }
0x59: {  	s31 =	rddreg [dreg:$0x4];
	[sflag:s22] =	ssyncset.done $0x0;
	s5 =	sshrl.u32 s0, $0x3  }
0x5a: {  	s13 =	sadd.s32 s31, s14;
	s0 =	sshrl.u32 s21, $0x3;
	[sflag:s22] =	ssyncadd.s32 $0xFFFFE000  }
0x5b: {  	s21 =	sadd.s32 $0x28, s2;
	_ =	swait.ge [sflag:s22], $0x2000;
	s8 =	sadd.s32 s31, s5  }
.LBB2_2:
0x5c: {  	[dreg:$0x17] =	wrdreg s8  }
0x5d: {  	s5 =	sadd.s32 $0xC, s21;
	s26 =	simm.s32 $0x1;
	s1 =	sadd.s32 $0xA, s29  }
0x5e: {  	s3 =	smov.u32 s10;
	s7 =	sadd.s32 $0xC000, s17;
	s23 =	sadd.s32 $0x1400, s10  }
0x5f: {  	s18 =	sadd.s32 $0x24, s2;
	s9 =	sadd.s32 $0x8000, s19;
	s10 =	sadd.s32 $0xC000, s19  }
0x60: {  	s29 =	sadd.s32 $0xE000, s19;
	s12 =	sadd.s32 $0x1C000, s17;
	s14 =	sadd.s32 $0x1C, s21  }
0x61: {  	p0 =	seq.s32 s11, $0x17C00;
	s22 =	simm.s32 $0x8400;
	s31 =	sadd.s32 $0x14, s21  }
0x62: {  	s4 =	sshrl.u32 s30, $0x3;
	[sflag:s26] =	ssyncset.done $0x0;
	[dreg:$0x10] =	wrdreg s3  }
0x63: {  	s5 =	sand.u32 $0x40, s5;
	[dreg:$0x12] =	wrdreg s7;
	s29 =	sand.u32 $0x7FFC0000, s29  }
0x64: {  	s12 =	sand.u32 $0x3C000, s12;
	s7 =	simm.s32 $0x6400;
	s18 =	sand.u32 $0x40, s18  }
0x65: {  	s11 =	sshra.s32 @!p0 s11, $0x2;
	[dreg:$0x11] =	wrdreg s5;
	[sflag:s26] =	ssyncadd.s32 $0xFFFFE000  }
0x66: {  	s5 =	sadd.s32 $0x14000, s17;
	_ =	swait.ge [sflag:s26], $0x2000;
	[dreg:$0x14] =	wrdreg s9  }
0x67: {  	s12 =	sor.u32 s12, s29;
	s29 =	sadd.s32 $0x10000, s6;
	s8 =	rddreg [dreg:$0xa]  }
0x68: {  	[dreg:$0x13] =	wrdreg s10;
	[sflag:s26] =	ssyncset.done $0x0;
	s3 =	sand.u32 $0x40, s8  }
0x69: {  	s30 =	sadd.s32 @!p0 $0x680, s11;
	[sflag:s26] =	ssyncadd.s32 $0xFFFFE000;
	[dreg:$0x16] =	wrdreg s3  }
0x6a: {  	s10 =	simm.s32 $0x40;
	_ =	swait.ge [sflag:s26], $0x2000;
	[dreg:$0x15] =	wrdreg s12  }
0x6b: {  	s9 =	simm.s32 $0xA400;
	s5 =	sand.u32 $0x3C000, s5;
	[dreg:$0xa] =	wrdreg s14  }
0x6c: {  	s29 =	sand.u32 $0x7FFC0000, s29;
	[dreg:$0x18] =	wrdreg s4;
	[sflag:s26] =	ssyncset.done $0x0  }
0x6d: {  	s3 =	simm.s32 $0x80;
	s8 =	rddreg [dreg:$0x4];
	[sflag:s26] =	ssyncadd.s32 $0xFFFFE000  }
0x6e: {  	[hbm4b:s13+s10] =	stream.strided.scatter [tilespmem:s7], [sflag:$0x3], $0x2000, s3, s10, $0x38;
	[tilespmem:$0x1A400] =	vst v63  }
0x6f: {  	s14 =	sadd.s32 $0x12000, s6;
	s4 =	simm.s32 $0xE400;
	s15 =	sadd.s32 s8, s28  }
0x70: {  	[hbm4b:s15+s10] =	stream.strided.scatter [tilespmem:s22], [sflag:$0x3], $0x2000, s3, s10, $0x38;
	[tilespmem:$0x1A400] =	vst v63  }
0x71: {  	s0 =	sadd.s32 s8, s0;
	s16 =	sadd.s32 s8, s16;
	s28 =	simm.s32 @!p0 $0x8400  }
0x72: {  	[hbm4b:s0+s10] =	stream.strided.scatter [tilespmem:s9], [sflag:$0x3], $0x2000, s3, s10, $0x38;
	[tilespmem:$0x1A400] =	vst v63  }
0x73: {  	s13 =	sadd.s32 $0x18, s2;
	s22 =	sadd.s32 s8, s25;
	s9 =	simm.s32 $0xC400  }
0x74: {  	[hbm4b:s22+s10] =	stream.strided.scatter [tilespmem:s9], [sflag:$0x3], $0x2000, s3, s10, $0x38;
	[tilespmem:$0x1A400] =	vst v63  }
0x75: {  	s7 =	sand.u32 $0x40, s31;
	s25 =	rddreg [dreg:$0xe];
	s15 =	sadd.s32 $0x18000, s20  }
0x76: {  	[hbm4b:s16+s10] =	stream.strided.scatter [tilespmem:s4], [sflag:$0x3], $0x2000, s3, s10, $0x38;
	[tilespmem:$0x1A400] =	vst v63  }
0x77: {  	s31 =	sand.u32 $0x7FFC0000, s25;
	s15 =	sand.u32 $0x38000, s15;
	s4 =	simm.s32 $0x3  }
0x78: {  	s12 =	sor.u32 s15, s31;
	s15 =	sadd.s32 $0xA000, s19;
	_ =	swait.ge [sflag:s4], $0x2000  }
0x79: {  	s31 =	sadd.s32 @!p0 $0x700, s11;
	s0 =	sand.u32 $0x7FFC0000, s15;
	[sflag:s4] =	ssyncset.done $0x0  }
0x7a: {  	s15 =	sor.u32 s5, s0;
	s22 =	sand.u32 $0x40, s13;
	[sflag:s4] =	ssyncadd.s32 $0xFFFFE000  }
0x7b: {  	s13 =	sadd.s32 $0x20000, s20;
	s9 =	simm.s32 @!p0 $0x80;
	_ =	swait.ge [sflag:s4], $0x2000  }
0x7c: {  	s0 =	sand.u32 $0x38000, s13;
	s5 =	sor.u32 s22, s12;
	[sflag:s4] =	ssyncset.done $0x0  }
0x7d: {  	s12 =	sadd.s32 $0x8000, s20;
	s22 =	sand.u32 $0x38000, s20;
	[sflag:s4] =	ssyncadd.s32 $0xFFFFE000  }
0x7e: {  	s16 =	sand.u32 $0x7FFC0000, s14;
	s14 =	sadd.s32 $0x24000, s20;
	_ =	swait.ge [sflag:s4], $0x2000  }
0x7f: {  	s0 =	sor.u32 s0, s29;
	s29 =	sadd.s32 @!p0 $0x580, s11;
	[sflag:s4] =	ssyncset.done $0x0  }
0x80: {  	s25 =	sand.u32 $0x3C000, s14;
	s14 =	sadd.s32 $0x20, s2;
	[sflag:s4] =	ssyncadd.s32 $0xFFFFE000  }
0x81: {  	s12 =	sand.u32 $0x38000, s12;
	s13 =	sand.u32 $0x40, s14;
	_ =	swait.ge [sflag:s4], $0x2000  }
0x82: {  	s14 =	sadd.s32 @!p0 $0x600, s11;
	s16 =	sor.u32 s25, s16;
	[sflag:s4] =	ssyncset.done $0x0  }
0x83: {  	s0 =	sor.u32 s13, s0;
	s13 =	sadd.s32 @!p0 $0x500, s11;
	[sflag:s4] =	ssyncadd.s32 $0xFFFFE000  }
0x84: {  	s11 =	simm.s32 @!p0 $0x6400;
	s0 =	sshrl.u32 s0, $0x3;
	_ =	swait.ge [sflag:s4], $0x2000  }
0x85: {  	s18 =	sor.u32 s18, s16;
	[dreg:$0x19] =	wrdreg s0;
	[sflag:s4] =	ssyncset.done $0x0  }
0x86: {  	s16 =	simm.s32 @!p0 $0xE400;
	[sflag:s4] =	ssyncadd.s32 $0xFFFFE000;
	s4 =	rddreg [dreg:$0x3]  }
0x87: {  	[tilespmem:s11], [sflag:$0x1] =	stream.indirect.gather @!p0 [hbm4b:s4+s9], $0x40, s13, s9, $0xb8;
	[tilespmem:$0x1A400] =	vst v63  }
0x88: {  	s0 =	sshrl.u32 s5, $0x3;
	s5 =	simm.s32 @!p0 $0xA400;
	s25 =	rddreg [dreg:$0x9]  }
0x89: {  	[tilespmem:s28], [sflag:$0x1] =	stream.indirect.gather @!p0 [hbm4b:s4+s9], $0x40, s29, s9, $0xb8;
	[tilespmem:$0x1A400] =	vst v63  }
0x8a: {  	s11 =	sadd.s32 $0x6000, s6;
	s13 =	simm.s32 @!p0 $0xC400;
	s29 =	smov.u32 s1  }
0x8b: {  	[tilespmem:s5], [sflag:$0x1] =	stream.indirect.gather @!p0 [hbm4b:s4+s9], $0x40, s14, s9, $0xb8;
	[tilespmem:$0x1A400] =	vst v63  }
0x8c: {  	s5 =	sand.u32 $0x40, s2;
	s14 =	sand.u32 $0x7FFC0000, s25;
	s25 =	sand.u32 $0x7FFC0000, s6  }
0x8d: {  	[tilespmem:s13], [sflag:$0x1] =	stream.indirect.gather @!p0 [hbm4b:s4+s9], $0x40, s30, s9, $0xb8;
	[tilespmem:$0x1A400] =	vst v63  }
0x8e: {  	s5 =	sor.u32 s5, s22;
	s22 =	sadd.s32 $0x8, s2;
	s13 =	sadd.s32 $0x4000, s6  }
0x8f: {  	s5 =	sor.u32 s25, s5;
	s28 =	sand.u32 $0x7FFC0000, s13;
	s13 =	sadd.s32 $0x10000, s20  }
0x90: {  	[tilespmem:s16], [sflag:$0x1] =	stream.indirect.gather @!p0 [hbm4b:s4+s9], $0x40, s31, s9, $0xb8;
	[tilespmem:$0x1A400] =	vst v63  }
0x91: {  	s5 =	sshrl.u32 s5, $0x3;
	s9 =	sadd.s32 $0x10, s2;
	s31 =	simm.s32 $0x2  }
0x92: {  	s2 =	sand.u32 $0x40, s22;
	s13 =	sand.u32 $0x38000, s13;
	_ =	swait.ge [sflag:s31], $0x2000  }
0x93: {  	s12 =	sor.u32 s12, s28;
	s16 =	rddreg [dreg:$0xf];
	[sflag:s31] =	ssyncset.done $0x0  }
0x94: {  	s13 =	sor.u32 s13, s14;
	s30 =	rddreg [dreg:$0x5];
	[sflag:s31] =	ssyncadd.s32 $0xFFFFE000  }
0x95: {  	s6 =	sadd.s32 s8, s16;
	s16 =	sadd.s32 $0x4000, s20;
	_ =	swait.ge [sflag:s31], $0x2000  }
0x96: {  	s9 =	sand.u32 $0x40, s9;
	s16 =	sand.u32 $0x3C000, s16;
	[sflag:s31] =	ssyncset.done $0x0  }
0x97: {  	s22 =	sor.u32 s25, s16;
	s16 =	sand.u32 $0xFFFFFFE0, s24;
	[sflag:s31] =	ssyncadd.s32 $0xFFFFE000  }
0x98: {  	s16 =	ssub.s32 s1, s16;
	s1 =	rddreg [dreg:$0x8];
	_ =	swait.ge [sflag:s31], $0x2000  }
0x99: {  	s9 =	sor.u32 s9, s13;
	p0 =	seq.s32 s30, $0x0;
	[sflag:s31] =	ssyncset.done $0x0  }
0x9a: {  	[dreg:$0x1a] =	wrdreg s5;
	s14 =	sshra.s32 s16, $0x1F;
	[sflag:s31] =	ssyncadd.s32 $0xFFFFE000  }
0x9b: {  	s20 =	sand.u32 $0x3C000, s1;
	s13 =	sshrl.u32 s14, $0x1C;
	_ =	swait.ge [sflag:s31], $0x2000  }
0x9c: {  	s1 =	sor.u32 s2, s12;
	s5 =	sadd.s32 s13, s16;
	[sflag:s31] =	ssyncset.done $0x0  }
0x9d: {  	s13 =	sand.u32 $0x7FFC0000, s11;
	s16 =	sshrl.u32 s5, $0x4;
	[sflag:s31] =	ssyncadd.s32 $0xFFFFE000  }
0x9e: {  	s2 =	sor.u32 s20, s13;
	s25 =	rddreg [dreg:$0x18];
	_ =	swait.ge [sflag:s31], $0x2000  }
0x9f: {  	s13 =	simm.s32 $0x10400;
	s16 =	sadd.s32 s14, s16;
	s20 =	rddreg [dreg:$0x7]  }
0xa0: {  	s25 =	sadd.s32 s8, s25;
	s11 =	sshll.u32 s16, $0x6;
	s5 =	rddreg [dreg:$0x17]  }
0xa1: {  	s16 =	sshrl.u32 s9, $0x3;
	s22 =	sadd.s32 s11, s22;
	s9 =	rddreg [dreg:$0x16]  }
0xa2: {  	[sflag:s31] =	ssyncset.done $0x0;
	s28 =	sshrl.u32 s22, $0x3;
	s11 =	rddreg [dreg:$0xd]  }
0xa3: {  	s14 =	rddreg [dreg:$0xc];
	s22 =	simm.s32 $0x18400;
	[sflag:s31] =	ssyncadd.s32 $0xFFFFE000  }
0xa4: {  	[hbm4b:s25+s10] =	stream.strided.scatter [tilespmem:s13], [sflag:$0x4], $0x2000, s3, s10, $0x38;
	[tilespmem:$0x1A400] =	vst v63  }
0xa5: {  	s2 =	sor.u32 s20, s2;
	s31 =	simm.s32 $0x12400;
	s12 =	sadd.s32 s8, s11  }
0xa6: {  	[hbm4b:s6+s10] =	stream.strided.scatter [tilespmem:s31], [sflag:$0x4], $0x2000, s3, s10, $0x38;
	[tilespmem:$0x1A400] =	vst v63  }
0xa7: {  	s6 =	sor.u32 s7, s15;
	s15 =	simm.s32 $0x14400;
	s7 =	rddreg [dreg:$0x6]  }
0xa8: {  	[hbm4b:s5+s10] =	stream.strided.scatter [tilespmem:s15], [sflag:$0x4], $0x2000, s3, s10, $0x38;
	[tilespmem:$0x1A400] =	vst v63  }
0xa9: {  	s25 =	sshrl.u32 s2, $0x3;
	s2 =	sor.u32 s9, s7;
	s5 =	simm.s32 $0x16400  }
0xaa: {  	[hbm4b:s12+s10] =	stream.strided.scatter [tilespmem:s5], [sflag:$0x4], $0x2000, s3, s10, $0x38;
	[tilespmem:$0x1A400] =	vst v63  }
0xab: {  	s9 =	simm.s32 @!p0 $0x4;
	s7 =	sshrl.u32 s2, $0x3;
	s2 =	sadd.s32 s8, s14  }
0xac: {  	[hbm4b:s2+s10] =	stream.strided.scatter [tilespmem:s22], [sflag:$0x4], $0x2000, s3, s10, $0x38;
	[tilespmem:$0x1A400] =	vst v63  }
0xad: {  	_ =	swait.ge @!p0 [sflag:s9], $0x2000  }
0xae: {  	s20 =	rddreg [dreg:$0x11]  }
0xaf: {  	s12 =	rddreg [dreg:$0x12]  }
0xb0: {  	p1 =	sne.s32 s23, $0x19000;
	s2 =	rddreg [dreg:$0x14]  }
0xb1: {  	s10 =	smov.u32 s23;
	s23 =	smov.u32 s20;
	s20 =	rddreg [dreg:$0x10]  }
0xb2: {  	s14 =	smov.u32 s12;
	[dreg:$0x7] =	wrdreg s23  }
0xb3: {  	[dreg:$0x8] =	wrdreg s14;
	s23 =	smov.u32 s20  }
0xb4: {  	[sflag:s9] =	ssyncset.done @!p0 $0x0;
	s14 =	smov.u32 s2;
	[dreg:$0x5] =	wrdreg s23  }
0xb5: {  	[sflag:s9] =	ssyncadd.s32 @!p0 $0xFFFFE000;
	[dreg:$0x9] =	wrdreg s14  }
0xb6: {  	_ =	swait.ge @!p0 [sflag:s9], $0x2000  }
0xb7: {  	s20 =	rddreg [dreg:$0x13]  }
0xb8: {  	s2 =	rddreg [dreg:$0x15]  }
0xb9: {  	s23 =	smov.u32 s20;
	s20 =	rddreg [dreg:$0x19]  }
0xba: {  	s14 =	smov.u32 s2;
	[dreg:$0xe] =	wrdreg s23  }
0xbb: {  	[dreg:$0x6] =	wrdreg s14;
	s23 =	smov.u32 s20  }
0xbc: {  	s18 =	sshrl.u32 s18, $0x3;
	s14 =	smov.u32 s0;
	[dreg:$0xd] =	wrdreg s23  }
0xbd: {  	[sflag:s9] =	ssyncset.done @!p0 $0x0;
	s20 =	smov.u32 s18;
	[dreg:$0xf] =	wrdreg s14  }
0xbe: {  	[sflag:s9] =	ssyncadd.s32 @!p0 $0xFFFFE000;
	[dreg:$0xc] =	wrdreg s20  }
0xbf: {  	_ =	swait.ge @!p0 [sflag:s9], $0x2000  }
0xc0: {  	s14 =	smov.u32 s6;
	s23 =	rddreg [dreg:$0xb];
	[sflag:s9] =	ssyncset.done @!p0 $0x0  }
0xc1: {  	[dreg:$0xb] =	wrdreg s14;
	[sflag:s9] =	ssyncadd.s32 @!p0 $0xFFFFE000  }
0xc2: {  	_ =	swait.ge @!p0 [sflag:s9], $0x2000  }
0xc3: {  	[sflag:s9] =	ssyncset.done @!p0 $0x0  }
0xc4: {  	[sflag:s9] =	ssyncadd.s32 @!p0 $0xFFFFE000  }
0xc5: {  	s11 =	smov.u32 s30;
	_ =	swait.ge @!p0 [sflag:s9], $0x2000  }
0xc6: {  	s0 =	sshra.s32 s11, $0x2;
	[sflag:s9] =	ssyncset.done @!p0 $0x0  }
0xc7: {  	s12 =	sadd.s32 $0x280, s0;
	[sflag:s9] =	ssyncadd.s32 @!p0 $0xFFFFE000  }
0xc8: {  	[tilespmem:s13], [sflag:$0x2] =	stream.indirect.gather [hbm4b:s4+s3], $0x40, s12, s3, $0xb8;
	[tilespmem:$0x1A400] =	vst v63  }
0xc9: {  	s18 =	sadd.s32 $0x300, s0  }
0xca: {  	[tilespmem:s31], [sflag:$0x2] =	stream.indirect.gather [hbm4b:s4+s3], $0x40, s18, s3, $0xb8;
	[tilespmem:$0x1A400] =	vst v63  }
0xcb: {  	s30 =	smov.u32 s23;
	s23 =	sadd.s32 $0x380, s0  }
0xcc: {  	[tilespmem:s15], [sflag:$0x2] =	stream.indirect.gather [hbm4b:s4+s3], $0x40, s23, s3, $0xb8;
	[tilespmem:$0x1A400] =	vst v63  }
0xcd: {  	s23 =	sadd.s32 $0x400, s0  }
0xce: {  	[tilespmem:s5], [sflag:$0x2] =	stream.indirect.gather [hbm4b:s4+s3], $0x40, s23, s3, $0xb8;
	[tilespmem:$0x1A400] =	vst v63  }
0xcf: {  	s0 =	sadd.s32 $0x480, s0  }
0xd0: {  	[tilespmem:s22], [sflag:$0x2] =	stream.indirect.gather [hbm4b:s4+s3], $0x40, s0, s3, $0xb8;
	[tilespmem:$0x1A400] =	vst v63  }
0xd1: {  	_ =	swait.ge [sflag:s26], $0x2000  }
0xd2: {  	s24 =	sadd.s32 $0xA, s24;
	s2 =	smov.u32 s21;
	[sflag:s26] =	ssyncset.done $0x0  }
.Ltmp0:
0xd3: {  	s21 =	sadd.s32 $0x28, s21;
	[sflag:s26] =	ssyncadd.s32 $0xFFFFE000;
	(pc) =	sbr.rel @p1 .LBB2_2-.Ltmp0, $4  }
0xd4: {  	s20 =	smov.u32 s17;
	s6 =	smov.u32 s19;
	_ =	swait.ge [sflag:s26], $0x2000  }
0xd5: {  	s17 =	sadd.s32 $0x28000, s17;
	s19 =	sadd.s32 $0x14000, s19;
	[sflag:s26] =	ssyncset.done $0x0  }
0xd6: {  	s0 =	sshrl.u32 s1, $0x3;
	s31 =	rddreg [dreg:$0x1a];
	[sflag:s26] =	ssyncadd.s32 $0xFFFFE000  }
0xd7: {  	s13 =	sadd.s32 s8, s31;
	s8 =	sadd.s32 s8, s7;
	_ =	swait.ge [sflag:s26], $0x2000  }
0xd8: {  	s21 =	simm.s32 $0x1  }
0xd9: {  	[sflag:s21] =	ssyncset.done $0x0  }
0xda: {  	[sflag:s21] =	ssyncadd.s32 $0xFFFFE000  }
0xdb: {  	_ =	swait.ge [sflag:s21], $0x2000  }
0xdc: {  	[sflag:s21] =	ssyncset.done $0x0  }
0xdd: {  	[sflag:s21] =	ssyncadd.s32 $0xFFFFE000  }
0xde: {  	_ =	swait.ge [sflag:s21], $0x2000  }
0xdf: {  	s3 =	simm.s32 $0x80;
	s9 =	simm.s32 $0x6400;
	[sflag:s21] =	ssyncset.done $0x0  }
0xe0: {  	s10 =	simm.s32 $0x40;
	s22 =	rddreg [dreg:$0x4];
	[sflag:s21] =	ssyncadd.s32 $0xFFFFE000  }
0xe1: {  	[hbm4b:s13+s10] =	stream.strided.scatter [tilespmem:s9], [sflag:$0x3], $0x2000, s3, s10, $0x38;
	[tilespmem:$0x1A400] =	vst v63  }
0xe2: {  	s12 =	simm.s32 $0x8400;
	s1 =	sadd.s32 s22, s28  }
0xe3: {  	[hbm4b:s1+s10] =	stream.strided.scatter [tilespmem:s12], [sflag:$0x3], $0x2000, s3, s10, $0x38;
	[tilespmem:$0x1A400] =	vst v63  }
0xe4: {  	s0 =	sadd.s32 s22, s0;
	s13 =	simm.s32 $0xA400  }
0xe5: {  	[hbm4b:s0+s10] =	stream.strided.scatter [tilespmem:s13], [sflag:$0x3], $0x2000, s3, s10, $0x38;
	[tilespmem:$0x1A400] =	vst v63  }
0xe6: {  	s14 =	simm.s32 $0xC400;
	s26 =	sadd.s32 s22, s25  }
0xe7: {  	[hbm4b:s26+s10] =	stream.strided.scatter [tilespmem:s14], [sflag:$0x3], $0x2000, s3, s10, $0x38;
	[tilespmem:$0x1A400] =	vst v63  }
0xe8: {  	s28 =	sadd.s32 s22, s16;
	s16 =	simm.s32 $0xE400;
	s26 =	simm.s32 $0x3  }
0xe9: {  	[hbm4b:s28+s10] =	stream.strided.scatter [tilespmem:s16], [sflag:$0x3], $0x2000, s3, s10, $0x38;
	[tilespmem:$0x1A400] =	vst v63  }
0xea: {  	_ =	swait.ge [sflag:s26], $0x2000  }
0xeb: {  	[sflag:s26] =	ssyncset.done $0x0  }
0xec: {  	[sflag:s26] =	ssyncadd.s32 $0xFFFFE000  }
0xed: {  	_ =	swait.ge [sflag:s26], $0x2000  }
0xee: {  	[sflag:s26] =	ssyncset.done $0x0  }
0xef: {  	[sflag:s26] =	ssyncadd.s32 $0xFFFFE000  }
0xf0: {  	_ =	swait.ge [sflag:s26], $0x2000  }
0xf1: {  	[sflag:s26] =	ssyncset.done $0x0  }
0xf2: {  	[sflag:s26] =	ssyncadd.s32 $0xFFFFE000  }
0xf3: {  	_ =	swait.ge [sflag:s26], $0x2000  }
0xf4: {  	[sflag:s26] =	ssyncset.done $0x0  }
0xf5: {  	p0 =	seq.s32 s11, $0x17C00;
	[sflag:s26] =	ssyncadd.s32 $0xFFFFE000  }
0xf6: {  	s5 =	simm.s32 @!p0 $0x80;
	_ =	swait.ge [sflag:s26], $0x2000  }
0xf7: {  	s7 =	simm.s32 @!p0 $0x6400;
	s0 =	sshra.s32 @!p0 s11, $0x2;
	[sflag:s26] =	ssyncset.done $0x0  }
0xf8: {  	s1 =	sadd.s32 @!p0 $0x500, s0;
	s4 =	rddreg [dreg:$0x3];
	[sflag:s26] =	ssyncadd.s32 $0xFFFFE000  }
0xf9: {  	[tilespmem:s7], [sflag:$0x1] =	stream.indirect.gather @!p0 [hbm4b:s4+s5], $0x40, s1, s5, $0xb8;
	[tilespmem:$0x1A400] =	vst v63  }
0xfa: {  	s1 =	sadd.s32 @!p0 $0x580, s0;
	s7 =	simm.s32 @!p0 $0x8400  }
0xfb: {  	[tilespmem:s7], [sflag:$0x1] =	stream.indirect.gather @!p0 [hbm4b:s4+s5], $0x40, s1, s5, $0xb8;
	[tilespmem:$0x1A400] =	vst v63  }
0xfc: {  	s1 =	sadd.s32 @!p0 $0x600, s0;
	s7 =	simm.s32 @!p0 $0xA400  }
0xfd: {  	[tilespmem:s7], [sflag:$0x1] =	stream.indirect.gather @!p0 [hbm4b:s4+s5], $0x40, s1, s5, $0xb8;
	[tilespmem:$0x1A400] =	vst v63  }
0xfe: {  	s1 =	sadd.s32 @!p0 $0x680, s0;
	s7 =	simm.s32 @!p0 $0xC400  }
0xff: {  	[tilespmem:s7], [sflag:$0x1] =	stream.indirect.gather @!p0 [hbm4b:s4+s5], $0x40, s1, s5, $0xb8;
	[tilespmem:$0x1A400] =	vst v63  }
0x100: {  	s25 =	simm.s32 $0x2;
	s0 =	sadd.s32 @!p0 $0x700, s0;
	s1 =	simm.s32 @!p0 $0xE400  }
0x101: {  	[tilespmem:s1], [sflag:$0x1] =	stream.indirect.gather @!p0 [hbm4b:s4+s5], $0x40, s0, s5, $0xb8;
	[tilespmem:$0x1A400] =	vst v63  }
0x102: {  	_ =	swait.ge [sflag:s25], $0x2000  }
0x103: {  	[sflag:s25] =	ssyncset.done $0x0  }
0x104: {  	[sflag:s25] =	ssyncadd.s32 $0xFFFFE000  }
0x105: {  	_ =	swait.ge [sflag:s25], $0x2000  }
0x106: {  	[sflag:s25] =	ssyncset.done $0x0  }
0x107: {  	[sflag:s25] =	ssyncadd.s32 $0xFFFFE000  }
0x108: {  	_ =	swait.ge [sflag:s25], $0x2000  }
0x109: {  	[sflag:s25] =	ssyncset.done $0x0  }
0x10a: {  	[sflag:s25] =	ssyncadd.s32 $0xFFFFE000  }
0x10b: {  	_ =	swait.ge [sflag:s25], $0x2000  }
0x10c: {  	[sflag:s25] =	ssyncset.done $0x0  }
0x10d: {  	[sflag:s25] =	ssyncadd.s32 $0xFFFFE000  }
0x10e: {  	_ =	swait.ge [sflag:s25], $0x2000  }
0x10f: {  	s30 =	sshrl.u32 s30, $0x3;
	s11 =	simm.s32 $0x10400;
	[sflag:s25] =	ssyncset.done $0x0  }
0x110: {  	s0 =	sadd.s32 s22, s30;
	s1 =	rddreg [dreg:$0xf];
	[sflag:s25] =	ssyncadd.s32 $0xFFFFE000  }
0x111: {  	[hbm4b:s0+s10] =	stream.strided.scatter [tilespmem:s11], [sflag:$0x4], $0x2000, s3, s10, $0x38;
	[tilespmem:$0x1A400] =	vst v63  }
0x112: {  	s17 =	simm.s32 $0x12400;
	s23 =	rddreg [dreg:$0x5];
	s0 =	sadd.s32 s22, s1  }
0x113: {  	[hbm4b:s0+s10] =	stream.strided.scatter [tilespmem:s17], [sflag:$0x4], $0x2000, s3, s10, $0x38;
	[tilespmem:$0x1A400] =	vst v63  }
0x114: {  	s18 =	simm.s32 $0x14400;
	s15 =	simm.s32 $0x16400;
	s5 =	rddreg [dreg:$0xd]  }
0x115: {  	[hbm4b:s8+s10] =	stream.strided.scatter [tilespmem:s18], [sflag:$0x4], $0x2000, s3, s10, $0x38;
	[tilespmem:$0x1A400] =	vst v63  }
0x116: {  	s7 =	rddreg [dreg:$0xc];
	p0 =	seq.s32 s23, $0x0;
	s0 =	sadd.s32 s22, s5  }
0x117: {  	[hbm4b:s0+s10] =	stream.strided.scatter [tilespmem:s15], [sflag:$0x4], $0x2000, s3, s10, $0x38;
	[tilespmem:$0x1A400] =	vst v63  }
0x118: {  	s19 =	simm.s32 $0x18400;
	s1 =	sadd.s32 s22, s7;
	s0 =	simm.s32 @!p0 $0x4  }
0x119: {  	[hbm4b:s1+s10] =	stream.strided.scatter [tilespmem:s19], [sflag:$0x4], $0x2000, s3, s10, $0x38;
	[tilespmem:$0x1A400] =	vst v63  }
0x11a: {  	_ =	swait.ge @!p0 [sflag:s0], $0x2000  }
0x11b: {  	[sflag:s0] =	ssyncset.done @!p0 $0x0  }
0x11c: {  	[sflag:s0] =	ssyncadd.s32 @!p0 $0xFFFFE000  }
0x11d: {  	_ =	swait.ge @!p0 [sflag:s0], $0x2000  }
0x11e: {  	[sflag:s0] =	ssyncset.done @!p0 $0x0  }
0x11f: {  	[sflag:s0] =	ssyncadd.s32 @!p0 $0xFFFFE000  }
0x120: {  	_ =	swait.ge @!p0 [sflag:s0], $0x2000  }
0x121: {  	[sflag:s0] =	ssyncset.done @!p0 $0x0  }
0x122: {  	[sflag:s0] =	ssyncadd.s32 @!p0 $0xFFFFE000  }
0x123: {  	_ =	swait.ge @!p0 [sflag:s0], $0x2000  }
0x124: {  	[sflag:s0] =	ssyncset.done @!p0 $0x0  }
0x125: {  	[sflag:s0] =	ssyncadd.s32 @!p0 $0xFFFFE000  }
0x126: {  	_ =	swait.ge @!p0 [sflag:s0], $0x2000  }
0x127: {  	s8 =	sshra.s32 s23, $0x2;
	[sflag:s0] =	ssyncset.done @!p0 $0x0  }
0x128: {  	s28 =	sadd.s32 $0x280, s8;
	[sflag:s0] =	ssyncadd.s32 @!p0 $0xFFFFE000  }
0x129: {  	[tilespmem:s11], [sflag:$0x2] =	stream.indirect.gather [hbm4b:s4+s3], $0x40, s28, s3, $0xb8;
	[tilespmem:$0x1A400] =	vst v63  }
0x12a: {  	s30 =	sadd.s32 $0x300, s8  }
0x12b: {  	[tilespmem:s17], [sflag:$0x2] =	stream.indirect.gather [hbm4b:s4+s3], $0x40, s30, s3, $0xb8;
	[tilespmem:$0x1A400] =	vst v63  }
0x12c: {  	s5 =	sadd.s32 $0x380, s8  }
0x12d: {  	[tilespmem:s18], [sflag:$0x2] =	stream.indirect.gather [hbm4b:s4+s3], $0x40, s5, s3, $0xb8;
	[tilespmem:$0x1A400] =	vst v63  }
0x12e: {  	s7 =	sadd.s32 $0x400, s8  }
0x12f: {  	[tilespmem:s15], [sflag:$0x2] =	stream.indirect.gather [hbm4b:s4+s3], $0x40, s7, s3, $0xb8;
	[tilespmem:$0x1A400] =	vst v63  }
0x130: {  	s8 =	sadd.s32 $0x480, s8  }
0x131: {  	[tilespmem:s19], [sflag:$0x2] =	stream.indirect.gather [hbm4b:s4+s3], $0x40, s8, s3, $0xb8;
	[tilespmem:$0x1A400] =	vst v63  }
0x132: {  	_ =	swait.ge [sflag:s21], $0x2000  }
0x133: {  	s28 =	sadd.s32 $0xA, s29;
	[sflag:s21] =	ssyncset.done $0x0  }
0x134: {  	s30 =	sand.u32 $0x40, s2;
	s7 =	sand.u32 $0xFFFFFFE0, s24;
	[sflag:s21] =	ssyncadd.s32 $0xFFFFE000  }
0x135: {  	s5 =	sand.u32 $0x7FFC0000, s6;
	s0 =	ssub.s32 s28, s7;
	_ =	swait.ge [sflag:s21], $0x2000  }
0x136: {  	s8 =	sand.u32 $0x38000, s20;
	s24 =	sshra.s32 s0, $0x1F;
	[sflag:s21] =	ssyncset.done $0x0  }
0x137: {  	s1 =	sor.u32 s30, s8;
	s28 =	sshrl.u32 s24, $0x1C;
	[sflag:s21] =	ssyncadd.s32 $0xFFFFE000  }
0x138: {  	s30 =	sadd.s32 $0x4000, s20;
	s8 =	sadd.s32 $0x10000, s20;
	_ =	swait.ge [sflag:s21], $0x2000  }
0x139: {  	s0 =	sadd.s32 s28, s0;
	s7 =	sand.u32 $0x3C000, s30;
	[sflag:s21] =	ssyncset.done $0x0  }
0x13a: {  	s1 =	sor.u32 s5, s1;
	s28 =	sadd.s32 $0x4000, s6;
	[sflag:s21] =	ssyncadd.s32 $0xFFFFE000  }
0x13b: {  	s30 =	sadd.s32 $0x6000, s6;
	s0 =	sshrl.u32 s0, $0x4;
	_ =	swait.ge [sflag:s21], $0x2000  }
0x13c: {  	s7 =	sor.u32 s5, s7;
	s1 =	sshrl.u32 s1, $0x3;
	[sflag:s21] =	ssyncset.done $0x0  }
0x13d: {  	s5 =	sand.u32 $0x38000, s8;
	s8 =	sadd.s32 $0x8, s2;
	[sflag:s21] =	ssyncadd.s32 $0xFFFFE000  }
0x13e: {  	s0 =	sadd.s32 s24, s0;
	s1 =	sadd.s32 s22, s1;
	_ =	swait.ge [sflag:s21], $0x2000  }
0x13f: {  	s0 =	sshll.u32 s0, $0x6;
	[sflag:s21] =	ssyncset.done $0x0;
	s24 =	rddreg [dreg:$0x9]  }
0x140: {  	s0 =	sadd.s32 s0, s7;
	[sflag:s21] =	ssyncadd.s32 $0xFFFFE000;
	s7 =	sand.u32 $0x7FFC0000, s24  }
0x141: {  	[hbm4b:s1+s10] =	stream.strided.scatter [tilespmem:s9], [sflag:$0x3], $0x2000, s3, s10, $0x38;
	[tilespmem:$0x1A400] =	vst v63  }
0x142: {  	s0 =	sshrl.u32 s0, $0x3;
	s21 =	sadd.s32 $0x8000, s20;
	s5 =	sor.u32 s5, s7  }
0x143: {  	s7 =	sand.u32 $0x7FFC0000, s28;
	s1 =	sand.u32 $0x38000, s21;
	s9 =	rddreg [dreg:$0x8]  }
0x144: {  	s0 =	sadd.s32 s22, s0;
	s21 =	rddreg [dreg:$0x7];
	s1 =	sor.u32 s1, s7  }
0x145: {  	[hbm4b:s0+s10] =	stream.strided.scatter [tilespmem:s12], [sflag:$0x3], $0x2000, s3, s10, $0x38;
	[tilespmem:$0x1A400] =	vst v63  }
0x146: {  	s7 =	sand.u32 $0x40, s8;
	s8 =	sand.u32 $0x3C000, s9;
	s0 =	sand.u32 $0x7FFC0000, s30  }
0x147: {  	s1 =	sor.u32 s7, s1;
	s12 =	sadd.s32 $0x10, s2;
	s0 =	sor.u32 s8, s0  }
0x148: {  	s7 =	sand.u32 $0x40, s12;
	s1 =	sshrl.u32 s1, $0x3;
	s0 =	sor.u32 s21, s0  }
0x149: {  	s5 =	sor.u32 s7, s5;
	s1 =	sadd.s32 s22, s1;
	s0 =	sshrl.u32 s0, $0x3  }
0x14a: {  	[hbm4b:s1+s10] =	stream.strided.scatter [tilespmem:s13], [sflag:$0x3], $0x2000, s3, s10, $0x38;
	[tilespmem:$0x1A400] =	vst v63  }
0x14b: {  	s24 =	sshrl.u32 s5, $0x3;
	s0 =	sadd.s32 s22, s0  }
0x14c: {  	[hbm4b:s0+s10] =	stream.strided.scatter [tilespmem:s14], [sflag:$0x3], $0x2000, s3, s10, $0x38;
	[tilespmem:$0x1A400] =	vst v63  }
0x14d: {  	s28 =	sadd.s32 s22, s24  }
0x14e: {  	[hbm4b:s28+s10] =	stream.strided.scatter [tilespmem:s16], [sflag:$0x3], $0x2000, s3, s10, $0x38;
	[tilespmem:$0x1A400] =	vst v63  }
0x14f: {  	_ =	swait.ge [sflag:s26], $0x2000  }
0x150: {  	[sflag:s26] =	ssyncset.done $0x0  }
0x151: {  	[sflag:s26] =	ssyncadd.s32 $0xFFFFE000  }
0x152: {  	_ =	swait.ge [sflag:s26], $0x2000  }
0x153: {  	[sflag:s26] =	ssyncset.done $0x0  }
0x154: {  	[sflag:s26] =	ssyncadd.s32 $0xFFFFE000  }
0x155: {  	_ =	swait.ge [sflag:s26], $0x2000  }
0x156: {  	[sflag:s26] =	ssyncset.done $0x0  }
0x157: {  	[sflag:s26] =	ssyncadd.s32 $0xFFFFE000  }
0x158: {  	_ =	swait.ge [sflag:s26], $0x2000  }
0x159: {  	[sflag:s26] =	ssyncset.done $0x0  }
0x15a: {  	[sflag:s26] =	ssyncadd.s32 $0xFFFFE000  }
0x15b: {  	p0 =	seq.s32 s23, $0x17C00;
	_ =	swait.ge [sflag:s26], $0x2000  }
0x15c: {  	s7 =	simm.s32 @!p0 $0x6400;
	s0 =	sshra.s32 @!p0 s23, $0x2;
	[sflag:s26] =	ssyncset.done $0x0  }
0x15d: {  	s5 =	simm.s32 @!p0 $0x80;
	s1 =	sadd.s32 @!p0 $0x500, s0;
	[sflag:s26] =	ssyncadd.s32 $0xFFFFE000  }
0x15e: {  	[tilespmem:s7], [sflag:$0x1] =	stream.indirect.gather @!p0 [hbm4b:s4+s5], $0x40, s1, s5, $0xb8;
	[tilespmem:$0x1A400] =	vst v63  }
0x15f: {  	s1 =	sadd.s32 @!p0 $0x580, s0;
	s7 =	simm.s32 @!p0 $0x8400  }
0x160: {  	[tilespmem:s7], [sflag:$0x1] =	stream.indirect.gather @!p0 [hbm4b:s4+s5], $0x40, s1, s5, $0xb8;
	[tilespmem:$0x1A400] =	vst v63  }
0x161: {  	s1 =	sadd.s32 @!p0 $0x600, s0;
	s7 =	simm.s32 @!p0 $0xA400  }
0x162: {  	[tilespmem:s7], [sflag:$0x1] =	stream.indirect.gather @!p0 [hbm4b:s4+s5], $0x40, s1, s5, $0xb8;
	[tilespmem:$0x1A400] =	vst v63  }
0x163: {  	s1 =	sadd.s32 @!p0 $0x680, s0;
	s7 =	simm.s32 @!p0 $0xC400  }
0x164: {  	[tilespmem:s7], [sflag:$0x1] =	stream.indirect.gather @!p0 [hbm4b:s4+s5], $0x40, s1, s5, $0xb8;
	[tilespmem:$0x1A400] =	vst v63  }
0x165: {  	s0 =	sadd.s32 @!p0 $0x700, s0;
	s1 =	simm.s32 @!p0 $0xE400  }
0x166: {  	[tilespmem:s1], [sflag:$0x1] =	stream.indirect.gather @!p0 [hbm4b:s4+s5], $0x40, s0, s5, $0xb8;
	[tilespmem:$0x1A400] =	vst v63  }
0x167: {  	_ =	swait.ge [sflag:s25], $0x2000  }
0x168: {  	[sflag:s25] =	ssyncset.done $0x0  }
0x169: {  	[sflag:s25] =	ssyncadd.s32 $0xFFFFE000  }
0x16a: {  	_ =	swait.ge [sflag:s25], $0x2000  }
0x16b: {  	[sflag:s25] =	ssyncset.done $0x0  }
0x16c: {  	[sflag:s25] =	ssyncadd.s32 $0xFFFFE000  }
0x16d: {  	_ =	swait.ge [sflag:s25], $0x2000  }
0x16e: {  	[sflag:s25] =	ssyncset.done $0x0  }
0x16f: {  	[sflag:s25] =	ssyncadd.s32 $0xFFFFE000  }
0x170: {  	s30 =	sadd.s32 $0x18, s2;
	_ =	swait.ge [sflag:s25], $0x2000  }
0x171: {  	s21 =	sadd.s32 $0x12000, s6;
	s5 =	sadd.s32 $0x18000, s20;
	[sflag:s25] =	ssyncset.done $0x0  }
0x172: {  	s1 =	sand.u32 $0x38000, s5;
	s7 =	rddreg [dreg:$0xe];
	[sflag:s25] =	ssyncadd.s32 $0xFFFFE000  }
0x173: {  	s9 =	rddreg [dreg:$0xa];
	s8 =	sand.u32 $0x7FFC0000, s7;
	_ =	swait.ge [sflag:s25], $0x2000  }
0x174: {  	s0 =	sand.u32 $0x40, s30;
	s1 =	sor.u32 s1, s8;
	s12 =	rddreg [dreg:$0x6]  }
0x175: {  	s0 =	sor.u32 s0, s1;
	s1 =	sand.u32 $0x40, s9;
	s13 =	rddreg [dreg:$0xb]  }
0x176: {  	[sflag:s25] =	ssyncset.done $0x0;
	s1 =	sor.u32 s1, s12;
	s14 =	sshrl.u32 s13, $0x3  }
0x177: {  	s0 =	sshrl.u32 s0, $0x3;
	[sflag:s25] =	ssyncadd.s32 $0xFFFFE000;
	s5 =	sadd.s32 s22, s14  }
0x178: {  	[hbm4b:s5+s10] =	stream.strided.scatter [tilespmem:s11], [sflag:$0x4], $0x2000, s3, s10, $0x38;
	[tilespmem:$0x1A400] =	vst v63  }
0x179: {  	s24 =	sadd.s32 $0x24, s2;
	s1 =	sshrl.u32 s1, $0x3;
	s0 =	sadd.s32 s22, s0  }
0x17a: {  	[hbm4b:s0+s10] =	stream.strided.scatter [tilespmem:s17], [sflag:$0x4], $0x2000, s3, s10, $0x38;
	[tilespmem:$0x1A400] =	vst v63  }
0x17b: {  	s16 =	sadd.s32 $0x10000, s6;
	s1 =	sadd.s32 s22, s1;
	s17 =	sadd.s32 $0x20000, s20  }
0x17c: {  	[hbm4b:s1+s10] =	stream.strided.scatter [tilespmem:s18], [sflag:$0x4], $0x2000, s3, s10, $0x38;
	[tilespmem:$0x1A400] =	vst v63  }
0x17d: {  	s0 =	sand.u32 $0x7FFC0000, s16;
	s5 =	sand.u32 $0x38000, s17;
	s18 =	sadd.s32 $0x20, s2  }
0x17e: {  	s23 =	sadd.s32 $0x24000, s20;
	s0 =	sor.u32 s5, s0;
	s1 =	sand.u32 $0x40, s18  }
0x17f: {  	s5 =	sand.u32 $0x3C000, s23;
	s0 =	sor.u32 s1, s0;
	s1 =	sand.u32 $0x7FFC0000, s21  }
0x180: {  	s2 =	sand.u32 $0x40, s24;
	s1 =	sor.u32 s5, s1;
	s0 =	sshrl.u32 s0, $0x3  }
0x181: {  	s1 =	sor.u32 s2, s1;
	s0 =	sadd.s32 s22, s0  }
0x182: {  	[hbm4b:s0+s10] =	stream.strided.scatter [tilespmem:s15], [sflag:$0x4], $0x2000, s3, s10, $0x38;
	[tilespmem:$0x1A400] =	vst v63  }
0x183: {  	s25 =	sshrl.u32 s1, $0x3  }
0x184: {  	s26 =	simm.s32 $0x4;
	s0 =	sadd.s32 s22, s25  }
0x185: {  	[hbm4b:s0+s10] =	stream.strided.scatter [tilespmem:s19], [sflag:$0x4], $0x2000, s3, s10, $0x38;
	[tilespmem:$0x1A400] =	vst v63  }
0x186: {  	_ =	swait.ge [sflag:s26], $0x2000  }
0x187: {  	[sflag:s26] =	ssyncset.done $0x0  }
0x188: {  	[sflag:s26] =	ssyncadd.s32 $0xFFFFE000  }
0x189: {  	_ =	swait.ge [sflag:s26], $0x2000  }
0x18a: {  	[sflag:s26] =	ssyncset.done $0x0  }
0x18b: {  	[sflag:s26] =	ssyncadd.s32 $0xFFFFE000  }
0x18c: {  	_ =	swait.ge [sflag:s26], $0x2000  }
0x18d: {  	[sflag:s26] =	ssyncset.done $0x0  }
0x18e: {  	[sflag:s26] =	ssyncadd.s32 $0xFFFFE000  }
0x18f: {  	_ =	swait.ge [sflag:s26], $0x2000  }
0x190: {  	[sflag:s26] =	ssyncset.done $0x0  }
0x191: {  	[sflag:s26] =	ssyncadd.s32 $0xFFFFE000  }
0x192: {  	_ =	swait.ge [sflag:s26], $0x2000  }
0x193: {  	s28 =	sld [smem:$0x7FA];
	_ =	sdelay $0x2  }
0x194: {  	s30 =	rddreg [dreg:$0x1c];
	s2 =	sadd.s32 $0x1, s28  }
0x195: {  	p0 =	sne.s32 s2, s30  }
.Ltmp1:
0x196: {  	_ = 	snop;
	(pc) =	sbr.rel @p0 .LBB2_1-.Ltmp1, $3  }
0x197: {  	_ =	sdelay $0x1  }
0x198: {  	s31 =	simm.s32 $0x16400;
	s29 =	simm.s32 $0x10400;
	[sflag:s26] =	ssyncset.done $0x0  }
0x199: {  	s7 =	simm.s32 $0x18400;
	s8 =	simm.s32 $0x14400;
	[sflag:s26] =	ssyncadd.s32 $0xFFFFE000  }
0x19a: {  	_ =	sfence.sel $0x180000  }
0x19b: {  	[bflag:$0x0] =	sbarrier.arrive $0xFFFF  }
0x19c: {  	_ =	strace $0x90000047  }
0x19d: {  	s0 =	stileid.u32;
	[bflag:$0x2] =	sbarrier.arrive $0xFFFF  }
0x19e: {  	p0 =	sne.s32 s0, $0x0;
	s0 =	rddreg [dreg:$0x2]  }
0x19f: {  	s0 =	sadd.s32 @!p0 $0x100000, s0  }
0x1a0: {  	[sflag:s0] =	ssyncadd.tile.s32 @!p0 $0x1;
	_ =	shalt  }
.Lfunc_end2:
_tile_overlayer_lowered:
.L_overlay_start_2:
0x1a1: {  	(tag) =	ssettag $0x2  }
0x1a2: {  	s0 =	rddreg [dreg:$0x0];
	s2 =	stileid.u32  }
0x1a3: {  	s1 =	rddreg [dreg:$0x1];
	p0 =	sne.s32 s2, $0x0  }
0x1a4: {  	s3 =	rddreg [dreg:$0x2];
	[bflag:$0x3] =	sbarrier.arrive $0xFFFF;
	s2 =	simm.s32 @!p0 $0x1C05  }
0x1a5: {  	[timem:s3], [sflag:s2] =	dma.local @!p0 [hbm:s0], s1  }
0x1a6: {  	s0 =	simm.s32 @!p0 $0x5  }
0x1a7: {  	_ =	swait.ge @!p0 [sflag:s0], s1  }
0x1a8: {  	s1 =	ssub.s32 @!p0 $0x0, s1;
	[sflag:s0] =	ssyncset.done @!p0 $0x0  }
0x1a9: {  	[sflag:s0] =	ssyncadd.s32 @!p0 s1  }
0x1aa: {  	[bflag:$0x3] =	sbarrier.arrive $0xFFFF  }
0x1ab: {  	_ =	shalt  }

</sc_bundles>
